<compile_context>
chip_gen: v7x
topology: tpu7x:2x2x1
jax: 0.10.2.dev20260603
libtpu: 0.0.44.dev20260713+nightly
codegen_flags: <defaults>
</compile_context>

<pallas_src>
import functools

import jax
import jax.numpy as jnp
from jax import lax
from jax.experimental import pallas as pl
from jax.experimental.pallas import tpu as pltpu
from jax.experimental.pallas import tpu_sc as plsc

N_NODES = 10000
NUM_SEGS = 64
NUM_CORES = 2
NUM_SUBCORES = 16
NW = NUM_CORES * NUM_SUBCORES
CHUNK = 125
K_CHUNKS = 80
NBUF = 4
GROUPS = K_CHUNKS // NBUF
EDGES_PER_TILE = K_CHUNKS * CHUNK
ROWS_PER_SUBCORE = N_NODES // NUM_SUBCORES

_mesh = plsc.VectorSubcoreMesh(
    core_axis_name="c", subcore_axis_name="s",
    num_cores=NUM_CORES, num_subcores=NUM_SUBCORES)

_sc_params = pltpu.CompilerParams(needs_layout_passes=False,
                                  use_tc_tiling_on_sc=False)



@functools.partial(
    pl.kernel,
    out_type=jax.ShapeDtypeStruct((NW, N_NODES), jnp.float32),
    mesh=_mesh,
    compiler_params=_sc_params,
    scratch_types=[
        pltpu.VMEM((N_NODES,), jnp.float32),
        pltpu.VMEM((EDGES_PER_TILE,), jnp.int32),
        pltpu.SemaphoreType.DMA,
    ],
)
def _deg_kernel(dst_hbm, out_hbm, hist, dstv, dsem):
    c = lax.axis_index("c")
    s = lax.axis_index("s")
    wid = s * NUM_CORES + c

    cp = pltpu.async_copy(dst_hbm.at[wid], dstv, dsem)

    zero16 = jnp.zeros((16,), jnp.float32)

    def zero_body(i, carry):
        hist[pl.ds(i * 16, 16)] = zero16
        return carry

    lax.fori_loop(0, N_NODES // 16, zero_body, 0)

    cp.wait()

    ones16 = jnp.full((16,), 1.0, jnp.float32)

    def body(k, carry):
        idx = dstv[pl.ds(k * 16, 16)]
        plsc.addupdate_scatter(hist, [idx], ones16)
        return carry

    lax.fori_loop(0, EDGES_PER_TILE // 16, body, 0)

    pltpu.sync_copy(hist, out_hbm.at[wid])


def _make_agg(D):
    @functools.partial(
        pl.kernel,
        out_type=jax.ShapeDtypeStruct((NUM_CORES, N_NODES, D), jnp.float32),
        mesh=_mesh,
        compiler_params=_sc_params,
        scratch_types=(
            [pltpu.VMEM((NBUF, CHUNK), jnp.int32) for _ in range(4)]
            + [pltpu.VMEM((CHUNK, D), jnp.float32) for _ in range(NBUF)]
            + [pltpu.SemaphoreType.DMA for _ in range(NBUF + 3)]
            + [pltpu.VMEM_SHARED((N_NODES, D), jnp.float32),
               pltpu.VMEM_SHARED((N_NODES, D), jnp.float32)]
        ),
    )
    def agg(table_hbm, src_hbm, dst_hbm, zeros_hbm, out_hbm, *rest):
        srcg = rest[0:2]
        dstg = rest[2:4]
        rows = rest[4:4 + NBUF]
        sems = rest[4 + NBUF:4 + 2 * NBUF]
        semi = rest[4 + 2 * NBUF:6 + 2 * NBUF]
        zsem = rest[6 + 2 * NBUF]
        acc = rest[7 + 2 * NBUF]
        table_sp = rest[8 + 2 * NBUF]
        c = lax.axis_index("c")
        s = lax.axis_index("s")
        wid = s * NUM_CORES + c
        base = s * ROWS_PER_SUBCORE

        for off in range(0, ROWS_PER_SUBCORE, CHUNK):
            pltpu.async_copy(zeros_hbm, acc.at[pl.ds(base + off, CHUNK)],
                             zsem)
        pltpu.async_copy(table_hbm.at[pl.ds(base, ROWS_PER_SUBCORE)],
                         table_sp.at[pl.ds(base, ROWS_PER_SUBCORE)], zsem)

        def issue_idx(g, st):
            pltpu.async_copy(
                src_hbm.at[wid].at[pl.ds(g * NBUF, NBUF)], srcg[st], semi[st])
            pltpu.async_copy(
                dst_hbm.at[wid].at[pl.ds(g * NBUF, NBUF)], dstg[st], semi[st])

        def wait_idx(g, st):
            pltpu.make_async_copy(
                src_hbm.at[wid].at[pl.ds(g * NBUF, NBUF)], srcg[st],
                semi[st]).wait()
            pltpu.make_async_copy(
                dst_hbm.at[wid].at[pl.ds(g * NBUF, NBUF)], dstg[st],
                semi[st]).wait()

        issue_idx(0, 0)
        for off in range(0, ROWS_PER_SUBCORE, CHUNK):
            pltpu.make_async_copy(
                zeros_hbm, acc.at[pl.ds(base + off, CHUNK)], zsem).wait()
        pltpu.make_async_copy(
            table_hbm.at[pl.ds(base, ROWS_PER_SUBCORE)],
            table_sp.at[pl.ds(base, ROWS_PER_SUBCORE)], zsem).wait()
        plsc.subcore_barrier()

        def run_group(g, st):
            for b in range(NBUF):
                pltpu.async_copy(table_sp.at[srcg[st].at[b]], rows[b], sems[b])
            for b in range(NBUF):
                pltpu.make_async_copy(
                    table_sp.at[srcg[st].at[b]], rows[b], sems[b]).wait()
                pltpu.sync_copy(rows[b], acc.at[dstg[st].at[b]], add=True)

        def body(p, carry):
            wait_idx(2 * p, 0)
            issue_idx(2 * p + 1, 1)
            run_group(2 * p, 0)
            wait_idx(2 * p + 1, 1)

            @pl.when(p < GROUPS // 2 - 1)
            def _():
                issue_idx(2 * p + 2, 0)

            run_group(2 * p + 1, 1)
            return carry

        lax.fori_loop(0, GROUPS // 2, body, 0)

        plsc.subcore_barrier()
        pltpu.sync_copy(acc.at[pl.ds(base, ROWS_PER_SUBCORE)],
                        out_hbm.at[c].at[pl.ds(base, ROWS_PER_SUBCORE)])

    return agg


_agg64 = _make_agg(64)
_agg32 = _make_agg(32)



def _dense1_body(parts_ref, x_ref, w1_ref, dis_ref, h1s_ref):
    deg = jnp.sum(parts_ref[...], axis=0).reshape(N_NODES, 1) + 1.0
    dis = lax.rsqrt(deg)
    dis_ref[...] = dis
    h1 = jnp.dot(x_ref[...], w1_ref[...], preferred_element_type=jnp.float32)
    h1s_ref[...] = h1 * dis


def _dense2_body(p_ref, h1s_ref, dis_ref, b1_ref, w2_ref, h2s_ref):
    agg = p_ref[0] + p_ref[1] + h1s_ref[...]
    out1 = jnp.maximum(agg * dis_ref[...] + b1_ref[...], 0.0)
    h2 = jnp.dot(out1, w2_ref[...], preferred_element_type=jnp.float32)
    h2s_ref[...] = h2 * dis_ref[...]


def _final_body(p_ref, h2s_ref, dis_ref, b2_ref, batch_ref, wc_ref, bc_ref,
                out_ref):
    out2 = (p_ref[0] + p_ref[1] + h2s_ref[...]) * dis_ref[...] + b2_ref[...]
    g = lax.broadcasted_iota(jnp.int32, (NUM_SEGS, N_NODES), 0)
    b = jnp.broadcast_to(batch_ref[...], (NUM_SEGS, N_NODES))
    onehot = jnp.where(b == g, 1.0, 0.0)
    sums = jnp.dot(onehot, out2, preferred_element_type=jnp.float32)
    counts = jnp.sum(onehot, axis=1, keepdims=True)
    pooled = sums / jnp.maximum(counts, 1.0)
    out_ref[...] = (jnp.dot(pooled, wc_ref[...],
                            preferred_element_type=jnp.float32) + bc_ref[...])



def kernel(x, edge_index, batch, W1, b1, W2, b2, Wc, bc):
    src_p = edge_index[0].reshape(NW, K_CHUNKS, CHUNK)
    dst_p = edge_index[1].reshape(NW, K_CHUNKS, CHUNK)
    dst_flat = edge_index[1].reshape(NW, EDGES_PER_TILE)
    batch2 = batch.reshape(1, N_NODES)
    zeros64 = jnp.zeros((CHUNK, 64), jnp.float32)
    zeros32 = jnp.zeros((CHUNK, 32), jnp.float32)

    parts = _deg_kernel(dst_flat)

    dis, h1s = pl.pallas_call(
        _dense1_body,
        out_shape=(jax.ShapeDtypeStruct((N_NODES, 1), jnp.float32),
                   jax.ShapeDtypeStruct((N_NODES, 64), jnp.float32)),
    )(parts, x, W1)

    agg1 = _agg64(h1s, src_p, dst_p, zeros64)

    h2s = pl.pallas_call(
        _dense2_body,
        out_shape=jax.ShapeDtypeStruct((N_NODES, 32), jnp.float32),
    )(agg1, h1s, dis, b1.reshape(1, 64), W2)

    agg2 = _agg32(h2s, src_p, dst_p, zeros32)

    out = pl.pallas_call(
        _final_body,
        out_shape=jax.ShapeDtypeStruct((NUM_SEGS, 16), jnp.float32),
    )(agg2, h2s, dis, b2.reshape(1, 32), batch2, Wc, bc.reshape(1, 16))
    return out

# --- scband reference (transcript-rebuilt; emitter-appended) ---
"""Pipeline reference for scband-travel-gnn-33217277067461 (READ-ONLY COPY).

The authoritative reference and input builder live on the scoring server;
editing this copy changes nothing except your own understanding.
"""

import jax, jax.numpy as jnp
import numpy as np

N = 10000
E = 320000
NUM_GRAPHS = 64


def setup_inputs(seed: int = 0) -> dict:
    key = jax.random.key(seed)
    ks = jax.random.split(key, 9)
    x = jax.random.normal(ks[0], (N, 128), dtype=jnp.float32)
    edge_index = jax.random.randint(ks[1], (2, E), 0, N, dtype=jnp.int32)
    batch = jnp.sort(jax.random.randint(ks[2], (N,), 0, NUM_GRAPHS, dtype=jnp.int32))
    W1 = jax.random.normal(ks[3], (128, 64), dtype=jnp.float32) * (1.0 / np.sqrt(128))
    b1 = jnp.zeros((64,), dtype=jnp.float32)
    W2 = jax.random.normal(ks[4], (64, 32), dtype=jnp.float32) * (1.0 / np.sqrt(64))
    b2 = jnp.zeros((32,), dtype=jnp.float32)
    Wc = jax.random.normal(ks[5], (32, 16), dtype=jnp.float32) * (1.0 / np.sqrt(32))
    bc = jnp.zeros((16,), dtype=jnp.float32)
    return {"x": x, "edge_index": edge_index, "batch": batch,
            "W1": W1, "b1": b1, "W2": W2, "b2": b2, "Wc": Wc, "bc": bc}


def _gcn_conv(x, edge_index, W, b):
    # GCNConv: x' = D^{-1/2} (A + I) D^{-1/2} X W + b  (symmetric norm, self-loops)
    src = edge_index[0]
    dst = edge_index[1]
    loop = jnp.arange(N, dtype=src.dtype)
    src = jnp.concatenate([src, loop])
    dst = jnp.concatenate([dst, loop])
    deg = jax.ops.segment_sum(jnp.ones_like(dst, dtype=jnp.float32), dst, num_segments=N)
    deg_inv_sqrt = jnp.where(deg > 0, 1.0 / jnp.sqrt(jnp.maximum(deg, 1e-12)), 0.0)
    norm = deg_inv_sqrt[src] * deg_inv_sqrt[dst]
    h = x @ W
    msgs = h[src] * norm[:, None]
    out = jax.ops.segment_sum(msgs, dst, num_segments=N)
    return out + b


def reference(x, edge_index, batch, W1, b1, W2, b2, Wc, bc):
    h = jax.nn.relu(_gcn_conv(x, edge_index, W1, b1))
    h = _gcn_conv(h, edge_index, W2, b2)
    # global_mean_pool over `batch` segment ids
    sums = jax.ops.segment_sum(h, batch, num_segments=NUM_GRAPHS)
    counts = jax.ops.segment_sum(jnp.ones((N,), dtype=jnp.float32), batch, num_segments=NUM_GRAPHS)
    pooled = sums / jnp.maximum(counts, 1.0)[:, None]
    return pooled @ Wc + bc

if __name__ == "__main__":
    import jax
    _d = setup_inputs()
    print(jax.jit(kernel)(*tuple(_d.values())))

</pallas_src>

<mosaic_0001>
#map = affine_map<(d0, d1) -> (0, 0)>
#map1 = affine_map<(d0, d1) -> (0, 0, 0)>
module attributes {stable_mosaic.version = 14 : i64} {
  func.func @agg(%arg0: i32, %arg1: i32, %arg2: memref<10000x64xf32, #tpu.memory_space<hbm>>, %arg3: memref<32x80x125xi32, #tpu.memory_space<hbm>>, %arg4: memref<32x80x125xi32, #tpu.memory_space<hbm>>, %arg5: memref<125x64xf32, #tpu.memory_space<hbm>>, %arg6: memref<2x10000x64xf32, #tpu.memory_space<hbm>>, %arg7: memref<4x125xi32, #tpu.memory_space<vmem>>, %arg8: memref<4x125xi32, #tpu.memory_space<vmem>>, %arg9: memref<4x125xi32, #tpu.memory_space<vmem>>, %arg10: memref<4x125xi32, #tpu.memory_space<vmem>>, %arg11: memref<125x64xf32, #tpu.memory_space<vmem>>, %arg12: memref<125x64xf32, #tpu.memory_space<vmem>>, %arg13: memref<125x64xf32, #tpu.memory_space<vmem>>, %arg14: memref<125x64xf32, #tpu.memory_space<vmem>>, %arg15: memref<!tpu.dma_semaphore, #tpu.memory_space<semaphore_mem>>, %arg16: memref<!tpu.dma_semaphore, #tpu.memory_space<semaphore_mem>>, %arg17: memref<!tpu.dma_semaphore, #tpu.memory_space<semaphore_mem>>, %arg18: memref<!tpu.dma_semaphore, #tpu.memory_space<semaphore_mem>>, %arg19: memref<!tpu.dma_semaphore, #tpu.memory_space<semaphore_mem>>, %arg20: memref<!tpu.dma_semaphore, #tpu.memory_space<semaphore_mem>>, %arg21: memref<!tpu.dma_semaphore, #tpu.memory_space<semaphore_mem>>, %arg22: memref<10000x64xf32, #tpu.memory_space<vmem_shared>>, %arg23: memref<10000x64xf32, #tpu.memory_space<vmem_shared>>) attributes {dimension_semantics = [#tpu.dimension_semantics<core_parallel>, #tpu.dimension_semantics<subcore_parallel>], iteration_bounds = array<i64: 2, 16>, scalar_prefetch = 0 : i64, scratch_operands = 17 : i64, tpu.core_type = #tpu.core_type<sc_vector_subcore>, window_params = [{transform_indices = #map}, {transform_indices = #map1}, {transform_indices = #map1}, {transform_indices = #map}, {transform_indices = #map1}]} {
    %mul3A = arith.constant 2 : i32
    %mul3A_0 = arith.muli %arg1, %mul3A : i32
    %add3A = arith.addi %mul3A_0, %arg0 : i32
    %mul3A_1 = arith.constant 625 : i32
    %mul3A_2 = arith.muli %arg1, %mul3A_1 : i32
    %add3A_3 = arith.constant 0 : i32
    %add3A_4 = arith.addi %mul3A_2, %add3A_3 : i32
    %dma_start3A = arith.constant 0 : i32
    %dma_start3A_5 = tpu.memref_slice %arg22[%add3A_4, %dma_start3A] : memref<10000x64xf32, #tpu.memory_space<vmem_shared>> -> memref<125x64xf32, #tpu.memory_space<vmem_shared>>
    tpu.enqueue_dma source(%arg5 : memref<125x64xf32, #tpu.memory_space<hbm>>) target(%dma_start3A_5 : memref<125x64xf32, #tpu.memory_space<vmem_shared>>) target_semaphore(%arg21 : memref<!tpu.dma_semaphore, #tpu.memory_space<semaphore_mem>>)
    %add3A_6 = arith.constant 125 : i32
    %add3A_7 = arith.addi %mul3A_2, %add3A_6 : i32
    %dma_start3A_8 = arith.constant 0 : i32
    %dma_start3A_9 = tpu.memref_slice %arg22[%add3A_7, %dma_start3A_8] : memref<10000x64xf32, #tpu.memory_space<vmem_shared>> -> memref<125x64xf32, #tpu.memory_space<vmem_shared>>
    tpu.enqueue_dma source(%arg5 : memref<125x64xf32, #tpu.memory_space<hbm>>) target(%dma_start3A_9 : memref<125x64xf32, #tpu.memory_space<vmem_shared>>) target_semaphore(%arg21 : memref<!tpu.dma_semaphore, #tpu.memory_space<semaphore_mem>>)
    %add3A_10 = arith.constant 250 : i32
    %add3A_11 = arith.addi %mul3A_2, %add3A_10 : i32
    %dma_start3A_12 = arith.constant 0 : i32
    %dma_start3A_13 = tpu.memref_slice %arg22[%add3A_11, %dma_start3A_12] : memref<10000x64xf32, #tpu.memory_space<vmem_shared>> -> memref<125x64xf32, #tpu.memory_space<vmem_shared>>
    tpu.enqueue_dma source(%arg5 : memref<125x64xf32, #tpu.memory_space<hbm>>) target(%dma_start3A_13 : memref<125x64xf32, #tpu.memory_space<vmem_shared>>) target_semaphore(%arg21 : memref<!tpu.dma_semaphore, #tpu.memory_space<semaphore_mem>>)
    %add3A_14 = arith.constant 375 : i32
    %add3A_15 = arith.addi %mul3A_2, %add3A_14 : i32
    %dma_start3A_16 = arith.constant 0 : i32
    %dma_start3A_17 = tpu.memref_slice %arg22[%add3A_15, %dma_start3A_16] : memref<10000x64xf32, #tpu.memory_space<vmem_shared>> -> memref<125x64xf32, #tpu.memory_space<vmem_shared>>
    tpu.enqueue_dma source(%arg5 : memref<125x64xf32, #tpu.memory_space<hbm>>) target(%dma_start3A_17 : memref<125x64xf32, #tpu.memory_space<vmem_shared>>) target_semaphore(%arg21 : memref<!tpu.dma_semaphore, #tpu.memory_space<semaphore_mem>>)
    %add3A_18 = arith.constant 500 : i32
    %add3A_19 = arith.addi %mul3A_2, %add3A_18 : i32
    %dma_start3A_20 = arith.constant 0 : i32
    %dma_start3A_21 = tpu.memref_slice %arg22[%add3A_19, %dma_start3A_20] : memref<10000x64xf32, #tpu.memory_space<vmem_shared>> -> memref<125x64xf32, #tpu.memory_space<vmem_shared>>
    tpu.enqueue_dma source(%arg5 : memref<125x64xf32, #tpu.memory_space<hbm>>) target(%dma_start3A_21 : memref<125x64xf32, #tpu.memory_space<vmem_shared>>) target_semaphore(%arg21 : memref<!tpu.dma_semaphore, #tpu.memory_space<semaphore_mem>>)
    %dma_start3A_22 = arith.constant 0 : i32
    %dma_start3A_23 = tpu.memref_slice %arg23[%mul3A_2, %dma_start3A_22] : memref<10000x64xf32, #tpu.memory_space<vmem_shared>> -> memref<625x64xf32, #tpu.memory_space<vmem_shared>>
    %dma_start3A_24 = arith.constant 0 : i32
    %dma_start3A_25 = tpu.memref_slice %arg2[%mul3A_2, %dma_start3A_24] : memref<10000x64xf32, #tpu.memory_space<hbm>> -> memref<625x64xf32, #tpu.memory_space<hbm>>
    tpu.enqueue_dma source(%dma_start3A_25 : memref<625x64xf32, #tpu.memory_space<hbm>>) target(%dma_start3A_23 : memref<625x64xf32, #tpu.memory_space<vmem_shared>>) target_semaphore(%arg21 : memref<!tpu.dma_semaphore, #tpu.memory_space<semaphore_mem>>)
    %dma_start3A_26 = arith.constant 0 : i32
    %dma_start3A_27 = arith.constant 0 : i32
    %dma_start3A_28 = tpu.memref_slice %arg3[%add3A, %dma_start3A_26, %dma_start3A_27] : memref<32x80x125xi32, #tpu.memory_space<hbm>> -> memref<1x80x125xi32, #tpu.memory_space<hbm>>
    %dma_start3A_29 = tpu.memref_squeeze %dma_start3A_28 : memref<1x80x125xi32, #tpu.memory_space<hbm>> -> memref<80x125xi32, #tpu.memory_space<hbm>>
    %dma_start3A_30 = arith.constant 0 : i32
    %dma_start3A_31 = arith.constant 0 : i32
    %dma_start3A_32 = tpu.memref_slice %dma_start3A_29[%dma_start3A_30, %dma_start3A_31] : memref<80x125xi32, #tpu.memory_space<hbm>> -> memref<4x125xi32, #tpu.memory_space<hbm>>
    %dma_start3A_33 = arith.constant 0 : i32
    %dma_start3A_34 = arith.constant 0 : i32
    %dma_start3A_35 = tpu.memref_slice %arg3[%add3A, %dma_start3A_33, %dma_start3A_34] : memref<32x80x125xi32, #tpu.memory_space<hbm>> -> memref<1x80x125xi32, #tpu.memory_space<hbm>>
    %dma_start3A_36 = tpu.memref_squeeze %dma_start3A_35 : memref<1x80x125xi32, #tpu.memory_space<hbm>> -> memref<80x125xi32, #tpu.memory_space<hbm>>
    %dma_start3A_37 = arith.constant 0 : i32
    %dma_start3A_38 = arith.constant 0 : i32
    %dma_start3A_39 = tpu.memref_slice %dma_start3A_36[%dma_start3A_37, %dma_start3A_38] : memref<80x125xi32, #tpu.memory_space<hbm>> -> memref<4x125xi32, #tpu.memory_space<hbm>>
    tpu.enqueue_dma source(%dma_start3A_39 : memref<4x125xi32, #tpu.memory_space<hbm>>) target(%arg7 : memref<4x125xi32, #tpu.memory_space<vmem>>) target_semaphore(%arg19 : memref<!tpu.dma_semaphore, #tpu.memory_space<semaphore_mem>>)
    %dma_start3A_40 = arith.constant 0 : i32
    %dma_start3A_41 = arith.constant 0 : i32
    %dma_start3A_42 = tpu.memref_slice %arg4[%add3A, %dma_start3A_40, %dma_start3A_41] : memref<32x80x125xi32, #tpu.memory_space<hbm>> -> memref<1x80x125xi32, #tpu.memory_space<hbm>>
    %dma_start3A_43 = tpu.memref_squeeze %dma_start3A_42 : memref<1x80x125xi32, #tpu.memory_space<hbm>> -> memref<80x125xi32, #tpu.memory_space<hbm>>
    %dma_start3A_44 = arith.constant 0 : i32
    %dma_start3A_45 = arith.constant 0 : i32
    %dma_start3A_46 = tpu.memref_slice %dma_start3A_43[%dma_start3A_44, %dma_start3A_45] : memref<80x125xi32, #tpu.memory_space<hbm>> -> memref<4x125xi32, #tpu.memory_space<hbm>>
    %dma_start3A_47 = arith.constant 0 : i32
    %dma_start3A_48 = arith.constant 0 : i32
    %dma_start3A_49 = tpu.memref_slice %arg4[%add3A, %dma_start3A_47, %dma_start3A_48] : memref<32x80x125xi32, #tpu.memory_space<hbm>> -> memref<1x80x125xi32, #tpu.memory_space<hbm>>
    %dma_start3A_50 = tpu.memref_squeeze %dma_start3A_49 : memref<1x80x125xi32, #tpu.memory_space<hbm>> -> memref<80x125xi32, #tpu.memory_space<hbm>>
    %dma_start3A_51 = arith.constant 0 : i32
    %dma_start3A_52 = arith.constant 0 : i32
    %dma_start3A_53 = tpu.memref_slice %dma_start3A_50[%dma_start3A_51, %dma_start3A_52] : memref<80x125xi32, #tpu.memory_space<hbm>> -> memref<4x125xi32, #tpu.memory_space<hbm>>
    tpu.enqueue_dma source(%dma_start3A_53 : memref<4x125xi32, #tpu.memory_space<hbm>>) target(%arg9 : memref<4x125xi32, #tpu.memory_space<vmem>>) target_semaphore(%arg19 : memref<!tpu.dma_semaphore, #tpu.memory_space<semaphore_mem>>)
    %add3A_54 = arith.constant 0 : i32
    %add3A_55 = arith.addi %mul3A_2, %add3A_54 : i32
    %dma_wait3A = arith.constant 0 : i32
    %dma_wait3A_56 = tpu.memref_slice %arg22[%add3A_55, %dma_wait3A] : memref<10000x64xf32, #tpu.memory_space<vmem_shared>> -> memref<125x64xf32, #tpu.memory_space<vmem_shared>>
    tpu.wait_dma2 semaphore(%arg21 : memref<!tpu.dma_semaphore, #tpu.memory_space<semaphore_mem>>) src(%arg5 : memref<125x64xf32, #tpu.memory_space<hbm>>) dst(%dma_wait3A_56 : memref<125x64xf32, #tpu.memory_space<vmem_shared>>)
    %add3A_57 = arith.constant 125 : i32
    %add3A_58 = arith.addi %mul3A_2, %add3A_57 : i32
    %dma_wait3A_59 = arith.constant 0 : i32
    %dma_wait3A_60 = tpu.memref_slice %arg22[%add3A_58, %dma_wait3A_59] : memref<10000x64xf32, #tpu.memory_space<vmem_shared>> -> memref<125x64xf32, #tpu.memory_space<vmem_shared>>
    tpu.wait_dma2 semaphore(%arg21 : memref<!tpu.dma_semaphore, #tpu.memory_space<semaphore_mem>>) src(%arg5 : memref<125x64xf32, #tpu.memory_space<hbm>>) dst(%dma_wait3A_60 : memref<125x64xf32, #tpu.memory_space<vmem_shared>>)
    %add3A_61 = arith.constant 250 : i32
    %add3A_62 = arith.addi %mul3A_2, %add3A_61 : i32
    %dma_wait3A_63 = arith.constant 0 : i32
    %dma_wait3A_64 = tpu.memref_slice %arg22[%add3A_62, %dma_wait3A_63] : memref<10000x64xf32, #tpu.memory_space<vmem_shared>> -> memref<125x64xf32, #tpu.memory_space<vmem_shared>>
    tpu.wait_dma2 semaphore(%arg21 : memref<!tpu.dma_semaphore, #tpu.memory_space<semaphore_mem>>) src(%arg5 : memref<125x64xf32, #tpu.memory_space<hbm>>) dst(%dma_wait3A_64 : memref<125x64xf32, #tpu.memory_space<vmem_shared>>)
    %add3A_65 = arith.constant 375 : i32
    %add3A_66 = arith.addi %mul3A_2, %add3A_65 : i32
    %dma_wait3A_67 = arith.constant 0 : i32
    %dma_wait3A_68 = tpu.memref_slice %arg22[%add3A_66, %dma_wait3A_67] : memref<10000x64xf32, #tpu.memory_space<vmem_shared>> -> memref<125x64xf32, #tpu.memory_space<vmem_shared>>
    tpu.wait_dma2 semaphore(%arg21 : memref<!tpu.dma_semaphore, #tpu.memory_space<semaphore_mem>>) src(%arg5 : memref<125x64xf32, #tpu.memory_space<hbm>>) dst(%dma_wait3A_68 : memref<125x64xf32, #tpu.memory_space<vmem_shared>>)
    %add3A_69 = arith.constant 500 : i32
    %add3A_70 = arith.addi %mul3A_2, %add3A_69 : i32
    %dma_wait3A_71 = arith.constant 0 : i32
    %dma_wait3A_72 = tpu.memref_slice %arg22[%add3A_70, %dma_wait3A_71] : memref<10000x64xf32, #tpu.memory_space<vmem_shared>> -> memref<125x64xf32, #tpu.memory_space<vmem_shared>>
    tpu.wait_dma2 semaphore(%arg21 : memref<!tpu.dma_semaphore, #tpu.memory_space<semaphore_mem>>) src(%arg5 : memref<125x64xf32, #tpu.memory_space<hbm>>) dst(%dma_wait3A_72 : memref<125x64xf32, #tpu.memory_space<vmem_shared>>)
    %dma_wait3A_73 = arith.constant 0 : i32
    %dma_wait3A_74 = tpu.memref_slice %arg23[%mul3A_2, %dma_wait3A_73] : memref<10000x64xf32, #tpu.memory_space<vmem_shared>> -> memref<625x64xf32, #tpu.memory_space<vmem_shared>>
    %dma_wait3A_75 = arith.constant 0 : i32
    %dma_wait3A_76 = tpu.memref_slice %arg2[%mul3A_2, %dma_wait3A_75] : memref<10000x64xf32, #tpu.memory_space<hbm>> -> memref<625x64xf32, #tpu.memory_space<hbm>>
    tpu.wait_dma2 semaphore(%arg21 : memref<!tpu.dma_semaphore, #tpu.memory_space<semaphore_mem>>) src(%dma_wait3A_76 : memref<625x64xf32, #tpu.memory_space<hbm>>) dst(%dma_wait3A_74 : memref<625x64xf32, #tpu.memory_space<vmem_shared>>)
    %barrier3A = arith.constant 0 : index
    tpu.barrier barrier_id(%barrier3A)
    %scan3A = arith.constant 0 : i32
    %scan3A_77 = arith.constant 0 : i32
    %scan3A_78 = arith.constant 10 : i32
    %scan3A_79 = arith.addi %scan3A_77, %scan3A_78 : i32
    %scan3A_80 = arith.constant 1 : i32
    scf.for %scan3A_83 = %scan3A_77 to %scan3A_79 step %scan3A_80  : i32 {
      %mul3A_84 = arith.constant 2 : i32
      %mul3A_85 = arith.muli %mul3A_84, %scan3A_83 : i32
      %mul3A_86 = arith.constant 4 : i32
      %mul3A_87 = arith.muli %mul3A_85, %mul3A_86 : i32
      %dma_wait3A_88 = arith.constant 0 : i32
      %dma_wait3A_89 = arith.constant 0 : i32
      %dma_wait3A_90 = tpu.memref_slice %arg3[%add3A, %dma_wait3A_88, %dma_wait3A_89] : memref<32x80x125xi32, #tpu.memory_space<hbm>> -> memref<1x80x125xi32, #tpu.memory_space<hbm>>
      %dma_wait3A_91 = tpu.memref_squeeze %dma_wait3A_90 : memref<1x80x125xi32, #tpu.memory_space<hbm>> -> memref<80x125xi32, #tpu.memory_space<hbm>>
      %dma_wait3A_92 = arith.constant 0 : i32
      %dma_wait3A_93 = tpu.memref_slice %dma_wait3A_91[%mul3A_87, %dma_wait3A_92] : memref<80x125xi32, #tpu.memory_space<hbm>> -> memref<4x125xi32, #tpu.memory_space<hbm>>
      %dma_wait3A_94 = arith.constant 0 : i32
      %dma_wait3A_95 = arith.constant 0 : i32
      %dma_wait3A_96 = tpu.memref_slice %arg3[%add3A, %dma_wait3A_94, %dma_wait3A_95] : memref<32x80x125xi32, #tpu.memory_space<hbm>> -> memref<1x80x125xi32, #tpu.memory_space<hbm>>
      %dma_wait3A_97 = tpu.memref_squeeze %dma_wait3A_96 : memref<1x80x125xi32, #tpu.memory_space<hbm>> -> memref<80x125xi32, #tpu.memory_space<hbm>>
      %dma_wait3A_98 = arith.constant 0 : i32
      %dma_wait3A_99 = tpu.memref_slice %dma_wait3A_97[%mul3A_87, %dma_wait3A_98] : memref<80x125xi32, #tpu.memory_space<hbm>> -> memref<4x125xi32, #tpu.memory_space<hbm>>
      tpu.wait_dma2 semaphore(%arg19 : memref<!tpu.dma_semaphore, #tpu.memory_space<semaphore_mem>>) src(%dma_wait3A_99 : memref<4x125xi32, #tpu.memory_space<hbm>>) dst(%arg7 : memref<4x125xi32, #tpu.memory_space<vmem>>)
      %mul3A_100 = arith.constant 4 : i32
      %mul3A_101 = arith.muli %mul3A_85, %mul3A_100 : i32
      %dma_wait3A_102 = arith.constant 0 : i32
      %dma_wait3A_103 = arith.constant 0 : i32
      %dma_wait3A_104 = tpu.memref_slice %arg4[%add3A, %dma_wait3A_102, %dma_wait3A_103] : memref<32x80x125xi32, #tpu.memory_space<hbm>> -> memref<1x80x125xi32, #tpu.memory_space<hbm>>
      %dma_wait3A_105 = tpu.memref_squeeze %dma_wait3A_104 : memref<1x80x125xi32, #tpu.memory_space<hbm>> -> memref<80x125xi32, #tpu.memory_space<hbm>>
      %dma_wait3A_106 = arith.constant 0 : i32
      %dma_wait3A_107 = tpu.memref_slice %dma_wait3A_105[%mul3A_101, %dma_wait3A_106] : memref<80x125xi32, #tpu.memory_space<hbm>> -> memref<4x125xi32, #tpu.memory_space<hbm>>
      %dma_wait3A_108 = arith.constant 0 : i32
      %dma_wait3A_109 = arith.constant 0 : i32
      %dma_wait3A_110 = tpu.memref_slice %arg4[%add3A, %dma_wait3A_108, %dma_wait3A_109] : memref<32x80x125xi32, #tpu.memory_space<hbm>> -> memref<1x80x125xi32, #tpu.memory_space<hbm>>
      %dma_wait3A_111 = tpu.memref_squeeze %dma_wait3A_110 : memref<1x80x125xi32, #tpu.memory_space<hbm>> -> memref<80x125xi32, #tpu.memory_space<hbm>>
      %dma_wait3A_112 = arith.constant 0 : i32
      %dma_wait3A_113 = tpu.memref_slice %dma_wait3A_111[%mul3A_101, %dma_wait3A_112] : memref<80x125xi32, #tpu.memory_space<hbm>> -> memref<4x125xi32, #tpu.memory_space<hbm>>
      tpu.wait_dma2 semaphore(%arg19 : memref<!tpu.dma_semaphore, #tpu.memory_space<semaphore_mem>>) src(%dma_wait3A_113 : memref<4x125xi32, #tpu.memory_space<hbm>>) dst(%arg9 : memref<4x125xi32, #tpu.memory_space<vmem>>)
      %mul3A_114 = arith.constant 2 : i32
      %mul3A_115 = arith.muli %mul3A_114, %scan3A_83 : i32
      %add3A_116 = arith.constant 1 : i32
      %add3A_117 = arith.addi %mul3A_115, %add3A_116 : i32
      %mul3A_118 = arith.constant 4 : i32
      %mul3A_119 = arith.muli %add3A_117, %mul3A_118 : i32
      %dma_start3A_120 = arith.constant 0 : i32
      %dma_start3A_121 = arith.constant 0 : i32
      %dma_start3A_122 = tpu.memref_slice %arg3[%add3A, %dma_start3A_120, %dma_start3A_121] : memref<32x80x125xi32, #tpu.memory_space<hbm>> -> memref<1x80x125xi32, #tpu.memory_space<hbm>>
      %dma_start3A_123 = tpu.memref_squeeze %dma_start3A_122 : memref<1x80x125xi32, #tpu.memory_space<hbm>> -> memref<80x125xi32, #tpu.memory_space<hbm>>
      %dma_start3A_124 = arith.constant 0 : i32
      %dma_start3A_125 = tpu.memref_slice %dma_start3A_123[%mul3A_119, %dma_start3A_124] : memref<80x125xi32, #tpu.memory_space<hbm>> -> memref<4x125xi32, #tpu.memory_space<hbm>>
      %dma_start3A_126 = arith.constant 0 : i32
      %dma_start3A_127 = arith.constant 0 : i32
      %dma_start3A_128 = tpu.memref_slice %arg3[%add3A, %dma_start3A_126, %dma_start3A_127] : memref<32x80x125xi32, #tpu.memory_space<hbm>> -> memref<1x80x125xi32, #tpu.memory_space<hbm>>
      %dma_start3A_129 = tpu.memref_squeeze %dma_start3A_128 : memref<1x80x125xi32, #tpu.memory_space<hbm>> -> memref<80x125xi32, #tpu.memory_space<hbm>>
      %dma_start3A_130 = arith.constant 0 : i32
      %dma_start3A_131 = tpu.memref_slice %dma_start3A_129[%mul3A_119, %dma_start3A_130] : memref<80x125xi32, #tpu.memory_space<hbm>> -> memref<4x125xi32, #tpu.memory_space<hbm>>
      tpu.enqueue_dma source(%dma_start3A_131 : memref<4x125xi32, #tpu.memory_space<hbm>>) target(%arg8 : memref<4x125xi32, #tpu.memory_space<vmem>>) target_semaphore(%arg20 : memref<!tpu.dma_semaphore, #tpu.memory_space<semaphore_mem>>)
      %mul3A_132 = arith.constant 4 : i32
      %mul3A_133 = arith.muli %add3A_117, %mul3A_132 : i32
      %dma_start3A_134 = arith.constant 0 : i32
      %dma_start3A_135 = arith.constant 0 : i32
      %dma_start3A_136 = tpu.memref_slice %arg4[%add3A, %dma_start3A_134, %dma_start3A_135] : memref<32x80x125xi32, #tpu.memory_space<hbm>> -> memref<1x80x125xi32, #tpu.memory_space<hbm>>
      %dma_start3A_137 = tpu.memref_squeeze %dma_start3A_136 : memref<1x80x125xi32, #tpu.memory_space<hbm>> -> memref<80x125xi32, #tpu.memory_space<hbm>>
      %dma_start3A_138 = arith.constant 0 : i32
      %dma_start3A_139 = tpu.memref_slice %dma_start3A_137[%mul3A_133, %dma_start3A_138] : memref<80x125xi32, #tpu.memory_space<hbm>> -> memref<4x125xi32, #tpu.memory_space<hbm>>
      %dma_start3A_140 = arith.constant 0 : i32
      %dma_start3A_141 = arith.constant 0 : i32
      %dma_start3A_142 = tpu.memref_slice %arg4[%add3A, %dma_start3A_140, %dma_start3A_141] : memref<32x80x125xi32, #tpu.memory_space<hbm>> -> memref<1x80x125xi32, #tpu.memory_space<hbm>>
      %dma_start3A_143 = tpu.memref_squeeze %dma_start3A_142 : memref<1x80x125xi32, #tpu.memory_space<hbm>> -> memref<80x125xi32, #tpu.memory_space<hbm>>
      %dma_start3A_144 = arith.constant 0 : i32
      %dma_start3A_145 = tpu.memref_slice %dma_start3A_143[%mul3A_133, %dma_start3A_144] : memref<80x125xi32, #tpu.memory_space<hbm>> -> memref<4x125xi32, #tpu.memory_space<hbm>>
      tpu.enqueue_dma source(%dma_start3A_145 : memref<4x125xi32, #tpu.memory_space<hbm>>) target(%arg10 : memref<4x125xi32, #tpu.memory_space<vmem>>) target_semaphore(%arg20 : memref<!tpu.dma_semaphore, #tpu.memory_space<semaphore_mem>>)
      %mul3A_146 = arith.constant 2 : i32
      %mul3A_147 = arith.muli %mul3A_146, %scan3A_83 : i32
      %dma_start3A_148 = arith.constant 0 : i32
      %dma_start3A_149 = arith.constant 0 : i32
      %dma_start3A_150 = tpu.memref_slice %arg7[%dma_start3A_148, %dma_start3A_149] : memref<4x125xi32, #tpu.memory_space<vmem>> -> memref<1x125xi32, #tpu.memory_space<vmem>>
      %dma_start3A_151 = tpu.memref_squeeze %dma_start3A_150 : memref<1x125xi32, #tpu.memory_space<vmem>> -> memref<125xi32, #tpu.memory_space<vmem>>
      %dma_start3A_152 = arith.constant 0 : i32
      %dma_start3A_153 = arith.constant 0 : i32
      %dma_start3A_154 = tpu.memref_slice %arg23[%dma_start3A_152, %dma_start3A_153] : memref<10000x64xf32, #tpu.memory_space<vmem_shared>> -> memref<10000x64xf32, #tpu.memory_space<vmem_shared>>
      tpu.enqueue_indirect_dma source(%dma_start3A_154 : memref<10000x64xf32, #tpu.memory_space<vmem_shared>>) target(%arg11 : memref<125x64xf32, #tpu.memory_space<vmem>>) offsets(%dma_start3A_151 : memref<125xi32, #tpu.memory_space<vmem>>) semaphore(%arg15 : memref<!tpu.dma_semaphore, #tpu.memory_space<semaphore_mem>>)
      %dma_start3A_155 = arith.constant 1 : i32
      %dma_start3A_156 = arith.constant 0 : i32
      %dma_start3A_157 = tpu.memref_slice %arg7[%dma_start3A_155, %dma_start3A_156] : memref<4x125xi32, #tpu.memory_space<vmem>> -> memref<1x125xi32, #tpu.memory_space<vmem>>
      %dma_start3A_158 = tpu.memref_squeeze %dma_start3A_157 : memref<1x125xi32, #tpu.memory_space<vmem>> -> memref<125xi32, #tpu.memory_space<vmem>>
      %dma_start3A_159 = arith.constant 0 : i32
      %dma_start3A_160 = arith.constant 0 : i32
      %dma_start3A_161 = tpu.memref_slice %arg23[%dma_start3A_159, %dma_start3A_160] : memref<10000x64xf32, #tpu.memory_space<vmem_shared>> -> memref<10000x64xf32, #tpu.memory_space<vmem_shared>>
      tpu.enqueue_indirect_dma source(%dma_start3A_161 : memref<10000x64xf32, #tpu.memory_space<vmem_shared>>) target(%arg12 : memref<125x64xf32, #tpu.memory_space<vmem>>) offsets(%dma_start3A_158 : memref<125xi32, #tpu.memory_space<vmem>>) semaphore(%arg16 : memref<!tpu.dma_semaphore, #tpu.memory_space<semaphore_mem>>)
      %dma_start3A_162 = arith.constant 2 : i32
      %dma_start3A_163 = arith.constant 0 : i32
      %dma_start3A_164 = tpu.memref_slice %arg7[%dma_start3A_162, %dma_start3A_163] : memref<4x125xi32, #tpu.memory_space<vmem>> -> memref<1x125xi32, #tpu.memory_space<vmem>>
      %dma_start3A_165 = tpu.memref_squeeze %dma_start3A_164 : memref<1x125xi32, #tpu.memory_space<vmem>> -> memref<125xi32, #tpu.memory_space<vmem>>
      %dma_start3A_166 = arith.constant 0 : i32
      %dma_start3A_167 = arith.constant 0 : i32
      %dma_start3A_168 = tpu.memref_slice %arg23[%dma_start3A_166, %dma_start3A_167] : memref<10000x64xf32, #tpu.memory_space<vmem_shared>> -> memref<10000x64xf32, #tpu.memory_space<vmem_shared>>
      tpu.enqueue_indirect_dma source(%dma_start3A_168 : memref<10000x64xf32, #tpu.memory_space<vmem_shared>>) target(%arg13 : memref<125x64xf32, #tpu.memory_space<vmem>>) offsets(%dma_start3A_165 : memref<125xi32, #tpu.memory_space<vmem>>) semaphore(%arg17 : memref<!tpu.dma_semaphore, #tpu.memory_space<semaphore_mem>>)
      %dma_start3A_169 = arith.constant 3 : i32
      %dma_start3A_170 = arith.constant 0 : i32
      %dma_start3A_171 = tpu.memref_slice %arg7[%dma_start3A_169, %dma_start3A_170] : memref<4x125xi32, #tpu.memory_space<vmem>> -> memref<1x125xi32, #tpu.memory_space<vmem>>
      %dma_start3A_172 = tpu.memref_squeeze %dma_start3A_171 : memref<1x125xi32, #tpu.memory_space<vmem>> -> memref<125xi32, #tpu.memory_space<vmem>>
      %dma_start3A_173 = arith.constant 0 : i32
      %dma_start3A_174 = arith.constant 0 : i32
      %dma_start3A_175 = tpu.memref_slice %arg23[%dma_start3A_173, %dma_start3A_174] : memref<10000x64xf32, #tpu.memory_space<vmem_shared>> -> memref<10000x64xf32, #tpu.memory_space<vmem_shared>>
      tpu.enqueue_indirect_dma source(%dma_start3A_175 : memref<10000x64xf32, #tpu.memory_space<vmem_shared>>) target(%arg14 : memref<125x64xf32, #tpu.memory_space<vmem>>) offsets(%dma_start3A_172 : memref<125xi32, #tpu.memory_space<vmem>>) semaphore(%arg18 : memref<!tpu.dma_semaphore, #tpu.memory_space<semaphore_mem>>)
      %dma_wait3A_176 = arith.constant 0 : i32
      %dma_wait3A_177 = arith.constant 0 : i32
      %dma_wait3A_178 = tpu.memref_slice %arg7[%dma_wait3A_176, %dma_wait3A_177] : memref<4x125xi32, #tpu.memory_space<vmem>> -> memref<1x125xi32, #tpu.memory_space<vmem>>
      %dma_wait3A_179 = tpu.memref_squeeze %dma_wait3A_178 : memref<1x125xi32, #tpu.memory_space<vmem>> -> memref<125xi32, #tpu.memory_space<vmem>>
      %dma_wait3A_180 = arith.constant 0 : i32
      %dma_wait3A_181 = arith.constant 0 : i32
      %dma_wait3A_182 = tpu.memref_slice %arg23[%dma_wait3A_180, %dma_wait3A_181] : memref<10000x64xf32, #tpu.memory_space<vmem_shared>> -> memref<10000x64xf32, #tpu.memory_space<vmem_shared>>
      tpu.wait_indirect_dma semaphore(%arg15 : memref<!tpu.dma_semaphore, #tpu.memory_space<semaphore_mem>>) src(%dma_wait3A_182 : memref<10000x64xf32, #tpu.memory_space<vmem_shared>>) dst(%arg11 : memref<125x64xf32, #tpu.memory_space<vmem>>)
      %run_scoped3A = arith.constant 0 : i32
      "tpu.region"() ({
        %run_scoped3A_305 = tpu.sem_alloc : memref<!tpu.dma_semaphore, #tpu.memory_space<semaphore_mem>>
        %dma_start3A_306 = arith.constant 0 : i32
        %dma_start3A_307 = tpu.memref_slice %arg9[%run_scoped3A, %dma_start3A_306] : memref<4x125xi32, #tpu.memory_space<vmem>> -> memref<1x125xi32, #tpu.memory_space<vmem>>
        %dma_start3A_308 = tpu.memref_squeeze %dma_start3A_307 : memref<1x125xi32, #tpu.memory_space<vmem>> -> memref<125xi32, #tpu.memory_space<vmem>>
        %dma_start3A_309 = arith.constant 0 : i32
        %dma_start3A_310 = arith.constant 0 : i32
        %dma_start3A_311 = tpu.memref_slice %arg22[%dma_start3A_309, %dma_start3A_310] : memref<10000x64xf32, #tpu.memory_space<vmem_shared>> -> memref<10000x64xf32, #tpu.memory_space<vmem_shared>>
        tpu.enqueue_indirect_dma source(%arg11 : memref<125x64xf32, #tpu.memory_space<vmem>>) target(%dma_start3A_311 : memref<10000x64xf32, #tpu.memory_space<vmem_shared>>) offsets(%dma_start3A_308 : memref<125xi32, #tpu.memory_space<vmem>>) semaphore(%run_scoped3A_305 : memref<!tpu.dma_semaphore, #tpu.memory_space<semaphore_mem>>) {add = true}
        %dma_wait3A_312 = arith.constant 0 : i32
        %dma_wait3A_313 = tpu.memref_slice %arg9[%run_scoped3A, %dma_wait3A_312] : memref<4x125xi32, #tpu.memory_space<vmem>> -> memref<1x125xi32, #tpu.memory_space<vmem>>
        %dma_wait3A_314 = tpu.memref_squeeze %dma_wait3A_313 : memref<1x125xi32, #tpu.memory_space<vmem>> -> memref<125xi32, #tpu.memory_space<vmem>>
        %dma_wait3A_315 = arith.constant 0 : i32
        %dma_wait3A_316 = arith.constant 0 : i32
        %dma_wait3A_317 = tpu.memref_slice %arg22[%dma_wait3A_315, %dma_wait3A_316] : memref<10000x64xf32, #tpu.memory_space<vmem_shared>> -> memref<10000x64xf32, #tpu.memory_space<vmem_shared>>
        tpu.wait_indirect_dma semaphore(%run_scoped3A_305 : memref<!tpu.dma_semaphore, #tpu.memory_space<semaphore_mem>>) src(%arg11 : memref<125x64xf32, #tpu.memory_space<vmem>>) dst(%dma_wait3A_317 : memref<10000x64xf32, #tpu.memory_space<vmem_shared>>)
        tpu.yield
      }) : () -> ()
      %dma_wait3A_183 = arith.constant 1 : i32
      %dma_wait3A_184 = arith.constant 0 : i32
      %dma_wait3A_185 = tpu.memref_slice %arg7[%dma_wait3A_183, %dma_wait3A_184] : memref<4x125xi32, #tpu.memory_space<vmem>> -> memref<1x125xi32, #tpu.memory_space<vmem>>
      %dma_wait3A_186 = tpu.memref_squeeze %dma_wait3A_185 : memref<1x125xi32, #tpu.memory_space<vmem>> -> memref<125xi32, #tpu.memory_space<vmem>>
      %dma_wait3A_187 = arith.constant 0 : i32
      %dma_wait3A_188 = arith.constant 0 : i32
      %dma_wait3A_189 = tpu.memref_slice %arg23[%dma_wait3A_187, %dma_wait3A_188] : memref<10000x64xf32, #tpu.memory_space<vmem_shared>> -> memref<10000x64xf32, #tpu.memory_space<vmem_shared>>
      tpu.wait_indirect_dma semaphore(%arg16 : memref<!tpu.dma_semaphore, #tpu.memory_space<semaphore_mem>>) src(%dma_wait3A_189 : memref<10000x64xf32, #tpu.memory_space<vmem_shared>>) dst(%arg12 : memref<125x64xf32, #tpu.memory_space<vmem>>)
      %run_scoped3A_190 = arith.constant 1 : i32
      "tpu.region"() ({
        %run_scoped3A_305 = tpu.sem_alloc : memref<!tpu.dma_semaphore, #tpu.memory_space<semaphore_mem>>
        %dma_start3A_306 = arith.constant 0 : i32
        %dma_start3A_307 = tpu.memref_slice %arg9[%run_scoped3A_190, %dma_start3A_306] : memref<4x125xi32, #tpu.memory_space<vmem>> -> memref<1x125xi32, #tpu.memory_space<vmem>>
        %dma_start3A_308 = tpu.memref_squeeze %dma_start3A_307 : memref<1x125xi32, #tpu.memory_space<vmem>> -> memref<125xi32, #tpu.memory_space<vmem>>
        %dma_start3A_309 = arith.constant 0 : i32
        %dma_start3A_310 = arith.constant 0 : i32
        %dma_start3A_311 = tpu.memref_slice %arg22[%dma_start3A_309, %dma_start3A_310] : memref<10000x64xf32, #tpu.memory_space<vmem_shared>> -> memref<10000x64xf32, #tpu.memory_space<vmem_shared>>
        tpu.enqueue_indirect_dma source(%arg12 : memref<125x64xf32, #tpu.memory_space<vmem>>) target(%dma_start3A_311 : memref<10000x64xf32, #tpu.memory_space<vmem_shared>>) offsets(%dma_start3A_308 : memref<125xi32, #tpu.memory_space<vmem>>) semaphore(%run_scoped3A_305 : memref<!tpu.dma_semaphore, #tpu.memory_space<semaphore_mem>>) {add = true}
        %dma_wait3A_312 = arith.constant 0 : i32
        %dma_wait3A_313 = tpu.memref_slice %arg9[%run_scoped3A_190, %dma_wait3A_312] : memref<4x125xi32, #tpu.memory_space<vmem>> -> memref<1x125xi32, #tpu.memory_space<vmem>>
        %dma_wait3A_314 = tpu.memref_squeeze %dma_wait3A_313 : memref<1x125xi32, #tpu.memory_space<vmem>> -> memref<125xi32, #tpu.memory_space<vmem>>
        %dma_wait3A_315 = arith.constant 0 : i32
        %dma_wait3A_316 = arith.constant 0 : i32
        %dma_wait3A_317 = tpu.memref_slice %arg22[%dma_wait3A_315, %dma_wait3A_316] : memref<10000x64xf32, #tpu.memory_space<vmem_shared>> -> memref<10000x64xf32, #tpu.memory_space<vmem_shared>>
        tpu.wait_indirect_dma semaphore(%run_scoped3A_305 : memref<!tpu.dma_semaphore, #tpu.memory_space<semaphore_mem>>) src(%arg12 : memref<125x64xf32, #tpu.memory_space<vmem>>) dst(%dma_wait3A_317 : memref<10000x64xf32, #tpu.memory_space<vmem_shared>>)
        tpu.yield
      }) : () -> ()
      %dma_wait3A_191 = arith.constant 2 : i32
      %dma_wait3A_192 = arith.constant 0 : i32
      %dma_wait3A_193 = tpu.memref_slice %arg7[%dma_wait3A_191, %dma_wait3A_192] : memref<4x125xi32, #tpu.memory_space<vmem>> -> memref<1x125xi32, #tpu.memory_space<vmem>>
      %dma_wait3A_194 = tpu.memref_squeeze %dma_wait3A_193 : memref<1x125xi32, #tpu.memory_space<vmem>> -> memref<125xi32, #tpu.memory_space<vmem>>
      %dma_wait3A_195 = arith.constant 0 : i32
      %dma_wait3A_196 = arith.constant 0 : i32
      %dma_wait3A_197 = tpu.memref_slice %arg23[%dma_wait3A_195, %dma_wait3A_196] : memref<10000x64xf32, #tpu.memory_space<vmem_shared>> -> memref<10000x64xf32, #tpu.memory_space<vmem_shared>>
      tpu.wait_indirect_dma semaphore(%arg17 : memref<!tpu.dma_semaphore, #tpu.memory_space<semaphore_mem>>) src(%dma_wait3A_197 : memref<10000x64xf32, #tpu.memory_space<vmem_shared>>) dst(%arg13 : memref<125x64xf32, #tpu.memory_space<vmem>>)
      %run_scoped3A_198 = arith.constant 2 : i32
      "tpu.region"() ({
        %run_scoped3A_305 = tpu.sem_alloc : memref<!tpu.dma_semaphore, #tpu.memory_space<semaphore_mem>>
        %dma_start3A_306 = arith.constant 0 : i32
        %dma_start3A_307 = tpu.memref_slice %arg9[%run_scoped3A_198, %dma_start3A_306] : memref<4x125xi32, #tpu.memory_space<vmem>> -> memref<1x125xi32, #tpu.memory_space<vmem>>
        %dma_start3A_308 = tpu.memref_squeeze %dma_start3A_307 : memref<1x125xi32, #tpu.memory_space<vmem>> -> memref<125xi32, #tpu.memory_space<vmem>>
        %dma_start3A_309 = arith.constant 0 : i32
        %dma_start3A_310 = arith.constant 0 : i32
        %dma_start3A_311 = tpu.memref_slice %arg22[%dma_start3A_309, %dma_start3A_310] : memref<10000x64xf32, #tpu.memory_space<vmem_shared>> -> memref<10000x64xf32, #tpu.memory_space<vmem_shared>>
        tpu.enqueue_indirect_dma source(%arg13 : memref<125x64xf32, #tpu.memory_space<vmem>>) target(%dma_start3A_311 : memref<10000x64xf32, #tpu.memory_space<vmem_shared>>) offsets(%dma_start3A_308 : memref<125xi32, #tpu.memory_space<vmem>>) semaphore(%run_scoped3A_305 : memref<!tpu.dma_semaphore, #tpu.memory_space<semaphore_mem>>) {add = true}
        %dma_wait3A_312 = arith.constant 0 : i32
        %dma_wait3A_313 = tpu.memref_slice %arg9[%run_scoped3A_198, %dma_wait3A_312] : memref<4x125xi32, #tpu.memory_space<vmem>> -> memref<1x125xi32, #tpu.memory_space<vmem>>
        %dma_wait3A_314 = tpu.memref_squeeze %dma_wait3A_313 : memref<1x125xi32, #tpu.memory_space<vmem>> -> memref<125xi32, #tpu.memory_space<vmem>>
        %dma_wait3A_315 = arith.constant 0 : i32
        %dma_wait3A_316 = arith.constant 0 : i32
        %dma_wait3A_317 = tpu.memref_slice %arg22[%dma_wait3A_315, %dma_wait3A_316] : memref<10000x64xf32, #tpu.memory_space<vmem_shared>> -> memref<10000x64xf32, #tpu.memory_space<vmem_shared>>
        tpu.wait_indirect_dma semaphore(%run_scoped3A_305 : memref<!tpu.dma_semaphore, #tpu.memory_space<semaphore_mem>>) src(%arg13 : memref<125x64xf32, #tpu.memory_space<vmem>>) dst(%dma_wait3A_317 : memref<10000x64xf32, #tpu.memory_space<vmem_shared>>)
        tpu.yield
      }) : () -> ()
      %dma_wait3A_199 = arith.constant 3 : i32
      %dma_wait3A_200 = arith.constant 0 : i32
      %dma_wait3A_201 = tpu.memref_slice %arg7[%dma_wait3A_199, %dma_wait3A_200] : memref<4x125xi32, #tpu.memory_space<vmem>> -> memref<1x125xi32, #tpu.memory_space<vmem>>
      %dma_wait3A_202 = tpu.memref_squeeze %dma_wait3A_201 : memref<1x125xi32, #tpu.memory_space<vmem>> -> memref<125xi32, #tpu.memory_space<vmem>>
      %dma_wait3A_203 = arith.constant 0 : i32
      %dma_wait3A_204 = arith.constant 0 : i32
      %dma_wait3A_205 = tpu.memref_slice %arg23[%dma_wait3A_203, %dma_wait3A_204] : memref<10000x64xf32, #tpu.memory_space<vmem_shared>> -> memref<10000x64xf32, #tpu.memory_space<vmem_shared>>
      tpu.wait_indirect_dma semaphore(%arg18 : memref<!tpu.dma_semaphore, #tpu.memory_space<semaphore_mem>>) src(%dma_wait3A_205 : memref<10000x64xf32, #tpu.memory_space<vmem_shared>>) dst(%arg14 : memref<125x64xf32, #tpu.memory_space<vmem>>)
      %run_scoped3A_206 = arith.constant 3 : i32
      "tpu.region"() ({
        %run_scoped3A_305 = tpu.sem_alloc : memref<!tpu.dma_semaphore, #tpu.memory_space<semaphore_mem>>
        %dma_start3A_306 = arith.constant 0 : i32
        %dma_start3A_307 = tpu.memref_slice %arg9[%run_scoped3A_206, %dma_start3A_306] : memref<4x125xi32, #tpu.memory_space<vmem>> -> memref<1x125xi32, #tpu.memory_space<vmem>>
        %dma_start3A_308 = tpu.memref_squeeze %dma_start3A_307 : memref<1x125xi32, #tpu.memory_space<vmem>> -> memref<125xi32, #tpu.memory_space<vmem>>
        %dma_start3A_309 = arith.constant 0 : i32
        %dma_start3A_310 = arith.constant 0 : i32
        %dma_start3A_311 = tpu.memref_slice %arg22[%dma_start3A_309, %dma_start3A_310] : memref<10000x64xf32, #tpu.memory_space<vmem_shared>> -> memref<10000x64xf32, #tpu.memory_space<vmem_shared>>
        tpu.enqueue_indirect_dma source(%arg14 : memref<125x64xf32, #tpu.memory_space<vmem>>) target(%dma_start3A_311 : memref<10000x64xf32, #tpu.memory_space<vmem_shared>>) offsets(%dma_start3A_308 : memref<125xi32, #tpu.memory_space<vmem>>) semaphore(%run_scoped3A_305 : memref<!tpu.dma_semaphore, #tpu.memory_space<semaphore_mem>>) {add = true}
        %dma_wait3A_312 = arith.constant 0 : i32
        %dma_wait3A_313 = tpu.memref_slice %arg9[%run_scoped3A_206, %dma_wait3A_312] : memref<4x125xi32, #tpu.memory_space<vmem>> -> memref<1x125xi32, #tpu.memory_space<vmem>>
        %dma_wait3A_314 = tpu.memref_squeeze %dma_wait3A_313 : memref<1x125xi32, #tpu.memory_space<vmem>> -> memref<125xi32, #tpu.memory_space<vmem>>
        %dma_wait3A_315 = arith.constant 0 : i32
        %dma_wait3A_316 = arith.constant 0 : i32
        %dma_wait3A_317 = tpu.memref_slice %arg22[%dma_wait3A_315, %dma_wait3A_316] : memref<10000x64xf32, #tpu.memory_space<vmem_shared>> -> memref<10000x64xf32, #tpu.memory_space<vmem_shared>>
        tpu.wait_indirect_dma semaphore(%run_scoped3A_305 : memref<!tpu.dma_semaphore, #tpu.memory_space<semaphore_mem>>) src(%arg14 : memref<125x64xf32, #tpu.memory_space<vmem>>) dst(%dma_wait3A_317 : memref<10000x64xf32, #tpu.memory_space<vmem_shared>>)
        tpu.yield
      }) : () -> ()
      %mul3A_207 = arith.constant 2 : i32
      %mul3A_208 = arith.muli %mul3A_207, %scan3A_83 : i32
      %add3A_209 = arith.constant 1 : i32
      %add3A_210 = arith.addi %mul3A_208, %add3A_209 : i32
      %mul3A_211 = arith.constant 4 : i32
      %mul3A_212 = arith.muli %add3A_210, %mul3A_211 : i32
      %dma_wait3A_213 = arith.constant 0 : i32
      %dma_wait3A_214 = arith.constant 0 : i32
      %dma_wait3A_215 = tpu.memref_slice %arg3[%add3A, %dma_wait3A_213, %dma_wait3A_214] : memref<32x80x125xi32, #tpu.memory_space<hbm>> -> memref<1x80x125xi32, #tpu.memory_space<hbm>>
      %dma_wait3A_216 = tpu.memref_squeeze %dma_wait3A_215 : memref<1x80x125xi32, #tpu.memory_space<hbm>> -> memref<80x125xi32, #tpu.memory_space<hbm>>
      %dma_wait3A_217 = arith.constant 0 : i32
      %dma_wait3A_218 = tpu.memref_slice %dma_wait3A_216[%mul3A_212, %dma_wait3A_217] : memref<80x125xi32, #tpu.memory_space<hbm>> -> memref<4x125xi32, #tpu.memory_space<hbm>>
      %dma_wait3A_219 = arith.constant 0 : i32
      %dma_wait3A_220 = arith.constant 0 : i32
      %dma_wait3A_221 = tpu.memref_slice %arg3[%add3A, %dma_wait3A_219, %dma_wait3A_220] : memref<32x80x125xi32, #tpu.memory_space<hbm>> -> memref<1x80x125xi32, #tpu.memory_space<hbm>>
      %dma_wait3A_222 = tpu.memref_squeeze %dma_wait3A_221 : memref<1x80x125xi32, #tpu.memory_space<hbm>> -> memref<80x125xi32, #tpu.memory_space<hbm>>
      %dma_wait3A_223 = arith.constant 0 : i32
      %dma_wait3A_224 = tpu.memref_slice %dma_wait3A_222[%mul3A_212, %dma_wait3A_223] : memref<80x125xi32, #tpu.memory_space<hbm>> -> memref<4x125xi32, #tpu.memory_space<hbm>>
      tpu.wait_dma2 semaphore(%arg20 : memref<!tpu.dma_semaphore, #tpu.memory_space<semaphore_mem>>) src(%dma_wait3A_224 : memref<4x125xi32, #tpu.memory_space<hbm>>) dst(%arg8 : memref<4x125xi32, #tpu.memory_space<vmem>>)
      %mul3A_225 = arith.constant 4 : i32
      %mul3A_226 = arith.muli %add3A_210, %mul3A_225 : i32
      %dma_wait3A_227 = arith.constant 0 : i32
      %dma_wait3A_228 = arith.constant 0 : i32
      %dma_wait3A_229 = tpu.memref_slice %arg4[%add3A, %dma_wait3A_227, %dma_wait3A_228] : memref<32x80x125xi32, #tpu.memory_space<hbm>> -> memref<1x80x125xi32, #tpu.memory_space<hbm>>
      %dma_wait3A_230 = tpu.memref_squeeze %dma_wait3A_229 : memref<1x80x125xi32, #tpu.memory_space<hbm>> -> memref<80x125xi32, #tpu.memory_space<hbm>>
      %dma_wait3A_231 = arith.constant 0 : i32
      %dma_wait3A_232 = tpu.memref_slice %dma_wait3A_230[%mul3A_226, %dma_wait3A_231] : memref<80x125xi32, #tpu.memory_space<hbm>> -> memref<4x125xi32, #tpu.memory_space<hbm>>
      %dma_wait3A_233 = arith.constant 0 : i32
      %dma_wait3A_234 = arith.constant 0 : i32
      %dma_wait3A_235 = tpu.memref_slice %arg4[%add3A, %dma_wait3A_233, %dma_wait3A_234] : memref<32x80x125xi32, #tpu.memory_space<hbm>> -> memref<1x80x125xi32, #tpu.memory_space<hbm>>
      %dma_wait3A_236 = tpu.memref_squeeze %dma_wait3A_235 : memref<1x80x125xi32, #tpu.memory_space<hbm>> -> memref<80x125xi32, #tpu.memory_space<hbm>>
      %dma_wait3A_237 = arith.constant 0 : i32
      %dma_wait3A_238 = tpu.memref_slice %dma_wait3A_236[%mul3A_226, %dma_wait3A_237] : memref<80x125xi32, #tpu.memory_space<hbm>> -> memref<4x125xi32, #tpu.memory_space<hbm>>
      tpu.wait_dma2 semaphore(%arg20 : memref<!tpu.dma_semaphore, #tpu.memory_space<semaphore_mem>>) src(%dma_wait3A_238 : memref<4x125xi32, #tpu.memory_space<hbm>>) dst(%arg10 : memref<4x125xi32, #tpu.memory_space<vmem>>)
      %lt3A = arith.constant 9 : i32
      %lt3A_239 = arith.cmpi slt, %scan3A_83, %lt3A : i32
      %convert_element_type3A = arith.extui %lt3A_239 : i1 to i32
      %cond3A = arith.constant 0 : i32
      %cond3A_240 = arith.cmpi ne, %convert_element_type3A, %cond3A : i32
      scf.if %cond3A_240 {
        %mul3A_305 = arith.constant 2 : i32
        %mul3A_306 = arith.muli %mul3A_305, %scan3A_83 : i32
        %add3A_307 = arith.constant 2 : i32
        %add3A_308 = arith.addi %mul3A_306, %add3A_307 : i32
        %mul3A_309 = arith.constant 4 : i32
        %mul3A_310 = arith.muli %add3A_308, %mul3A_309 : i32
        %dma_start3A_311 = arith.constant 0 : i32
        %dma_start3A_312 = arith.constant 0 : i32
        %dma_start3A_313 = tpu.memref_slice %arg3[%add3A, %dma_start3A_311, %dma_start3A_312] : memref<32x80x125xi32, #tpu.memory_space<hbm>> -> memref<1x80x125xi32, #tpu.memory_space<hbm>>
        %dma_start3A_314 = tpu.memref_squeeze %dma_start3A_313 : memref<1x80x125xi32, #tpu.memory_space<hbm>> -> memref<80x125xi32, #tpu.memory_space<hbm>>
        %dma_start3A_315 = arith.constant 0 : i32
        %dma_start3A_316 = tpu.memref_slice %dma_start3A_314[%mul3A_310, %dma_start3A_315] : memref<80x125xi32, #tpu.memory_space<hbm>> -> memref<4x125xi32, #tpu.memory_space<hbm>>
        %dma_start3A_317 = arith.constant 0 : i32
        %dma_start3A_318 = arith.constant 0 : i32
        %dma_start3A_319 = tpu.memref_slice %arg3[%add3A, %dma_start3A_317, %dma_start3A_318] : memref<32x80x125xi32, #tpu.memory_space<hbm>> -> memref<1x80x125xi32, #tpu.memory_space<hbm>>
        %dma_start3A_320 = tpu.memref_squeeze %dma_start3A_319 : memref<1x80x125xi32, #tpu.memory_space<hbm>> -> memref<80x125xi32, #tpu.memory_space<hbm>>
        %dma_start3A_321 = arith.constant 0 : i32
        %dma_start3A_322 = tpu.memref_slice %dma_start3A_320[%mul3A_310, %dma_start3A_321] : memref<80x125xi32, #tpu.memory_space<hbm>> -> memref<4x125xi32, #tpu.memory_space<hbm>>
        tpu.enqueue_dma source(%dma_start3A_322 : memref<4x125xi32, #tpu.memory_space<hbm>>) target(%arg7 : memref<4x125xi32, #tpu.memory_space<vmem>>) target_semaphore(%arg19 : memref<!tpu.dma_semaphore, #tpu.memory_space<semaphore_mem>>)
        %mul3A_323 = arith.constant 4 : i32
        %mul3A_324 = arith.muli %add3A_308, %mul3A_323 : i32
        %dma_start3A_325 = arith.constant 0 : i32
        %dma_start3A_326 = arith.constant 0 : i32
        %dma_start3A_327 = tpu.memref_slice %arg4[%add3A, %dma_start3A_325, %dma_start3A_326] : memref<32x80x125xi32, #tpu.memory_space<hbm>> -> memref<1x80x125xi32, #tpu.memory_space<hbm>>
        %dma_start3A_328 = tpu.memref_squeeze %dma_start3A_327 : memref<1x80x125xi32, #tpu.memory_space<hbm>> -> memref<80x125xi32, #tpu.memory_space<hbm>>
        %dma_start3A_329 = arith.constant 0 : i32
        %dma_start3A_330 = tpu.memref_slice %dma_start3A_328[%mul3A_324, %dma_start3A_329] : memref<80x125xi32, #tpu.memory_space<hbm>> -> memref<4x125xi32, #tpu.memory_space<hbm>>
        %dma_start3A_331 = arith.constant 0 : i32
        %dma_start3A_332 = arith.constant 0 : i32
        %dma_start3A_333 = tpu.memref_slice %arg4[%add3A, %dma_start3A_331, %dma_start3A_332] : memref<32x80x125xi32, #tpu.memory_space<hbm>> -> memref<1x80x125xi32, #tpu.memory_space<hbm>>
        %dma_start3A_334 = tpu.memref_squeeze %dma_start3A_333 : memref<1x80x125xi32, #tpu.memory_space<hbm>> -> memref<80x125xi32, #tpu.memory_space<hbm>>
        %dma_start3A_335 = arith.constant 0 : i32
        %dma_start3A_336 = tpu.memref_slice %dma_start3A_334[%mul3A_324, %dma_start3A_335] : memref<80x125xi32, #tpu.memory_space<hbm>> -> memref<4x125xi32, #tpu.memory_space<hbm>>
        tpu.enqueue_dma source(%dma_start3A_336 : memref<4x125xi32, #tpu.memory_space<hbm>>) target(%arg9 : memref<4x125xi32, #tpu.memory_space<vmem>>) target_semaphore(%arg19 : memref<!tpu.dma_semaphore, #tpu.memory_space<semaphore_mem>>)
      } else {
      }
      %mul3A_241 = arith.constant 2 : i32
      %mul3A_242 = arith.muli %mul3A_241, %scan3A_83 : i32
      %add3A_243 = arith.constant 1 : i32
      %add3A_244 = arith.addi %mul3A_242, %add3A_243 : i32
      %dma_start3A_245 = arith.constant 0 : i32
      %dma_start3A_246 = arith.constant 0 : i32
      %dma_start3A_247 = tpu.memref_slice %arg8[%dma_start3A_245, %dma_start3A_246] : memref<4x125xi32, #tpu.memory_space<vmem>> -> memref<1x125xi32, #tpu.memory_space<vmem>>
      %dma_start3A_248 = tpu.memref_squeeze %dma_start3A_247 : memref<1x125xi32, #tpu.memory_space<vmem>> -> memref<125xi32, #tpu.memory_space<vmem>>
      %dma_start3A_249 = arith.constant 0 : i32
      %dma_start3A_250 = arith.constant 0 : i32
      %dma_start3A_251 = tpu.memref_slice %arg23[%dma_start3A_249, %dma_start3A_250] : memref<10000x64xf32, #tpu.memory_space<vmem_shared>> -> memref<10000x64xf32, #tpu.memory_space<vmem_shared>>
      tpu.enqueue_indirect_dma source(%dma_start3A_251 : memref<10000x64xf32, #tpu.memory_space<vmem_shared>>) target(%arg11 : memref<125x64xf32, #tpu.memory_space<vmem>>) offsets(%dma_start3A_248 : memref<125xi32, #tpu.memory_space<vmem>>) semaphore(%arg15 : memref<!tpu.dma_semaphore, #tpu.memory_space<semaphore_mem>>)
      %dma_start3A_252 = arith.constant 1 : i32
      %dma_start3A_253 = arith.constant 0 : i32
      %dma_start3A_254 = tpu.memref_slice %arg8[%dma_start3A_252, %dma_start3A_253] : memref<4x125xi32, #tpu.memory_space<vmem>> -> memref<1x125xi32, #tpu.memory_space<vmem>>
      %dma_start3A_255 = tpu.memref_squeeze %dma_start3A_254 : memref<1x125xi32, #tpu.memory_space<vmem>> -> memref<125xi32, #tpu.memory_space<vmem>>
      %dma_start3A_256 = arith.constant 0 : i32
      %dma_start3A_257 = arith.constant 0 : i32
      %dma_start3A_258 = tpu.memref_slice %arg23[%dma_start3A_256, %dma_start3A_257] : memref<10000x64xf32, #tpu.memory_space<vmem_shared>> -> memref<10000x64xf32, #tpu.memory_space<vmem_shared>>
      tpu.enqueue_indirect_dma source(%dma_start3A_258 : memref<10000x64xf32, #tpu.memory_space<vmem_shared>>) target(%arg12 : memref<125x64xf32, #tpu.memory_space<vmem>>) offsets(%dma_start3A_255 : memref<125xi32, #tpu.memory_space<vmem>>) semaphore(%arg16 : memref<!tpu.dma_semaphore, #tpu.memory_space<semaphore_mem>>)
      %dma_start3A_259 = arith.constant 2 : i32
      %dma_start3A_260 = arith.constant 0 : i32
      %dma_start3A_261 = tpu.memref_slice %arg8[%dma_start3A_259, %dma_start3A_260] : memref<4x125xi32, #tpu.memory_space<vmem>> -> memref<1x125xi32, #tpu.memory_space<vmem>>
      %dma_start3A_262 = tpu.memref_squeeze %dma_start3A_261 : memref<1x125xi32, #tpu.memory_space<vmem>> -> memref<125xi32, #tpu.memory_space<vmem>>
      %dma_start3A_263 = arith.constant 0 : i32
      %dma_start3A_264 = arith.constant 0 : i32
      %dma_start3A_265 = tpu.memref_slice %arg23[%dma_start3A_263, %dma_start3A_264] : memref<10000x64xf32, #tpu.memory_space<vmem_shared>> -> memref<10000x64xf32, #tpu.memory_space<vmem_shared>>
      tpu.enqueue_indirect_dma source(%dma_start3A_265 : memref<10000x64xf32, #tpu.memory_space<vmem_shared>>) target(%arg13 : memref<125x64xf32, #tpu.memory_space<vmem>>) offsets(%dma_start3A_262 : memref<125xi32, #tpu.memory_space<vmem>>) semaphore(%arg17 : memref<!tpu.dma_semaphore, #tpu.memory_space<semaphore_mem>>)
      %dma_start3A_266 = arith.constant 3 : i32
      %dma_start3A_267 = arith.constant 0 : i32
      %dma_start3A_268 = tpu.memref_slice %arg8[%dma_start3A_266, %dma_start3A_267] : memref<4x125xi32, #tpu.memory_space<vmem>> -> memref<1x125xi32, #tpu.memory_space<vmem>>
      %dma_start3A_269 = tpu.memref_squeeze %dma_start3A_268 : memref<1x125xi32, #tpu.memory_space<vmem>> -> memref<125xi32, #tpu.memory_space<vmem>>
      %dma_start3A_270 = arith.constant 0 : i32
      %dma_start3A_271 = arith.constant 0 : i32
      %dma_start3A_272 = tpu.memref_slice %arg23[%dma_start3A_270, %dma_start3A_271] : memref<10000x64xf32, #tpu.memory_space<vmem_shared>> -> memref<10000x64xf32, #tpu.memory_space<vmem_shared>>
      tpu.enqueue_indirect_dma source(%dma_start3A_272 : memref<10000x64xf32, #tpu.memory_space<vmem_shared>>) target(%arg14 : memref<125x64xf32, #tpu.memory_space<vmem>>) offsets(%dma_start3A_269 : memref<125xi32, #tpu.memory_space<vmem>>) semaphore(%arg18 : memref<!tpu.dma_semaphore, #tpu.memory_space<semaphore_mem>>)
      %dma_wait3A_273 = arith.constant 0 : i32
      %dma_wait3A_274 = arith.constant 0 : i32
      %dma_wait3A_275 = tpu.memref_slice %arg8[%dma_wait3A_273, %dma_wait3A_274] : memref<4x125xi32, #tpu.memory_space<vmem>> -> memref<1x125xi32, #tpu.memory_space<vmem>>
      %dma_wait3A_276 = tpu.memref_squeeze %dma_wait3A_275 : memref<1x125xi32, #tpu.memory_space<vmem>> -> memref<125xi32, #tpu.memory_space<vmem>>
      %dma_wait3A_277 = arith.constant 0 : i32
      %dma_wait3A_278 = arith.constant 0 : i32
      %dma_wait3A_279 = tpu.memref_slice %arg23[%dma_wait3A_277, %dma_wait3A_278] : memref<10000x64xf32, #tpu.memory_space<vmem_shared>> -> memref<10000x64xf32, #tpu.memory_space<vmem_shared>>
      tpu.wait_indirect_dma semaphore(%arg15 : memref<!tpu.dma_semaphore, #tpu.memory_space<semaphore_mem>>) src(%dma_wait3A_279 : memref<10000x64xf32, #tpu.memory_space<vmem_shared>>) dst(%arg11 : memref<125x64xf32, #tpu.memory_space<vmem>>)
      %run_scoped3A_280 = arith.constant 0 : i32
      "tpu.region"() ({
        %run_scoped3A_305 = tpu.sem_alloc : memref<!tpu.dma_semaphore, #tpu.memory_space<semaphore_mem>>
        %dma_start3A_306 = arith.constant 0 : i32
        %dma_start3A_307 = tpu.memref_slice %arg10[%run_scoped3A_280, %dma_start3A_306] : memref<4x125xi32, #tpu.memory_space<vmem>> -> memref<1x125xi32, #tpu.memory_space<vmem>>
        %dma_start3A_308 = tpu.memref_squeeze %dma_start3A_307 : memref<1x125xi32, #tpu.memory_space<vmem>> -> memref<125xi32, #tpu.memory_space<vmem>>
        %dma_start3A_309 = arith.constant 0 : i32
        %dma_start3A_310 = arith.constant 0 : i32
        %dma_start3A_311 = tpu.memref_slice %arg22[%dma_start3A_309, %dma_start3A_310] : memref<10000x64xf32, #tpu.memory_space<vmem_shared>> -> memref<10000x64xf32, #tpu.memory_space<vmem_shared>>
        tpu.enqueue_indirect_dma source(%arg11 : memref<125x64xf32, #tpu.memory_space<vmem>>) target(%dma_start3A_311 : memref<10000x64xf32, #tpu.memory_space<vmem_shared>>) offsets(%dma_start3A_308 : memref<125xi32, #tpu.memory_space<vmem>>) semaphore(%run_scoped3A_305 : memref<!tpu.dma_semaphore, #tpu.memory_space<semaphore_mem>>) {add = true}
        %dma_wait3A_312 = arith.constant 0 : i32
        %dma_wait3A_313 = tpu.memref_slice %arg10[%run_scoped3A_280, %dma_wait3A_312] : memref<4x125xi32, #tpu.memory_space<vmem>> -> memref<1x125xi32, #tpu.memory_space<vmem>>
        %dma_wait3A_314 = tpu.memref_squeeze %dma_wait3A_313 : memref<1x125xi32, #tpu.memory_space<vmem>> -> memref<125xi32, #tpu.memory_space<vmem>>
        %dma_wait3A_315 = arith.constant 0 : i32
        %dma_wait3A_316 = arith.constant 0 : i32
        %dma_wait3A_317 = tpu.memref_slice %arg22[%dma_wait3A_315, %dma_wait3A_316] : memref<10000x64xf32, #tpu.memory_space<vmem_shared>> -> memref<10000x64xf32, #tpu.memory_space<vmem_shared>>
        tpu.wait_indirect_dma semaphore(%run_scoped3A_305 : memref<!tpu.dma_semaphore, #tpu.memory_space<semaphore_mem>>) src(%arg11 : memref<125x64xf32, #tpu.memory_space<vmem>>) dst(%dma_wait3A_317 : memref<10000x64xf32, #tpu.memory_space<vmem_shared>>)
        tpu.yield
      }) : () -> ()
      %dma_wait3A_281 = arith.constant 1 : i32
      %dma_wait3A_282 = arith.constant 0 : i32
      %dma_wait3A_283 = tpu.memref_slice %arg8[%dma_wait3A_281, %dma_wait3A_282] : memref<4x125xi32, #tpu.memory_space<vmem>> -> memref<1x125xi32, #tpu.memory_space<vmem>>
      %dma_wait3A_284 = tpu.memref_squeeze %dma_wait3A_283 : memref<1x125xi32, #tpu.memory_space<vmem>> -> memref<125xi32, #tpu.memory_space<vmem>>
      %dma_wait3A_285 = arith.constant 0 : i32
      %dma_wait3A_286 = arith.constant 0 : i32
      %dma_wait3A_287 = tpu.memref_slice %arg23[%dma_wait3A_285, %dma_wait3A_286] : memref<10000x64xf32, #tpu.memory_space<vmem_shared>> -> memref<10000x64xf32, #tpu.memory_space<vmem_shared>>
      tpu.wait_indirect_dma semaphore(%arg16 : memref<!tpu.dma_semaphore, #tpu.memory_space<semaphore_mem>>) src(%dma_wait3A_287 : memref<10000x64xf32, #tpu.memory_space<vmem_shared>>) dst(%arg12 : memref<125x64xf32, #tpu.memory_space<vmem>>)
      %run_scoped3A_288 = arith.constant 1 : i32
      "tpu.region"() ({
        %run_scoped3A_305 = tpu.sem_alloc : memref<!tpu.dma_semaphore, #tpu.memory_space<semaphore_mem>>
        %dma_start3A_306 = arith.constant 0 : i32
        %dma_start3A_307 = tpu.memref_slice %arg10[%run_scoped3A_288, %dma_start3A_306] : memref<4x125xi32, #tpu.memory_space<vmem>> -> memref<1x125xi32, #tpu.memory_space<vmem>>
        %dma_start3A_308 = tpu.memref_squeeze %dma_start3A_307 : memref<1x125xi32, #tpu.memory_space<vmem>> -> memref<125xi32, #tpu.memory_space<vmem>>
        %dma_start3A_309 = arith.constant 0 : i32
        %dma_start3A_310 = arith.constant 0 : i32
        %dma_start3A_311 = tpu.memref_slice %arg22[%dma_start3A_309, %dma_start3A_310] : memref<10000x64xf32, #tpu.memory_space<vmem_shared>> -> memref<10000x64xf32, #tpu.memory_space<vmem_shared>>
        tpu.enqueue_indirect_dma source(%arg12 : memref<125x64xf32, #tpu.memory_space<vmem>>) target(%dma_start3A_311 : memref<10000x64xf32, #tpu.memory_space<vmem_shared>>) offsets(%dma_start3A_308 : memref<125xi32, #tpu.memory_space<vmem>>) semaphore(%run_scoped3A_305 : memref<!tpu.dma_semaphore, #tpu.memory_space<semaphore_mem>>) {add = true}
        %dma_wait3A_312 = arith.constant 0 : i32
        %dma_wait3A_313 = tpu.memref_slice %arg10[%run_scoped3A_288, %dma_wait3A_312] : memref<4x125xi32, #tpu.memory_space<vmem>> -> memref<1x125xi32, #tpu.memory_space<vmem>>
        %dma_wait3A_314 = tpu.memref_squeeze %dma_wait3A_313 : memref<1x125xi32, #tpu.memory_space<vmem>> -> memref<125xi32, #tpu.memory_space<vmem>>
        %dma_wait3A_315 = arith.constant 0 : i32
        %dma_wait3A_316 = arith.constant 0 : i32
        %dma_wait3A_317 = tpu.memref_slice %arg22[%dma_wait3A_315, %dma_wait3A_316] : memref<10000x64xf32, #tpu.memory_space<vmem_shared>> -> memref<10000x64xf32, #tpu.memory_space<vmem_shared>>
        tpu.wait_indirect_dma semaphore(%run_scoped3A_305 : memref<!tpu.dma_semaphore, #tpu.memory_space<semaphore_mem>>) src(%arg12 : memref<125x64xf32, #tpu.memory_space<vmem>>) dst(%dma_wait3A_317 : memref<10000x64xf32, #tpu.memory_space<vmem_shared>>)
        tpu.yield
      }) : () -> ()
      %dma_wait3A_289 = arith.constant 2 : i32
      %dma_wait3A_290 = arith.constant 0 : i32
      %dma_wait3A_291 = tpu.memref_slice %arg8[%dma_wait3A_289, %dma_wait3A_290] : memref<4x125xi32, #tpu.memory_space<vmem>> -> memref<1x125xi32, #tpu.memory_space<vmem>>
      %dma_wait3A_292 = tpu.memref_squeeze %dma_wait3A_291 : memref<1x125xi32, #tpu.memory_space<vmem>> -> memref<125xi32, #tpu.memory_space<vmem>>
      %dma_wait3A_293 = arith.constant 0 : i32
      %dma_wait3A_294 = arith.constant 0 : i32
      %dma_wait3A_295 = tpu.memref_slice %arg23[%dma_wait3A_293, %dma_wait3A_294] : memref<10000x64xf32, #tpu.memory_space<vmem_shared>> -> memref<10000x64xf32, #tpu.memory_space<vmem_shared>>
      tpu.wait_indirect_dma semaphore(%arg17 : memref<!tpu.dma_semaphore, #tpu.memory_space<semaphore_mem>>) src(%dma_wait3A_295 : memref<10000x64xf32, #tpu.memory_space<vmem_shared>>) dst(%arg13 : memref<125x64xf32, #tpu.memory_space<vmem>>)
      %run_scoped3A_296 = arith.constant 2 : i32
      "tpu.region"() ({
        %run_scoped3A_305 = tpu.sem_alloc : memref<!tpu.dma_semaphore, #tpu.memory_space<semaphore_mem>>
        %dma_start3A_306 = arith.constant 0 : i32
        %dma_start3A_307 = tpu.memref_slice %arg10[%run_scoped3A_296, %dma_start3A_306] : memref<4x125xi32, #tpu.memory_space<vmem>> -> memref<1x125xi32, #tpu.memory_space<vmem>>
        %dma_start3A_308 = tpu.memref_squeeze %dma_start3A_307 : memref<1x125xi32, #tpu.memory_space<vmem>> -> memref<125xi32, #tpu.memory_space<vmem>>
        %dma_start3A_309 = arith.constant 0 : i32
        %dma_start3A_310 = arith.constant 0 : i32
        %dma_start3A_311 = tpu.memref_slice %arg22[%dma_start3A_309, %dma_start3A_310] : memref<10000x64xf32, #tpu.memory_space<vmem_shared>> -> memref<10000x64xf32, #tpu.memory_space<vmem_shared>>
        tpu.enqueue_indirect_dma source(%arg13 : memref<125x64xf32, #tpu.memory_space<vmem>>) target(%dma_start3A_311 : memref<10000x64xf32, #tpu.memory_space<vmem_shared>>) offsets(%dma_start3A_308 : memref<125xi32, #tpu.memory_space<vmem>>) semaphore(%run_scoped3A_305 : memref<!tpu.dma_semaphore, #tpu.memory_space<semaphore_mem>>) {add = true}
        %dma_wait3A_312 = arith.constant 0 : i32
        %dma_wait3A_313 = tpu.memref_slice %arg10[%run_scoped3A_296, %dma_wait3A_312] : memref<4x125xi32, #tpu.memory_space<vmem>> -> memref<1x125xi32, #tpu.memory_space<vmem>>
        %dma_wait3A_314 = tpu.memref_squeeze %dma_wait3A_313 : memref<1x125xi32, #tpu.memory_space<vmem>> -> memref<125xi32, #tpu.memory_space<vmem>>
        %dma_wait3A_315 = arith.constant 0 : i32
        %dma_wait3A_316 = arith.constant 0 : i32
        %dma_wait3A_317 = tpu.memref_slice %arg22[%dma_wait3A_315, %dma_wait3A_316] : memref<10000x64xf32, #tpu.memory_space<vmem_shared>> -> memref<10000x64xf32, #tpu.memory_space<vmem_shared>>
        tpu.wait_indirect_dma semaphore(%run_scoped3A_305 : memref<!tpu.dma_semaphore, #tpu.memory_space<semaphore_mem>>) src(%arg13 : memref<125x64xf32, #tpu.memory_space<vmem>>) dst(%dma_wait3A_317 : memref<10000x64xf32, #tpu.memory_space<vmem_shared>>)
        tpu.yield
      }) : () -> ()
      %dma_wait3A_297 = arith.constant 3 : i32
      %dma_wait3A_298 = arith.constant 0 : i32
      %dma_wait3A_299 = tpu.memref_slice %arg8[%dma_wait3A_297, %dma_wait3A_298] : memref<4x125xi32, #tpu.memory_space<vmem>> -> memref<1x125xi32, #tpu.memory_space<vmem>>
      %dma_wait3A_300 = tpu.memref_squeeze %dma_wait3A_299 : memref<1x125xi32, #tpu.memory_space<vmem>> -> memref<125xi32, #tpu.memory_space<vmem>>
      %dma_wait3A_301 = arith.constant 0 : i32
      %dma_wait3A_302 = arith.constant 0 : i32
      %dma_wait3A_303 = tpu.memref_slice %arg23[%dma_wait3A_301, %dma_wait3A_302] : memref<10000x64xf32, #tpu.memory_space<vmem_shared>> -> memref<10000x64xf32, #tpu.memory_space<vmem_shared>>
      tpu.wait_indirect_dma semaphore(%arg18 : memref<!tpu.dma_semaphore, #tpu.memory_space<semaphore_mem>>) src(%dma_wait3A_303 : memref<10000x64xf32, #tpu.memory_space<vmem_shared>>) dst(%arg14 : memref<125x64xf32, #tpu.memory_space<vmem>>)
      %run_scoped3A_304 = arith.constant 3 : i32
      "tpu.region"() ({
        %run_scoped3A_305 = tpu.sem_alloc : memref<!tpu.dma_semaphore, #tpu.memory_space<semaphore_mem>>
        %dma_start3A_306 = arith.constant 0 : i32
        %dma_start3A_307 = tpu.memref_slice %arg10[%run_scoped3A_304, %dma_start3A_306] : memref<4x125xi32, #tpu.memory_space<vmem>> -> memref<1x125xi32, #tpu.memory_space<vmem>>
        %dma_start3A_308 = tpu.memref_squeeze %dma_start3A_307 : memref<1x125xi32, #tpu.memory_space<vmem>> -> memref<125xi32, #tpu.memory_space<vmem>>
        %dma_start3A_309 = arith.constant 0 : i32
        %dma_start3A_310 = arith.constant 0 : i32
        %dma_start3A_311 = tpu.memref_slice %arg22[%dma_start3A_309, %dma_start3A_310] : memref<10000x64xf32, #tpu.memory_space<vmem_shared>> -> memref<10000x64xf32, #tpu.memory_space<vmem_shared>>
        tpu.enqueue_indirect_dma source(%arg14 : memref<125x64xf32, #tpu.memory_space<vmem>>) target(%dma_start3A_311 : memref<10000x64xf32, #tpu.memory_space<vmem_shared>>) offsets(%dma_start3A_308 : memref<125xi32, #tpu.memory_space<vmem>>) semaphore(%run_scoped3A_305 : memref<!tpu.dma_semaphore, #tpu.memory_space<semaphore_mem>>) {add = true}
        %dma_wait3A_312 = arith.constant 0 : i32
        %dma_wait3A_313 = tpu.memref_slice %arg10[%run_scoped3A_304, %dma_wait3A_312] : memref<4x125xi32, #tpu.memory_space<vmem>> -> memref<1x125xi32, #tpu.memory_space<vmem>>
        %dma_wait3A_314 = tpu.memref_squeeze %dma_wait3A_313 : memref<1x125xi32, #tpu.memory_space<vmem>> -> memref<125xi32, #tpu.memory_space<vmem>>
        %dma_wait3A_315 = arith.constant 0 : i32
        %dma_wait3A_316 = arith.constant 0 : i32
        %dma_wait3A_317 = tpu.memref_slice %arg22[%dma_wait3A_315, %dma_wait3A_316] : memref<10000x64xf32, #tpu.memory_space<vmem_shared>> -> memref<10000x64xf32, #tpu.memory_space<vmem_shared>>
        tpu.wait_indirect_dma semaphore(%run_scoped3A_305 : memref<!tpu.dma_semaphore, #tpu.memory_space<semaphore_mem>>) src(%arg14 : memref<125x64xf32, #tpu.memory_space<vmem>>) dst(%dma_wait3A_317 : memref<10000x64xf32, #tpu.memory_space<vmem_shared>>)
        tpu.yield
      }) : () -> ()
    }
    %scan3A_81 = arith.constant 10 : i32
    %barrier3A_82 = arith.constant 0 : index
    tpu.barrier barrier_id(%barrier3A_82)
    "tpu.region"() ({
      %run_scoped3A = tpu.sem_alloc : memref<!tpu.dma_semaphore, #tpu.memory_space<semaphore_mem>>
      %dma_start3A_83 = arith.constant 0 : i32
      %dma_start3A_84 = arith.constant 0 : i32
      %dma_start3A_85 = tpu.memref_slice %arg6[%arg0, %dma_start3A_83, %dma_start3A_84] : memref<2x10000x64xf32, #tpu.memory_space<hbm>> -> memref<1x10000x64xf32, #tpu.memory_space<hbm>>
      %dma_start3A_86 = tpu.memref_squeeze %dma_start3A_85 : memref<1x10000x64xf32, #tpu.memory_space<hbm>> -> memref<10000x64xf32, #tpu.memory_space<hbm>>
      %dma_start3A_87 = arith.constant 0 : i32
      %dma_start3A_88 = tpu.memref_slice %dma_start3A_86[%mul3A_2, %dma_start3A_87] : memref<10000x64xf32, #tpu.memory_space<hbm>> -> memref<625x64xf32, #tpu.memory_space<hbm>>
      %dma_start3A_89 = arith.constant 0 : i32
      %dma_start3A_90 = tpu.memref_slice %arg22[%mul3A_2, %dma_start3A_89] : memref<10000x64xf32, #tpu.memory_space<vmem_shared>> -> memref<625x64xf32, #tpu.memory_space<vmem_shared>>
      tpu.enqueue_dma source(%dma_start3A_90 : memref<625x64xf32, #tpu.memory_space<vmem_shared>>) target(%dma_start3A_88 : memref<625x64xf32, #tpu.memory_space<hbm>>) target_semaphore(%run_scoped3A : memref<!tpu.dma_semaphore, #tpu.memory_space<semaphore_mem>>)
      %dma_wait3A_91 = arith.constant 0 : i32
      %dma_wait3A_92 = arith.constant 0 : i32
      %dma_wait3A_93 = tpu.memref_slice %arg6[%arg0, %dma_wait3A_91, %dma_wait3A_92] : memref<2x10000x64xf32, #tpu.memory_space<hbm>> -> memref<1x10000x64xf32, #tpu.memory_space<hbm>>
      %dma_wait3A_94 = tpu.memref_squeeze %dma_wait3A_93 : memref<1x10000x64xf32, #tpu.memory_space<hbm>> -> memref<10000x64xf32, #tpu.memory_space<hbm>>
      %dma_wait3A_95 = arith.constant 0 : i32
      %dma_wait3A_96 = tpu.memref_slice %dma_wait3A_94[%mul3A_2, %dma_wait3A_95] : memref<10000x64xf32, #tpu.memory_space<hbm>> -> memref<625x64xf32, #tpu.memory_space<hbm>>
      %dma_wait3A_97 = arith.constant 0 : i32
      %dma_wait3A_98 = tpu.memref_slice %arg22[%mul3A_2, %dma_wait3A_97] : memref<10000x64xf32, #tpu.memory_space<vmem_shared>> -> memref<625x64xf32, #tpu.memory_space<vmem_shared>>
      tpu.wait_dma2 semaphore(%run_scoped3A : memref<!tpu.dma_semaphore, #tpu.memory_space<semaphore_mem>>) src(%dma_wait3A_98 : memref<625x64xf32, #tpu.memory_space<vmem_shared>>) dst(%dma_wait3A_96 : memref<625x64xf32, #tpu.memory_space<hbm>>)
      tpu.yield
    }) : () -> ()
    return
  }
}

#map = affine_map<(d0, d1) -> (0, 0)>
module attributes {stable_mosaic.version = 14 : i64} {
  func.func @_deg_kernel(%arg0: i32, %arg1: i32, %arg2: memref<32x10000xi32, #tpu.memory_space<hbm>>, %arg3: memref<32x10000xf32, #tpu.memory_space<hbm>>, %arg4: memref<10000xf32, #tpu.memory_space<vmem>>, %arg5: memref<10000xi32, #tpu.memory_space<vmem>>, %arg6: memref<!tpu.dma_semaphore, #tpu.memory_space<semaphore_mem>>) attributes {dimension_semantics = [#tpu.dimension_semantics<core_parallel>, #tpu.dimension_semantics<subcore_parallel>], iteration_bounds = array<i64: 2, 16>, scalar_prefetch = 0 : i64, scratch_operands = 3 : i64, tpu.core_type = #tpu.core_type<sc_vector_subcore>, window_params = [{transform_indices = #map}, {transform_indices = #map}]} {
    %mul3A = arith.constant 2 : i32
    %mul3A_0 = arith.muli %arg1, %mul3A : i32
    %add3A = arith.addi %mul3A_0, %arg0 : i32
    %dma_start3A = arith.constant 0 : i32
    %dma_start3A_1 = tpu.memref_slice %arg2[%add3A, %dma_start3A] : memref<32x10000xi32, #tpu.memory_space<hbm>> -> memref<1x10000xi32, #tpu.memory_space<hbm>>
    %dma_start3A_2 = tpu.memref_squeeze %dma_start3A_1 : memref<1x10000xi32, #tpu.memory_space<hbm>> -> memref<10000xi32, #tpu.memory_space<hbm>>
    %dma_start3A_3 = arith.constant 0 : i32
    %dma_start3A_4 = tpu.memref_slice %arg2[%add3A, %dma_start3A_3] : memref<32x10000xi32, #tpu.memory_space<hbm>> -> memref<1x10000xi32, #tpu.memory_space<hbm>>
    %dma_start3A_5 = tpu.memref_squeeze %dma_start3A_4 : memref<1x10000xi32, #tpu.memory_space<hbm>> -> memref<10000xi32, #tpu.memory_space<hbm>>
    tpu.enqueue_dma source(%dma_start3A_5 : memref<10000xi32, #tpu.memory_space<hbm>>) target(%arg5 : memref<10000xi32, #tpu.memory_space<vmem>>) target_semaphore(%arg6 : memref<!tpu.dma_semaphore, #tpu.memory_space<semaphore_mem>>)
    %broadcast_in_dim3A = arith.constant 0.000000e+00 : f32
    %broadcast_in_dim3A_6 = vector.broadcast %broadcast_in_dim3A : f32 to vector<16xf32>
    %scan3A = arith.constant 0 : i32
    %scan3A_7 = arith.constant 0 : i32
    %scan3A_8 = arith.constant 625 : i32
    %scan3A_9 = arith.addi %scan3A_7, %scan3A_8 : i32
    %scan3A_10 = arith.constant 1 : i32
    scf.for %scan3A_25 = %scan3A_7 to %scan3A_9 step %scan3A_10  : i32 {
      %mul3A_26 = arith.constant 16 : i32
      %mul3A_27 = arith.muli %scan3A_25, %mul3A_26 : i32
      %swap3A = arith.index_cast %mul3A_27 : i32 to index
      %swap3A_28 = tpu.vector_load %arg4[%swap3A] {strides = array<i32>} : memref<10000xf32, #tpu.memory_space<vmem>>, vector<16xf32>,
      tpu.vector_store %arg4[%swap3A], %broadcast_in_dim3A_6 {strides = array<i32>} : memref<10000xf32, #tpu.memory_space<vmem>>, vector<16xf32>,
    }
    %scan3A_11 = arith.constant 625 : i32
    %dma_wait3A = arith.constant 0 : i32
    %dma_wait3A_12 = tpu.memref_slice %arg2[%add3A, %dma_wait3A] : memref<32x10000xi32, #tpu.memory_space<hbm>> -> memref<1x10000xi32, #tpu.memory_space<hbm>>
    %dma_wait3A_13 = tpu.memref_squeeze %dma_wait3A_12 : memref<1x10000xi32, #tpu.memory_space<hbm>> -> memref<10000xi32, #tpu.memory_space<hbm>>
    %dma_wait3A_14 = arith.constant 0 : i32
    %dma_wait3A_15 = tpu.memref_slice %arg2[%add3A, %dma_wait3A_14] : memref<32x10000xi32, #tpu.memory_space<hbm>> -> memref<1x10000xi32, #tpu.memory_space<hbm>>
    %dma_wait3A_16 = tpu.memref_squeeze %dma_wait3A_15 : memref<1x10000xi32, #tpu.memory_space<hbm>> -> memref<10000xi32, #tpu.memory_space<hbm>>
    tpu.wait_dma2 semaphore(%arg6 : memref<!tpu.dma_semaphore, #tpu.memory_space<semaphore_mem>>) src(%dma_wait3A_16 : memref<10000xi32, #tpu.memory_space<hbm>>) dst(%arg5 : memref<10000xi32, #tpu.memory_space<vmem>>)
    %broadcast_in_dim3A_17 = arith.constant 1.000000e+00 : f32
    %broadcast_in_dim3A_18 = vector.broadcast %broadcast_in_dim3A_17 : f32 to vector<16xf32>
    %scan3A_19 = arith.constant 0 : i32
    %scan3A_20 = arith.constant 0 : i32
    %scan3A_21 = arith.constant 625 : i32
    %scan3A_22 = arith.addi %scan3A_20, %scan3A_21 : i32
    %scan3A_23 = arith.constant 1 : i32
    scf.for %scan3A_25 = %scan3A_20 to %scan3A_22 step %scan3A_23  : i32 {
      %mul3A_26 = arith.constant 16 : i32
      %mul3A_27 = arith.muli %scan3A_25, %mul3A_26 : i32
      %get3A = arith.index_cast %mul3A_27 : i32 to index
      %get3A_28 = tpu.vector_load %arg5[%get3A] {strides = array<i32>} : memref<10000xi32, #tpu.memory_space<vmem>>, vector<16xi32>,
      tpu.vector_store_idx %arg4[%get3A_28], %broadcast_in_dim3A_18 {add = true} : memref<10000xf32, #tpu.memory_space<vmem>>[vector<16xi32>], vector<16xf32>,
    }
    %scan3A_24 = arith.constant 625 : i32
    "tpu.region"() ({
      %run_scoped3A = tpu.sem_alloc : memref<!tpu.dma_semaphore, #tpu.memory_space<semaphore_mem>>
      %dma_start3A_25 = arith.constant 0 : i32
      %dma_start3A_26 = tpu.memref_slice %arg3[%add3A, %dma_start3A_25] : memref<32x10000xf32, #tpu.memory_space<hbm>> -> memref<1x10000xf32, #tpu.memory_space<hbm>>
      %dma_start3A_27 = tpu.memref_squeeze %dma_start3A_26 : memref<1x10000xf32, #tpu.memory_space<hbm>> -> memref<10000xf32, #tpu.memory_space<hbm>>
      %dma_start3A_28 = arith.constant 0 : i32
      %dma_start3A_29 = tpu.memref_slice %arg3[%add3A, %dma_start3A_28] : memref<32x10000xf32, #tpu.memory_space<hbm>> -> memref<1x10000xf32, #tpu.memory_space<hbm>>
      %dma_start3A_30 = tpu.memref_squeeze %dma_start3A_29 : memref<1x10000xf32, #tpu.memory_space<hbm>> -> memref<10000xf32, #tpu.memory_space<hbm>>
      tpu.enqueue_dma source(%arg4 : memref<10000xf32, #tpu.memory_space<vmem>>) target(%dma_start3A_30 : memref<10000xf32, #tpu.memory_space<hbm>>) target_semaphore(%run_scoped3A : memref<!tpu.dma_semaphore, #tpu.memory_space<semaphore_mem>>)
      %dma_wait3A_31 = arith.constant 0 : i32
      %dma_wait3A_32 = tpu.memref_slice %arg3[%add3A, %dma_wait3A_31] : memref<32x10000xf32, #tpu.memory_space<hbm>> -> memref<1x10000xf32, #tpu.memory_space<hbm>>
      %dma_wait3A_33 = tpu.memref_squeeze %dma_wait3A_32 : memref<1x10000xf32, #tpu.memory_space<hbm>> -> memref<10000xf32, #tpu.memory_space<hbm>>
      %dma_wait3A_34 = arith.constant 0 : i32
      %dma_wait3A_35 = tpu.memref_slice %arg3[%add3A, %dma_wait3A_34] : memref<32x10000xf32, #tpu.memory_space<hbm>> -> memref<1x10000xf32, #tpu.memory_space<hbm>>
      %dma_wait3A_36 = tpu.memref_squeeze %dma_wait3A_35 : memref<1x10000xf32, #tpu.memory_space<hbm>> -> memref<10000xf32, #tpu.memory_space<hbm>>
      tpu.wait_dma2 semaphore(%run_scoped3A : memref<!tpu.dma_semaphore, #tpu.memory_space<semaphore_mem>>) src(%arg4 : memref<10000xf32, #tpu.memory_space<vmem>>) dst(%dma_wait3A_36 : memref<10000xf32, #tpu.memory_space<hbm>>)
      tpu.yield
    }) : () -> ()
    return
  }
}

#map = affine_map<(d0, d1) -> (0, 0)>
#map1 = affine_map<(d0, d1) -> (0, 0, 0)>
module attributes {stable_mosaic.version = 14 : i64} {
  func.func @agg(%arg0: i32, %arg1: i32, %arg2: memref<10000x32xf32, #tpu.memory_space<hbm>>, %arg3: memref<32x80x125xi32, #tpu.memory_space<hbm>>, %arg4: memref<32x80x125xi32, #tpu.memory_space<hbm>>, %arg5: memref<125x32xf32, #tpu.memory_space<hbm>>, %arg6: memref<2x10000x32xf32, #tpu.memory_space<hbm>>, %arg7: memref<4x125xi32, #tpu.memory_space<vmem>>, %arg8: memref<4x125xi32, #tpu.memory_space<vmem>>, %arg9: memref<4x125xi32, #tpu.memory_space<vmem>>, %arg10: memref<4x125xi32, #tpu.memory_space<vmem>>, %arg11: memref<125x32xf32, #tpu.memory_space<vmem>>, %arg12: memref<125x32xf32, #tpu.memory_space<vmem>>, %arg13: memref<125x32xf32, #tpu.memory_space<vmem>>, %arg14: memref<125x32xf32, #tpu.memory_space<vmem>>, %arg15: memref<!tpu.dma_semaphore, #tpu.memory_space<semaphore_mem>>, %arg16: memref<!tpu.dma_semaphore, #tpu.memory_space<semaphore_mem>>, %arg17: memref<!tpu.dma_semaphore, #tpu.memory_space<semaphore_mem>>, %arg18: memref<!tpu.dma_semaphore, #tpu.memory_space<semaphore_mem>>, %arg19: memref<!tpu.dma_semaphore, #tpu.memory_space<semaphore_mem>>, %arg20: memref<!tpu.dma_semaphore, #tpu.memory_space<semaphore_mem>>, %arg21: memref<!tpu.dma_semaphore, #tpu.memory_space<semaphore_mem>>, %arg22: memref<10000x32xf32, #tpu.memory_space<vmem_shared>>, %arg23: memref<10000x32xf32, #tpu.memory_space<vmem_shared>>) attributes {dimension_semantics = [#tpu.dimension_semantics<core_parallel>, #tpu.dimension_semantics<subcore_parallel>], iteration_bounds = array<i64: 2, 16>, scalar_prefetch = 0 : i64, scratch_operands = 17 : i64, tpu.core_type = #tpu.core_type<sc_vector_subcore>, window_params = [{transform_indices = #map}, {transform_indices = #map1}, {transform_indices = #map1}, {transform_indices = #map}, {transform_indices = #map1}]} {
    %mul3A = arith.constant 2 : i32
    %mul3A_0 = arith.muli %arg1, %mul3A : i32
    %add3A = arith.addi %mul3A_0, %arg0 : i32
    %mul3A_1 = arith.constant 625 : i32
    %mul3A_2 = arith.muli %arg1, %mul3A_1 : i32
    %add3A_3 = arith.constant 0 : i32
    %add3A_4 = arith.addi %mul3A_2, %add3A_3 : i32
    %dma_start3A = arith.constant 0 : i32
    %dma_start3A_5 = tpu.memref_slice %arg22[%add3A_4, %dma_start3A] : memref<10000x32xf32, #tpu.memory_space<vmem_shared>> -> memref<125x32xf32, #tpu.memory_space<vmem_shared>>
    tpu.enqueue_dma source(%arg5 : memref<125x32xf32, #tpu.memory_space<hbm>>) target(%dma_start3A_5 : memref<125x32xf32, #tpu.memory_space<vmem_shared>>) target_semaphore(%arg21 : memref<!tpu.dma_semaphore, #tpu.memory_space<semaphore_mem>>)
    %add3A_6 = arith.constant 125 : i32
    %add3A_7 = arith.addi %mul3A_2, %add3A_6 : i32
    %dma_start3A_8 = arith.constant 0 : i32
    %dma_start3A_9 = tpu.memref_slice %arg22[%add3A_7, %dma_start3A_8] : memref<10000x32xf32, #tpu.memory_space<vmem_shared>> -> memref<125x32xf32, #tpu.memory_space<vmem_shared>>
    tpu.enqueue_dma source(%arg5 : memref<125x32xf32, #tpu.memory_space<hbm>>) target(%dma_start3A_9 : memref<125x32xf32, #tpu.memory_space<vmem_shared>>) target_semaphore(%arg21 : memref<!tpu.dma_semaphore, #tpu.memory_space<semaphore_mem>>)
    %add3A_10 = arith.constant 250 : i32
    %add3A_11 = arith.addi %mul3A_2, %add3A_10 : i32
    %dma_start3A_12 = arith.constant 0 : i32
    %dma_start3A_13 = tpu.memref_slice %arg22[%add3A_11, %dma_start3A_12] : memref<10000x32xf32, #tpu.memory_space<vmem_shared>> -> memref<125x32xf32, #tpu.memory_space<vmem_shared>>
    tpu.enqueue_dma source(%arg5 : memref<125x32xf32, #tpu.memory_space<hbm>>) target(%dma_start3A_13 : memref<125x32xf32, #tpu.memory_space<vmem_shared>>) target_semaphore(%arg21 : memref<!tpu.dma_semaphore, #tpu.memory_space<semaphore_mem>>)
    %add3A_14 = arith.constant 375 : i32
    %add3A_15 = arith.addi %mul3A_2, %add3A_14 : i32
    %dma_start3A_16 = arith.constant 0 : i32
    %dma_start3A_17 = tpu.memref_slice %arg22[%add3A_15, %dma_start3A_16] : memref<10000x32xf32, #tpu.memory_space<vmem_shared>> -> memref<125x32xf32, #tpu.memory_space<vmem_shared>>
    tpu.enqueue_dma source(%arg5 : memref<125x32xf32, #tpu.memory_space<hbm>>) target(%dma_start3A_17 : memref<125x32xf32, #tpu.memory_space<vmem_shared>>) target_semaphore(%arg21 : memref<!tpu.dma_semaphore, #tpu.memory_space<semaphore_mem>>)
    %add3A_18 = arith.constant 500 : i32
    %add3A_19 = arith.addi %mul3A_2, %add3A_18 : i32
    %dma_start3A_20 = arith.constant 0 : i32
    %dma_start3A_21 = tpu.memref_slice %arg22[%add3A_19, %dma_start3A_20] : memref<10000x32xf32, #tpu.memory_space<vmem_shared>> -> memref<125x32xf32, #tpu.memory_space<vmem_shared>>
    tpu.enqueue_dma source(%arg5 : memref<125x32xf32, #tpu.memory_space<hbm>>) target(%dma_start3A_21 : memref<125x32xf32, #tpu.memory_space<vmem_shared>>) target_semaphore(%arg21 : memref<!tpu.dma_semaphore, #tpu.memory_space<semaphore_mem>>)
    %dma_start3A_22 = arith.constant 0 : i32
    %dma_start3A_23 = tpu.memref_slice %arg23[%mul3A_2, %dma_start3A_22] : memref<10000x32xf32, #tpu.memory_space<vmem_shared>> -> memref<625x32xf32, #tpu.memory_space<vmem_shared>>
    %dma_start3A_24 = arith.constant 0 : i32
    %dma_start3A_25 = tpu.memref_slice %arg2[%mul3A_2, %dma_start3A_24] : memref<10000x32xf32, #tpu.memory_space<hbm>> -> memref<625x32xf32, #tpu.memory_space<hbm>>
    tpu.enqueue_dma source(%dma_start3A_25 : memref<625x32xf32, #tpu.memory_space<hbm>>) target(%dma_start3A_23 : memref<625x32xf32, #tpu.memory_space<vmem_shared>>) target_semaphore(%arg21 : memref<!tpu.dma_semaphore, #tpu.memory_space<semaphore_mem>>)
    %dma_start3A_26 = arith.constant 0 : i32
    %dma_start3A_27 = arith.constant 0 : i32
    %dma_start3A_28 = tpu.memref_slice %arg3[%add3A, %dma_start3A_26, %dma_start3A_27] : memref<32x80x125xi32, #tpu.memory_space<hbm>> -> memref<1x80x125xi32, #tpu.memory_space<hbm>>
    %dma_start3A_29 = tpu.memref_squeeze %dma_start3A_28 : memref<1x80x125xi32, #tpu.memory_space<hbm>> -> memref<80x125xi32, #tpu.memory_space<hbm>>
    %dma_start3A_30 = arith.constant 0 : i32
    %dma_start3A_31 = arith.constant 0 : i32
    %dma_start3A_32 = tpu.memref_slice %dma_start3A_29[%dma_start3A_30, %dma_start3A_31] : memref<80x125xi32, #tpu.memory_space<hbm>> -> memref<4x125xi32, #tpu.memory_space<hbm>>
    %dma_start3A_33 = arith.constant 0 : i32
    %dma_start3A_34 = arith.constant 0 : i32
    %dma_start3A_35 = tpu.memref_slice %arg3[%add3A, %dma_start3A_33, %dma_start3A_34] : memref<32x80x125xi32, #tpu.memory_space<hbm>> -> memref<1x80x125xi32, #tpu.memory_space<hbm>>
    %dma_start3A_36 = tpu.memref_squeeze %dma_start3A_35 : memref<1x80x125xi32, #tpu.memory_space<hbm>> -> memref<80x125xi32, #tpu.memory_space<hbm>>
    %dma_start3A_37 = arith.constant 0 : i32
    %dma_start3A_38 = arith.constant 0 : i32
    %dma_start3A_39 = tpu.memref_slice %dma_start3A_36[%dma_start3A_37, %dma_start3A_38] : memref<80x125xi32, #tpu.memory_space<hbm>> -> memref<4x125xi32, #tpu.memory_space<hbm>>
    tpu.enqueue_dma source(%dma_start3A_39 : memref<4x125xi32, #tpu.memory_space<hbm>>) target(%arg7 : memref<4x125xi32, #tpu.memory_space<vmem>>) target_semaphore(%arg19 : memref<!tpu.dma_semaphore, #tpu.memory_space<semaphore_mem>>)
    %dma_start3A_40 = arith.constant 0 : i32
    %dma_start3A_41 = arith.constant 0 : i32
    %dma_start3A_42 = tpu.memref_slice %arg4[%add3A, %dma_start3A_40, %dma_start3A_41] : memref<32x80x125xi32, #tpu.memory_space<hbm>> -> memref<1x80x125xi32, #tpu.memory_space<hbm>>
    %dma_start3A_43 = tpu.memref_squeeze %dma_start3A_42 : memref<1x80x125xi32, #tpu.memory_space<hbm>> -> memref<80x125xi32, #tpu.memory_space<hbm>>
    %dma_start3A_44 = arith.constant 0 : i32
    %dma_start3A_45 = arith.constant 0 : i32
    %dma_start3A_46 = tpu.memref_slice %dma_start3A_43[%dma_start3A_44, %dma_start3A_45] : memref<80x125xi32, #tpu.memory_space<hbm>> -> memref<4x125xi32, #tpu.memory_space<hbm>>
    %dma_start3A_47 = arith.constant 0 : i32
    %dma_start3A_48 = arith.constant 0 : i32
    %dma_start3A_49 = tpu.memref_slice %arg4[%add3A, %dma_start3A_47, %dma_start3A_48] : memref<32x80x125xi32, #tpu.memory_space<hbm>> -> memref<1x80x125xi32, #tpu.memory_space<hbm>>
    %dma_start3A_50 = tpu.memref_squeeze %dma_start3A_49 : memref<1x80x125xi32, #tpu.memory_space<hbm>> -> memref<80x125xi32, #tpu.memory_space<hbm>>
    %dma_start3A_51 = arith.constant 0 : i32
    %dma_start3A_52 = arith.constant 0 : i32
    %dma_start3A_53 = tpu.memref_slice %dma_start3A_50[%dma_start3A_51, %dma_start3A_52] : memref<80x125xi32, #tpu.memory_space<hbm>> -> memref<4x125xi32, #tpu.memory_space<hbm>>
    tpu.enqueue_dma source(%dma_start3A_53 : memref<4x125xi32, #tpu.memory_space<hbm>>) target(%arg9 : memref<4x125xi32, #tpu.memory_space<vmem>>) target_semaphore(%arg19 : memref<!tpu.dma_semaphore, #tpu.memory_space<semaphore_mem>>)
    %add3A_54 = arith.constant 0 : i32
    %add3A_55 = arith.addi %mul3A_2, %add3A_54 : i32
    %dma_wait3A = arith.constant 0 : i32
    %dma_wait3A_56 = tpu.memref_slice %arg22[%add3A_55, %dma_wait3A] : memref<10000x32xf32, #tpu.memory_space<vmem_shared>> -> memref<125x32xf32, #tpu.memory_space<vmem_shared>>
    tpu.wait_dma2 semaphore(%arg21 : memref<!tpu.dma_semaphore, #tpu.memory_space<semaphore_mem>>) src(%arg5 : memref<125x32xf32, #tpu.memory_space<hbm>>) dst(%dma_wait3A_56 : memref<125x32xf32, #tpu.memory_space<vmem_shared>>)
    %add3A_57 = arith.constant 125 : i32
    %add3A_58 = arith.addi %mul3A_2, %add3A_57 : i32
    %dma_wait3A_59 = arith.constant 0 : i32
    %dma_wait3A_60 = tpu.memref_slice %arg22[%add3A_58, %dma_wait3A_59] : memref<10000x32xf32, #tpu.memory_space<vmem_shared>> -> memref<125x32xf32, #tpu.memory_space<vmem_shared>>
    tpu.wait_dma2 semaphore(%arg21 : memref<!tpu.dma_semaphore, #tpu.memory_space<semaphore_mem>>) src(%arg5 : memref<125x32xf32, #tpu.memory_space<hbm>>) dst(%dma_wait3A_60 : memref<125x32xf32, #tpu.memory_space<vmem_shared>>)
    %add3A_61 = arith.constant 250 : i32
    %add3A_62 = arith.addi %mul3A_2, %add3A_61 : i32
    %dma_wait3A_63 = arith.constant 0 : i32
    %dma_wait3A_64 = tpu.memref_slice %arg22[%add3A_62, %dma_wait3A_63] : memref<10000x32xf32, #tpu.memory_space<vmem_shared>> -> memref<125x32xf32, #tpu.memory_space<vmem_shared>>
    tpu.wait_dma2 semaphore(%arg21 : memref<!tpu.dma_semaphore, #tpu.memory_space<semaphore_mem>>) src(%arg5 : memref<125x32xf32, #tpu.memory_space<hbm>>) dst(%dma_wait3A_64 : memref<125x32xf32, #tpu.memory_space<vmem_shared>>)
    %add3A_65 = arith.constant 375 : i32
    %add3A_66 = arith.addi %mul3A_2, %add3A_65 : i32
    %dma_wait3A_67 = arith.constant 0 : i32
    %dma_wait3A_68 = tpu.memref_slice %arg22[%add3A_66, %dma_wait3A_67] : memref<10000x32xf32, #tpu.memory_space<vmem_shared>> -> memref<125x32xf32, #tpu.memory_space<vmem_shared>>
    tpu.wait_dma2 semaphore(%arg21 : memref<!tpu.dma_semaphore, #tpu.memory_space<semaphore_mem>>) src(%arg5 : memref<125x32xf32, #tpu.memory_space<hbm>>) dst(%dma_wait3A_68 : memref<125x32xf32, #tpu.memory_space<vmem_shared>>)
    %add3A_69 = arith.constant 500 : i32
    %add3A_70 = arith.addi %mul3A_2, %add3A_69 : i32
    %dma_wait3A_71 = arith.constant 0 : i32
    %dma_wait3A_72 = tpu.memref_slice %arg22[%add3A_70, %dma_wait3A_71] : memref<10000x32xf32, #tpu.memory_space<vmem_shared>> -> memref<125x32xf32, #tpu.memory_space<vmem_shared>>
    tpu.wait_dma2 semaphore(%arg21 : memref<!tpu.dma_semaphore, #tpu.memory_space<semaphore_mem>>) src(%arg5 : memref<125x32xf32, #tpu.memory_space<hbm>>) dst(%dma_wait3A_72 : memref<125x32xf32, #tpu.memory_space<vmem_shared>>)
    %dma_wait3A_73 = arith.constant 0 : i32
    %dma_wait3A_74 = tpu.memref_slice %arg23[%mul3A_2, %dma_wait3A_73] : memref<10000x32xf32, #tpu.memory_space<vmem_shared>> -> memref<625x32xf32, #tpu.memory_space<vmem_shared>>
    %dma_wait3A_75 = arith.constant 0 : i32
    %dma_wait3A_76 = tpu.memref_slice %arg2[%mul3A_2, %dma_wait3A_75] : memref<10000x32xf32, #tpu.memory_space<hbm>> -> memref<625x32xf32, #tpu.memory_space<hbm>>
    tpu.wait_dma2 semaphore(%arg21 : memref<!tpu.dma_semaphore, #tpu.memory_space<semaphore_mem>>) src(%dma_wait3A_76 : memref<625x32xf32, #tpu.memory_space<hbm>>) dst(%dma_wait3A_74 : memref<625x32xf32, #tpu.memory_space<vmem_shared>>)
    %barrier3A = arith.constant 0 : index
    tpu.barrier barrier_id(%barrier3A)
    %scan3A = arith.constant 0 : i32
    %scan3A_77 = arith.constant 0 : i32
    %scan3A_78 = arith.constant 10 : i32
    %scan3A_79 = arith.addi %scan3A_77, %scan3A_78 : i32
    %scan3A_80 = arith.constant 1 : i32
    scf.for %scan3A_83 = %scan3A_77 to %scan3A_79 step %scan3A_80  : i32 {
      %mul3A_84 = arith.constant 2 : i32
      %mul3A_85 = arith.muli %mul3A_84, %scan3A_83 : i32
      %mul3A_86 = arith.constant 4 : i32
      %mul3A_87 = arith.muli %mul3A_85, %mul3A_86 : i32
      %dma_wait3A_88 = arith.constant 0 : i32
      %dma_wait3A_89 = arith.constant 0 : i32
      %dma_wait3A_90 = tpu.memref_slice %arg3[%add3A, %dma_wait3A_88, %dma_wait3A_89] : memref<32x80x125xi32, #tpu.memory_space<hbm>> -> memref<1x80x125xi32, #tpu.memory_space<hbm>>
      %dma_wait3A_91 = tpu.memref_squeeze %dma_wait3A_90 : memref<1x80x125xi32, #tpu.memory_space<hbm>> -> memref<80x125xi32, #tpu.memory_space<hbm>>
      %dma_wait3A_92 = arith.constant 0 : i32
      %dma_wait3A_93 = tpu.memref_slice %dma_wait3A_91[%mul3A_87, %dma_wait3A_92] : memref<80x125xi32, #tpu.memory_space<hbm>> -> memref<4x125xi32, #tpu.memory_space<hbm>>
      %dma_wait3A_94 = arith.constant 0 : i32
      %dma_wait3A_95 = arith.constant 0 : i32
      %dma_wait3A_96 = tpu.memref_slice %arg3[%add3A, %dma_wait3A_94, %dma_wait3A_95] : memref<32x80x125xi32, #tpu.memory_space<hbm>> -> memref<1x80x125xi32, #tpu.memory_space<hbm>>
      %dma_wait3A_97 = tpu.memref_squeeze %dma_wait3A_96 : memref<1x80x125xi32, #tpu.memory_space<hbm>> -> memref<80x125xi32, #tpu.memory_space<hbm>>
      %dma_wait3A_98 = arith.constant 0 : i32
      %dma_wait3A_99 = tpu.memref_slice %dma_wait3A_97[%mul3A_87, %dma_wait3A_98] : memref<80x125xi32, #tpu.memory_space<hbm>> -> memref<4x125xi32, #tpu.memory_space<hbm>>
      tpu.wait_dma2 semaphore(%arg19 : memref<!tpu.dma_semaphore, #tpu.memory_space<semaphore_mem>>) src(%dma_wait3A_99 : memref<4x125xi32, #tpu.memory_space<hbm>>) dst(%arg7 : memref<4x125xi32, #tpu.memory_space<vmem>>)
      %mul3A_100 = arith.constant 4 : i32
      %mul3A_101 = arith.muli %mul3A_85, %mul3A_100 : i32
      %dma_wait3A_102 = arith.constant 0 : i32
      %dma_wait3A_103 = arith.constant 0 : i32
      %dma_wait3A_104 = tpu.memref_slice %arg4[%add3A, %dma_wait3A_102, %dma_wait3A_103] : memref<32x80x125xi32, #tpu.memory_space<hbm>> -> memref<1x80x125xi32, #tpu.memory_space<hbm>>
      %dma_wait3A_105 = tpu.memref_squeeze %dma_wait3A_104 : memref<1x80x125xi32, #tpu.memory_space<hbm>> -> memref<80x125xi32, #tpu.memory_space<hbm>>
      %dma_wait3A_106 = arith.constant 0 : i32
      %dma_wait3A_107 = tpu.memref_slice %dma_wait3A_105[%mul3A_101, %dma_wait3A_106] : memref<80x125xi32, #tpu.memory_space<hbm>> -> memref<4x125xi32, #tpu.memory_space<hbm>>
      %dma_wait3A_108 = arith.constant 0 : i32
      %dma_wait3A_109 = arith.constant 0 : i32
      %dma_wait3A_110 = tpu.memref_slice %arg4[%add3A, %dma_wait3A_108, %dma_wait3A_109] : memref<32x80x125xi32, #tpu.memory_space<hbm>> -> memref<1x80x125xi32, #tpu.memory_space<hbm>>
      %dma_wait3A_111 = tpu.memref_squeeze %dma_wait3A_110 : memref<1x80x125xi32, #tpu.memory_space<hbm>> -> memref<80x125xi32, #tpu.memory_space<hbm>>
      %dma_wait3A_112 = arith.constant 0 : i32
      %dma_wait3A_113 = tpu.memref_slice %dma_wait3A_111[%mul3A_101, %dma_wait3A_112] : memref<80x125xi32, #tpu.memory_space<hbm>> -> memref<4x125xi32, #tpu.memory_space<hbm>>
      tpu.wait_dma2 semaphore(%arg19 : memref<!tpu.dma_semaphore, #tpu.memory_space<semaphore_mem>>) src(%dma_wait3A_113 : memref<4x125xi32, #tpu.memory_space<hbm>>) dst(%arg9 : memref<4x125xi32, #tpu.memory_space<vmem>>)
      %mul3A_114 = arith.constant 2 : i32
      %mul3A_115 = arith.muli %mul3A_114, %scan3A_83 : i32
      %add3A_116 = arith.constant 1 : i32
      %add3A_117 = arith.addi %mul3A_115, %add3A_116 : i32
      %mul3A_118 = arith.constant 4 : i32
      %mul3A_119 = arith.muli %add3A_117, %mul3A_118 : i32
      %dma_start3A_120 = arith.constant 0 : i32
      %dma_start3A_121 = arith.constant 0 : i32
      %dma_start3A_122 = tpu.memref_slice %arg3[%add3A, %dma_start3A_120, %dma_start3A_121] : memref<32x80x125xi32, #tpu.memory_space<hbm>> -> memref<1x80x125xi32, #tpu.memory_space<hbm>>
      %dma_start3A_123 = tpu.memref_squeeze %dma_start3A_122 : memref<1x80x125xi32, #tpu.memory_space<hbm>> -> memref<80x125xi32, #tpu.memory_space<hbm>>
      %dma_start3A_124 = arith.constant 0 : i32
      %dma_start3A_125 = tpu.memref_slice %dma_start3A_123[%mul3A_119, %dma_start3A_124] : memref<80x125xi32, #tpu.memory_space<hbm>> -> memref<4x125xi32, #tpu.memory_space<hbm>>
      %dma_start3A_126 = arith.constant 0 : i32
      %dma_start3A_127 = arith.constant 0 : i32
      %dma_start3A_128 = tpu.memref_slice %arg3[%add3A, %dma_start3A_126, %dma_start3A_127] : memref<32x80x125xi32, #tpu.memory_space<hbm>> -> memref<1x80x125xi32, #tpu.memory_space<hbm>>
      %dma_start3A_129 = tpu.memref_squeeze %dma_start3A_128 : memref<1x80x125xi32, #tpu.memory_space<hbm>> -> memref<80x125xi32, #tpu.memory_space<hbm>>
      %dma_start3A_130 = arith.constant 0 : i32
      %dma_start3A_131 = tpu.memref_slice %dma_start3A_129[%mul3A_119, %dma_start3A_130] : memref<80x125xi32, #tpu.memory_space<hbm>> -> memref<4x125xi32, #tpu.memory_space<hbm>>
      tpu.enqueue_dma source(%dma_start3A_131 : memref<4x125xi32, #tpu.memory_space<hbm>>) target(%arg8 : memref<4x125xi32, #tpu.memory_space<vmem>>) target_semaphore(%arg20 : memref<!tpu.dma_semaphore, #tpu.memory_space<semaphore_mem>>)
      %mul3A_132 = arith.constant 4 : i32
      %mul3A_133 = arith.muli %add3A_117, %mul3A_132 : i32
      %dma_start3A_134 = arith.constant 0 : i32
      %dma_start3A_135 = arith.constant 0 : i32
      %dma_start3A_136 = tpu.memref_slice %arg4[%add3A, %dma_start3A_134, %dma_start3A_135] : memref<32x80x125xi32, #tpu.memory_space<hbm>> -> memref<1x80x125xi32, #tpu.memory_space<hbm>>
      %dma_start3A_137 = tpu.memref_squeeze %dma_start3A_136 : memref<1x80x125xi32, #tpu.memory_space<hbm>> -> memref<80x125xi32, #tpu.memory_space<hbm>>
      %dma_start3A_138 = arith.constant 0 : i32
      %dma_start3A_139 = tpu.memref_slice %dma_start3A_137[%mul3A_133, %dma_start3A_138] : memref<80x125xi32, #tpu.memory_space<hbm>> -> memref<4x125xi32, #tpu.memory_space<hbm>>
      %dma_start3A_140 = arith.constant 0 : i32
      %dma_start3A_141 = arith.constant 0 : i32
      %dma_start3A_142 = tpu.memref_slice %arg4[%add3A, %dma_start3A_140, %dma_start3A_141] : memref<32x80x125xi32, #tpu.memory_space<hbm>> -> memref<1x80x125xi32, #tpu.memory_space<hbm>>
      %dma_start3A_143 = tpu.memref_squeeze %dma_start3A_142 : memref<1x80x125xi32, #tpu.memory_space<hbm>> -> memref<80x125xi32, #tpu.memory_space<hbm>>
      %dma_start3A_144 = arith.constant 0 : i32
      %dma_start3A_145 = tpu.memref_slice %dma_start3A_143[%mul3A_133, %dma_start3A_144] : memref<80x125xi32, #tpu.memory_space<hbm>> -> memref<4x125xi32, #tpu.memory_space<hbm>>
      tpu.enqueue_dma source(%dma_start3A_145 : memref<4x125xi32, #tpu.memory_space<hbm>>) target(%arg10 : memref<4x125xi32, #tpu.memory_space<vmem>>) target_semaphore(%arg20 : memref<!tpu.dma_semaphore, #tpu.memory_space<semaphore_mem>>)
      %mul3A_146 = arith.constant 2 : i32
      %mul3A_147 = arith.muli %mul3A_146, %scan3A_83 : i32
      %dma_start3A_148 = arith.constant 0 : i32
      %dma_start3A_149 = arith.constant 0 : i32
      %dma_start3A_150 = tpu.memref_slice %arg7[%dma_start3A_148, %dma_start3A_149] : memref<4x125xi32, #tpu.memory_space<vmem>> -> memref<1x125xi32, #tpu.memory_space<vmem>>
      %dma_start3A_151 = tpu.memref_squeeze %dma_start3A_150 : memref<1x125xi32, #tpu.memory_space<vmem>> -> memref<125xi32, #tpu.memory_space<vmem>>
      %dma_start3A_152 = arith.constant 0 : i32
      %dma_start3A_153 = arith.constant 0 : i32
      %dma_start3A_154 = tpu.memref_slice %arg23[%dma_start3A_152, %dma_start3A_153] : memref<10000x32xf32, #tpu.memory_space<vmem_shared>> -> memref<10000x32xf32, #tpu.memory_space<vmem_shared>>
      tpu.enqueue_indirect_dma source(%dma_start3A_154 : memref<10000x32xf32, #tpu.memory_space<vmem_shared>>) target(%arg11 : memref<125x32xf32, #tpu.memory_space<vmem>>) offsets(%dma_start3A_151 : memref<125xi32, #tpu.memory_space<vmem>>) semaphore(%arg15 : memref<!tpu.dma_semaphore, #tpu.memory_space<semaphore_mem>>)
      %dma_start3A_155 = arith.constant 1 : i32
      %dma_start3A_156 = arith.constant 0 : i32
      %dma_start3A_157 = tpu.memref_slice %arg7[%dma_start3A_155, %dma_start3A_156] : memref<4x125xi32, #tpu.memory_space<vmem>> -> memref<1x125xi32, #tpu.memory_space<vmem>>
      %dma_start3A_158 = tpu.memref_squeeze %dma_start3A_157 : memref<1x125xi32, #tpu.memory_space<vmem>> -> memref<125xi32, #tpu.memory_space<vmem>>
      %dma_start3A_159 = arith.constant 0 : i32
      %dma_start3A_160 = arith.constant 0 : i32
      %dma_start3A_161 = tpu.memref_slice %arg23[%dma_start3A_159, %dma_start3A_160] : memref<10000x32xf32, #tpu.memory_space<vmem_shared>> -> memref<10000x32xf32, #tpu.memory_space<vmem_shared>>
      tpu.enqueue_indirect_dma source(%dma_start3A_161 : memref<10000x32xf32, #tpu.memory_space<vmem_shared>>) target(%arg12 : memref<125x32xf32, #tpu.memory_space<vmem>>) offsets(%dma_start3A_158 : memref<125xi32, #tpu.memory_space<vmem>>) semaphore(%arg16 : memref<!tpu.dma_semaphore, #tpu.memory_space<semaphore_mem>>)
      %dma_start3A_162 = arith.constant 2 : i32
      %dma_start3A_163 = arith.constant 0 : i32
      %dma_start3A_164 = tpu.memref_slice %arg7[%dma_start3A_162, %dma_start3A_163] : memref<4x125xi32, #tpu.memory_space<vmem>> -> memref<1x125xi32, #tpu.memory_space<vmem>>
      %dma_start3A_165 = tpu.memref_squeeze %dma_start3A_164 : memref<1x125xi32, #tpu.memory_space<vmem>> -> memref<125xi32, #tpu.memory_space<vmem>>
      %dma_start3A_166 = arith.constant 0 : i32
      %dma_start3A_167 = arith.constant 0 : i32
      %dma_start3A_168 = tpu.memref_slice %arg23[%dma_start3A_166, %dma_start3A_167] : memref<10000x32xf32, #tpu.memory_space<vmem_shared>> -> memref<10000x32xf32, #tpu.memory_space<vmem_shared>>
      tpu.enqueue_indirect_dma source(%dma_start3A_168 : memref<10000x32xf32, #tpu.memory_space<vmem_shared>>) target(%arg13 : memref<125x32xf32, #tpu.memory_space<vmem>>) offsets(%dma_start3A_165 : memref<125xi32, #tpu.memory_space<vmem>>) semaphore(%arg17 : memref<!tpu.dma_semaphore, #tpu.memory_space<semaphore_mem>>)
      %dma_start3A_169 = arith.constant 3 : i32
      %dma_start3A_170 = arith.constant 0 : i32
      %dma_start3A_171 = tpu.memref_slice %arg7[%dma_start3A_169, %dma_start3A_170] : memref<4x125xi32, #tpu.memory_space<vmem>> -> memref<1x125xi32, #tpu.memory_space<vmem>>
      %dma_start3A_172 = tpu.memref_squeeze %dma_start3A_171 : memref<1x125xi32, #tpu.memory_space<vmem>> -> memref<125xi32, #tpu.memory_space<vmem>>
      %dma_start3A_173 = arith.constant 0 : i32
      %dma_start3A_174 = arith.constant 0 : i32
      %dma_start3A_175 = tpu.memref_slice %arg23[%dma_start3A_173, %dma_start3A_174] : memref<10000x32xf32, #tpu.memory_space<vmem_shared>> -> memref<10000x32xf32, #tpu.memory_space<vmem_shared>>
      tpu.enqueue_indirect_dma source(%dma_start3A_175 : memref<10000x32xf32, #tpu.memory_space<vmem_shared>>) target(%arg14 : memref<125x32xf32, #tpu.memory_space<vmem>>) offsets(%dma_start3A_172 : memref<125xi32, #tpu.memory_space<vmem>>) semaphore(%arg18 : memref<!tpu.dma_semaphore, #tpu.memory_space<semaphore_mem>>)
      %dma_wait3A_176 = arith.constant 0 : i32
      %dma_wait3A_177 = arith.constant 0 : i32
      %dma_wait3A_178 = tpu.memref_slice %arg7[%dma_wait3A_176, %dma_wait3A_177] : memref<4x125xi32, #tpu.memory_space<vmem>> -> memref<1x125xi32, #tpu.memory_space<vmem>>
      %dma_wait3A_179 = tpu.memref_squeeze %dma_wait3A_178 : memref<1x125xi32, #tpu.memory_space<vmem>> -> memref<125xi32, #tpu.memory_space<vmem>>
      %dma_wait3A_180 = arith.constant 0 : i32
      %dma_wait3A_181 = arith.constant 0 : i32
      %dma_wait3A_182 = tpu.memref_slice %arg23[%dma_wait3A_180, %dma_wait3A_181] : memref<10000x32xf32, #tpu.memory_space<vmem_shared>> -> memref<10000x32xf32, #tpu.memory_space<vmem_shared>>
      tpu.wait_indirect_dma semaphore(%arg15 : memref<!tpu.dma_semaphore, #tpu.memory_space<semaphore_mem>>) src(%dma_wait3A_182 : memref<10000x32xf32, #tpu.memory_space<vmem_shared>>) dst(%arg11 : memref<125x32xf32, #tpu.memory_space<vmem>>)
      %run_scoped3A = arith.constant 0 : i32
      "tpu.region"() ({
        %run_scoped3A_305 = tpu.sem_alloc : memref<!tpu.dma_semaphore, #tpu.memory_space<semaphore_mem>>
        %dma_start3A_306 = arith.constant 0 : i32
        %dma_start3A_307 = tpu.memref_slice %arg9[%run_scoped3A, %dma_start3A_306] : memref<4x125xi32, #tpu.memory_space<vmem>> -> memref<1x125xi32, #tpu.memory_space<vmem>>
        %dma_start3A_308 = tpu.memref_squeeze %dma_start3A_307 : memref<1x125xi32, #tpu.memory_space<vmem>> -> memref<125xi32, #tpu.memory_space<vmem>>
        %dma_start3A_309 = arith.constant 0 : i32
        %dma_start3A_310 = arith.constant 0 : i32
        %dma_start3A_311 = tpu.memref_slice %arg22[%dma_start3A_309, %dma_start3A_310] : memref<10000x32xf32, #tpu.memory_space<vmem_shared>> -> memref<10000x32xf32, #tpu.memory_space<vmem_shared>>
        tpu.enqueue_indirect_dma source(%arg11 : memref<125x32xf32, #tpu.memory_space<vmem>>) target(%dma_start3A_311 : memref<10000x32xf32, #tpu.memory_space<vmem_shared>>) offsets(%dma_start3A_308 : memref<125xi32, #tpu.memory_space<vmem>>) semaphore(%run_scoped3A_305 : memref<!tpu.dma_semaphore, #tpu.memory_space<semaphore_mem>>) {add = true}
        %dma_wait3A_312 = arith.constant 0 : i32
        %dma_wait3A_313 = tpu.memref_slice %arg9[%run_scoped3A, %dma_wait3A_312] : memref<4x125xi32, #tpu.memory_space<vmem>> -> memref<1x125xi32, #tpu.memory_space<vmem>>
        %dma_wait3A_314 = tpu.memref_squeeze %dma_wait3A_313 : memref<1x125xi32, #tpu.memory_space<vmem>> -> memref<125xi32, #tpu.memory_space<vmem>>
        %dma_wait3A_315 = arith.constant 0 : i32
        %dma_wait3A_316 = arith.constant 0 : i32
        %dma_wait3A_317 = tpu.memref_slice %arg22[%dma_wait3A_315, %dma_wait3A_316] : memref<10000x32xf32, #tpu.memory_space<vmem_shared>> -> memref<10000x32xf32, #tpu.memory_space<vmem_shared>>
        tpu.wait_indirect_dma semaphore(%run_scoped3A_305 : memref<!tpu.dma_semaphore, #tpu.memory_space<semaphore_mem>>) src(%arg11 : memref<125x32xf32, #tpu.memory_space<vmem>>) dst(%dma_wait3A_317 : memref<10000x32xf32, #tpu.memory_space<vmem_shared>>)
        tpu.yield
      }) : () -> ()
      %dma_wait3A_183 = arith.constant 1 : i32
      %dma_wait3A_184 = arith.constant 0 : i32
      %dma_wait3A_185 = tpu.memref_slice %arg7[%dma_wait3A_183, %dma_wait3A_184] : memref<4x125xi32, #tpu.memory_space<vmem>> -> memref<1x125xi32, #tpu.memory_space<vmem>>
      %dma_wait3A_186 = tpu.memref_squeeze %dma_wait3A_185 : memref<1x125xi32, #tpu.memory_space<vmem>> -> memref<125xi32, #tpu.memory_space<vmem>>
      %dma_wait3A_187 = arith.constant 0 : i32
      %dma_wait3A_188 = arith.constant 0 : i32
      %dma_wait3A_189 = tpu.memref_slice %arg23[%dma_wait3A_187, %dma_wait3A_188] : memref<10000x32xf32, #tpu.memory_space<vmem_shared>> -> memref<10000x32xf32, #tpu.memory_space<vmem_shared>>
      tpu.wait_indirect_dma semaphore(%arg16 : memref<!tpu.dma_semaphore, #tpu.memory_space<semaphore_mem>>) src(%dma_wait3A_189 : memref<10000x32xf32, #tpu.memory_space<vmem_shared>>) dst(%arg12 : memref<125x32xf32, #tpu.memory_space<vmem>>)
      %run_scoped3A_190 = arith.constant 1 : i32
      "tpu.region"() ({
        %run_scoped3A_305 = tpu.sem_alloc : memref<!tpu.dma_semaphore, #tpu.memory_space<semaphore_mem>>
        %dma_start3A_306 = arith.constant 0 : i32
        %dma_start3A_307 = tpu.memref_slice %arg9[%run_scoped3A_190, %dma_start3A_306] : memref<4x125xi32, #tpu.memory_space<vmem>> -> memref<1x125xi32, #tpu.memory_space<vmem>>
        %dma_start3A_308 = tpu.memref_squeeze %dma_start3A_307 : memref<1x125xi32, #tpu.memory_space<vmem>> -> memref<125xi32, #tpu.memory_space<vmem>>
        %dma_start3A_309 = arith.constant 0 : i32
        %dma_start3A_310 = arith.constant 0 : i32
        %dma_start3A_311 = tpu.memref_slice %arg22[%dma_start3A_309, %dma_start3A_310] : memref<10000x32xf32, #tpu.memory_space<vmem_shared>> -> memref<10000x32xf32, #tpu.memory_space<vmem_shared>>
        tpu.enqueue_indirect_dma source(%arg12 : memref<125x32xf32, #tpu.memory_space<vmem>>) target(%dma_start3A_311 : memref<10000x32xf32, #tpu.memory_space<vmem_shared>>) offsets(%dma_start3A_308 : memref<125xi32, #tpu.memory_space<vmem>>) semaphore(%run_scoped3A_305 : memref<!tpu.dma_semaphore, #tpu.memory_space<semaphore_mem>>) {add = true}
        %dma_wait3A_312 = arith.constant 0 : i32
        %dma_wait3A_313 = tpu.memref_slice %arg9[%run_scoped3A_190, %dma_wait3A_312] : memref<4x125xi32, #tpu.memory_space<vmem>> -> memref<1x125xi32, #tpu.memory_space<vmem>>
        %dma_wait3A_314 = tpu.memref_squeeze %dma_wait3A_313 : memref<1x125xi32, #tpu.memory_space<vmem>> -> memref<125xi32, #tpu.memory_space<vmem>>
        %dma_wait3A_315 = arith.constant 0 : i32
        %dma_wait3A_316 = arith.constant 0 : i32
        %dma_wait3A_317 = tpu.memref_slice %arg22[%dma_wait3A_315, %dma_wait3A_316] : memref<10000x32xf32, #tpu.memory_space<vmem_shared>> -> memref<10000x32xf32, #tpu.memory_space<vmem_shared>>
        tpu.wait_indirect_dma semaphore(%run_scoped3A_305 : memref<!tpu.dma_semaphore, #tpu.memory_space<semaphore_mem>>) src(%arg12 : memref<125x32xf32, #tpu.memory_space<vmem>>) dst(%dma_wait3A_317 : memref<10000x32xf32, #tpu.memory_space<vmem_shared>>)
        tpu.yield
      }) : () -> ()
      %dma_wait3A_191 = arith.constant 2 : i32
      %dma_wait3A_192 = arith.constant 0 : i32
      %dma_wait3A_193 = tpu.memref_slice %arg7[%dma_wait3A_191, %dma_wait3A_192] : memref<4x125xi32, #tpu.memory_space<vmem>> -> memref<1x125xi32, #tpu.memory_space<vmem>>
      %dma_wait3A_194 = tpu.memref_squeeze %dma_wait3A_193 : memref<1x125xi32, #tpu.memory_space<vmem>> -> memref<125xi32, #tpu.memory_space<vmem>>
      %dma_wait3A_195 = arith.constant 0 : i32
      %dma_wait3A_196 = arith.constant 0 : i32
      %dma_wait3A_197 = tpu.memref_slice %arg23[%dma_wait3A_195, %dma_wait3A_196] : memref<10000x32xf32, #tpu.memory_space<vmem_shared>> -> memref<10000x32xf32, #tpu.memory_space<vmem_shared>>
      tpu.wait_indirect_dma semaphore(%arg17 : memref<!tpu.dma_semaphore, #tpu.memory_space<semaphore_mem>>) src(%dma_wait3A_197 : memref<10000x32xf32, #tpu.memory_space<vmem_shared>>) dst(%arg13 : memref<125x32xf32, #tpu.memory_space<vmem>>)
      %run_scoped3A_198 = arith.constant 2 : i32
      "tpu.region"() ({
        %run_scoped3A_305 = tpu.sem_alloc : memref<!tpu.dma_semaphore, #tpu.memory_space<semaphore_mem>>
        %dma_start3A_306 = arith.constant 0 : i32
        %dma_start3A_307 = tpu.memref_slice %arg9[%run_scoped3A_198, %dma_start3A_306] : memref<4x125xi32, #tpu.memory_space<vmem>> -> memref<1x125xi32, #tpu.memory_space<vmem>>
        %dma_start3A_308 = tpu.memref_squeeze %dma_start3A_307 : memref<1x125xi32, #tpu.memory_space<vmem>> -> memref<125xi32, #tpu.memory_space<vmem>>
        %dma_start3A_309 = arith.constant 0 : i32
        %dma_start3A_310 = arith.constant 0 : i32
        %dma_start3A_311 = tpu.memref_slice %arg22[%dma_start3A_309, %dma_start3A_310] : memref<10000x32xf32, #tpu.memory_space<vmem_shared>> -> memref<10000x32xf32, #tpu.memory_space<vmem_shared>>
        tpu.enqueue_indirect_dma source(%arg13 : memref<125x32xf32, #tpu.memory_space<vmem>>) target(%dma_start3A_311 : memref<10000x32xf32, #tpu.memory_space<vmem_shared>>) offsets(%dma_start3A_308 : memref<125xi32, #tpu.memory_space<vmem>>) semaphore(%run_scoped3A_305 : memref<!tpu.dma_semaphore, #tpu.memory_space<semaphore_mem>>) {add = true}
        %dma_wait3A_312 = arith.constant 0 : i32
        %dma_wait3A_313 = tpu.memref_slice %arg9[%run_scoped3A_198, %dma_wait3A_312] : memref<4x125xi32, #tpu.memory_space<vmem>> -> memref<1x125xi32, #tpu.memory_space<vmem>>
        %dma_wait3A_314 = tpu.memref_squeeze %dma_wait3A_313 : memref<1x125xi32, #tpu.memory_space<vmem>> -> memref<125xi32, #tpu.memory_space<vmem>>
        %dma_wait3A_315 = arith.constant 0 : i32
        %dma_wait3A_316 = arith.constant 0 : i32
        %dma_wait3A_317 = tpu.memref_slice %arg22[%dma_wait3A_315, %dma_wait3A_316] : memref<10000x32xf32, #tpu.memory_space<vmem_shared>> -> memref<10000x32xf32, #tpu.memory_space<vmem_shared>>
        tpu.wait_indirect_dma semaphore(%run_scoped3A_305 : memref<!tpu.dma_semaphore, #tpu.memory_space<semaphore_mem>>) src(%arg13 : memref<125x32xf32, #tpu.memory_space<vmem>>) dst(%dma_wait3A_317 : memref<10000x32xf32, #tpu.memory_space<vmem_shared>>)
        tpu.yield
      }) : () -> ()
      %dma_wait3A_199 = arith.constant 3 : i32
      %dma_wait3A_200 = arith.constant 0 : i32
      %dma_wait3A_201 = tpu.memref_slice %arg7[%dma_wait3A_199, %dma_wait3A_200] : memref<4x125xi32, #tpu.memory_space<vmem>> -> memref<1x125xi32, #tpu.memory_space<vmem>>
      %dma_wait3A_202 = tpu.memref_squeeze %dma_wait3A_201 : memref<1x125xi32, #tpu.memory_space<vmem>> -> memref<125xi32, #tpu.memory_space<vmem>>
      %dma_wait3A_203 = arith.constant 0 : i32
      %dma_wait3A_204 = arith.constant 0 : i32
      %dma_wait3A_205 = tpu.memref_slice %arg23[%dma_wait3A_203, %dma_wait3A_204] : memref<10000x32xf32, #tpu.memory_space<vmem_shared>> -> memref<10000x32xf32, #tpu.memory_space<vmem_shared>>
      tpu.wait_indirect_dma semaphore(%arg18 : memref<!tpu.dma_semaphore, #tpu.memory_space<semaphore_mem>>) src(%dma_wait3A_205 : memref<10000x32xf32, #tpu.memory_space<vmem_shared>>) dst(%arg14 : memref<125x32xf32, #tpu.memory_space<vmem>>)
      %run_scoped3A_206 = arith.constant 3 : i32
      "tpu.region"() ({
        %run_scoped3A_305 = tpu.sem_alloc : memref<!tpu.dma_semaphore, #tpu.memory_space<semaphore_mem>>
        %dma_start3A_306 = arith.constant 0 : i32
        %dma_start3A_307 = tpu.memref_slice %arg9[%run_scoped3A_206, %dma_start3A_306] : memref<4x125xi32, #tpu.memory_space<vmem>> -> memref<1x125xi32, #tpu.memory_space<vmem>>
        %dma_start3A_308 = tpu.memref_squeeze %dma_start3A_307 : memref<1x125xi32, #tpu.memory_space<vmem>> -> memref<125xi32, #tpu.memory_space<vmem>>
        %dma_start3A_309 = arith.constant 0 : i32
        %dma_start3A_310 = arith.constant 0 : i32
        %dma_start3A_311 = tpu.memref_slice %arg22[%dma_start3A_309, %dma_start3A_310] : memref<10000x32xf32, #tpu.memory_space<vmem_shared>> -> memref<10000x32xf32, #tpu.memory_space<vmem_shared>>
        tpu.enqueue_indirect_dma source(%arg14 : memref<125x32xf32, #tpu.memory_space<vmem>>) target(%dma_start3A_311 : memref<10000x32xf32, #tpu.memory_space<vmem_shared>>) offsets(%dma_start3A_308 : memref<125xi32, #tpu.memory_space<vmem>>) semaphore(%run_scoped3A_305 : memref<!tpu.dma_semaphore, #tpu.memory_space<semaphore_mem>>) {add = true}
        %dma_wait3A_312 = arith.constant 0 : i32
        %dma_wait3A_313 = tpu.memref_slice %arg9[%run_scoped3A_206, %dma_wait3A_312] : memref<4x125xi32, #tpu.memory_space<vmem>> -> memref<1x125xi32, #tpu.memory_space<vmem>>
        %dma_wait3A_314 = tpu.memref_squeeze %dma_wait3A_313 : memref<1x125xi32, #tpu.memory_space<vmem>> -> memref<125xi32, #tpu.memory_space<vmem>>
        %dma_wait3A_315 = arith.constant 0 : i32
        %dma_wait3A_316 = arith.constant 0 : i32
        %dma_wait3A_317 = tpu.memref_slice %arg22[%dma_wait3A_315, %dma_wait3A_316] : memref<10000x32xf32, #tpu.memory_space<vmem_shared>> -> memref<10000x32xf32, #tpu.memory_space<vmem_shared>>
        tpu.wait_indirect_dma semaphore(%run_scoped3A_305 : memref<!tpu.dma_semaphore, #tpu.memory_space<semaphore_mem>>) src(%arg14 : memref<125x32xf32, #tpu.memory_space<vmem>>) dst(%dma_wait3A_317 : memref<10000x32xf32, #tpu.memory_space<vmem_shared>>)
        tpu.yield
      }) : () -> ()
      %mul3A_207 = arith.constant 2 : i32
      %mul3A_208 = arith.muli %mul3A_207, %scan3A_83 : i32
      %add3A_209 = arith.constant 1 : i32
      %add3A_210 = arith.addi %mul3A_208, %add3A_209 : i32
      %mul3A_211 = arith.constant 4 : i32
      %mul3A_212 = arith.muli %add3A_210, %mul3A_211 : i32
      %dma_wait3A_213 = arith.constant 0 : i32
      %dma_wait3A_214 = arith.constant 0 : i32
      %dma_wait3A_215 = tpu.memref_slice %arg3[%add3A, %dma_wait3A_213, %dma_wait3A_214] : memref<32x80x125xi32, #tpu.memory_space<hbm>> -> memref<1x80x125xi32, #tpu.memory_space<hbm>>
      %dma_wait3A_216 = tpu.memref_squeeze %dma_wait3A_215 : memref<1x80x125xi32, #tpu.memory_space<hbm>> -> memref<80x125xi32, #tpu.memory_space<hbm>>
      %dma_wait3A_217 = arith.constant 0 : i32
      %dma_wait3A_218 = tpu.memref_slice %dma_wait3A_216[%mul3A_212, %dma_wait3A_217] : memref<80x125xi32, #tpu.memory_space<hbm>> -> memref<4x125xi32, #tpu.memory_space<hbm>>
      %dma_wait3A_219 = arith.constant 0 : i32
      %dma_wait3A_220 = arith.constant 0 : i32
      %dma_wait3A_221 = tpu.memref_slice %arg3[%add3A, %dma_wait3A_219, %dma_wait3A_220] : memref<32x80x125xi32, #tpu.memory_space<hbm>> -> memref<1x80x125xi32, #tpu.memory_space<hbm>>
      %dma_wait3A_222 = tpu.memref_squeeze %dma_wait3A_221 : memref<1x80x125xi32, #tpu.memory_space<hbm>> -> memref<80x125xi32, #tpu.memory_space<hbm>>
      %dma_wait3A_223 = arith.constant 0 : i32
      %dma_wait3A_224 = tpu.memref_slice %dma_wait3A_222[%mul3A_212, %dma_wait3A_223] : memref<80x125xi32, #tpu.memory_space<hbm>> -> memref<4x125xi32, #tpu.memory_space<hbm>>
      tpu.wait_dma2 semaphore(%arg20 : memref<!tpu.dma_semaphore, #tpu.memory_space<semaphore_mem>>) src(%dma_wait3A_224 : memref<4x125xi32, #tpu.memory_space<hbm>>) dst(%arg8 : memref<4x125xi32, #tpu.memory_space<vmem>>)
      %mul3A_225 = arith.constant 4 : i32
      %mul3A_226 = arith.muli %add3A_210, %mul3A_225 : i32
      %dma_wait3A_227 = arith.constant 0 : i32
      %dma_wait3A_228 = arith.constant 0 : i32
      %dma_wait3A_229 = tpu.memref_slice %arg4[%add3A, %dma_wait3A_227, %dma_wait3A_228] : memref<32x80x125xi32, #tpu.memory_space<hbm>> -> memref<1x80x125xi32, #tpu.memory_space<hbm>>
      %dma_wait3A_230 = tpu.memref_squeeze %dma_wait3A_229 : memref<1x80x125xi32, #tpu.memory_space<hbm>> -> memref<80x125xi32, #tpu.memory_space<hbm>>
      %dma_wait3A_231 = arith.constant 0 : i32
      %dma_wait3A_232 = tpu.memref_slice %dma_wait3A_230[%mul3A_226, %dma_wait3A_231] : memref<80x125xi32, #tpu.memory_space<hbm>> -> memref<4x125xi32, #tpu.memory_space<hbm>>
      %dma_wait3A_233 = arith.constant 0 : i32
      %dma_wait3A_234 = arith.constant 0 : i32
      %dma_wait3A_235 = tpu.memref_slice %arg4[%add3A, %dma_wait3A_233, %dma_wait3A_234] : memref<32x80x125xi32, #tpu.memory_space<hbm>> -> memref<1x80x125xi32, #tpu.memory_space<hbm>>
      %dma_wait3A_236 = tpu.memref_squeeze %dma_wait3A_235 : memref<1x80x125xi32, #tpu.memory_space<hbm>> -> memref<80x125xi32, #tpu.memory_space<hbm>>
      %dma_wait3A_237 = arith.constant 0 : i32
      %dma_wait3A_238 = tpu.memref_slice %dma_wait3A_236[%mul3A_226, %dma_wait3A_237] : memref<80x125xi32, #tpu.memory_space<hbm>> -> memref<4x125xi32, #tpu.memory_space<hbm>>
      tpu.wait_dma2 semaphore(%arg20 : memref<!tpu.dma_semaphore, #tpu.memory_space<semaphore_mem>>) src(%dma_wait3A_238 : memref<4x125xi32, #tpu.memory_space<hbm>>) dst(%arg10 : memref<4x125xi32, #tpu.memory_space<vmem>>)
      %lt3A = arith.constant 9 : i32
      %lt3A_239 = arith.cmpi slt, %scan3A_83, %lt3A : i32
      %convert_element_type3A = arith.extui %lt3A_239 : i1 to i32
      %cond3A = arith.constant 0 : i32
      %cond3A_240 = arith.cmpi ne, %convert_element_type3A, %cond3A : i32
      scf.if %cond3A_240 {
        %mul3A_305 = arith.constant 2 : i32
        %mul3A_306 = arith.muli %mul3A_305, %scan3A_83 : i32
        %add3A_307 = arith.constant 2 : i32
        %add3A_308 = arith.addi %mul3A_306, %add3A_307 : i32
        %mul3A_309 = arith.constant 4 : i32
        %mul3A_310 = arith.muli %add3A_308, %mul3A_309 : i32
        %dma_start3A_311 = arith.constant 0 : i32
        %dma_start3A_312 = arith.constant 0 : i32
        %dma_start3A_313 = tpu.memref_slice %arg3[%add3A, %dma_start3A_311, %dma_start3A_312] : memref<32x80x125xi32, #tpu.memory_space<hbm>> -> memref<1x80x125xi32, #tpu.memory_space<hbm>>
        %dma_start3A_314 = tpu.memref_squeeze %dma_start3A_313 : memref<1x80x125xi32, #tpu.memory_space<hbm>> -> memref<80x125xi32, #tpu.memory_space<hbm>>
        %dma_start3A_315 = arith.constant 0 : i32
        %dma_start3A_316 = tpu.memref_slice %dma_start3A_314[%mul3A_310, %dma_start3A_315] : memref<80x125xi32, #tpu.memory_space<hbm>> -> memref<4x125xi32, #tpu.memory_space<hbm>>
        %dma_start3A_317 = arith.constant 0 : i32
        %dma_start3A_318 = arith.constant 0 : i32
        %dma_start3A_319 = tpu.memref_slice %arg3[%add3A, %dma_start3A_317, %dma_start3A_318] : memref<32x80x125xi32, #tpu.memory_space<hbm>> -> memref<1x80x125xi32, #tpu.memory_space<hbm>>
        %dma_start3A_320 = tpu.memref_squeeze %dma_start3A_319 : memref<1x80x125xi32, #tpu.memory_space<hbm>> -> memref<80x125xi32, #tpu.memory_space<hbm>>
        %dma_start3A_321 = arith.constant 0 : i32
        %dma_start3A_322 = tpu.memref_slice %dma_start3A_320[%mul3A_310, %dma_start3A_321] : memref<80x125xi32, #tpu.memory_space<hbm>> -> memref<4x125xi32, #tpu.memory_space<hbm>>
        tpu.enqueue_dma source(%dma_start3A_322 : memref<4x125xi32, #tpu.memory_space<hbm>>) target(%arg7 : memref<4x125xi32, #tpu.memory_space<vmem>>) target_semaphore(%arg19 : memref<!tpu.dma_semaphore, #tpu.memory_space<semaphore_mem>>)
        %mul3A_323 = arith.constant 4 : i32
        %mul3A_324 = arith.muli %add3A_308, %mul3A_323 : i32
        %dma_start3A_325 = arith.constant 0 : i32
        %dma_start3A_326 = arith.constant 0 : i32
        %dma_start3A_327 = tpu.memref_slice %arg4[%add3A, %dma_start3A_325, %dma_start3A_326] : memref<32x80x125xi32, #tpu.memory_space<hbm>> -> memref<1x80x125xi32, #tpu.memory_space<hbm>>
        %dma_start3A_328 = tpu.memref_squeeze %dma_start3A_327 : memref<1x80x125xi32, #tpu.memory_space<hbm>> -> memref<80x125xi32, #tpu.memory_space<hbm>>
        %dma_start3A_329 = arith.constant 0 : i32
        %dma_start3A_330 = tpu.memref_slice %dma_start3A_328[%mul3A_324, %dma_start3A_329] : memref<80x125xi32, #tpu.memory_space<hbm>> -> memref<4x125xi32, #tpu.memory_space<hbm>>
        %dma_start3A_331 = arith.constant 0 : i32
        %dma_start3A_332 = arith.constant 0 : i32
        %dma_start3A_333 = tpu.memref_slice %arg4[%add3A, %dma_start3A_331, %dma_start3A_332] : memref<32x80x125xi32, #tpu.memory_space<hbm>> -> memref<1x80x125xi32, #tpu.memory_space<hbm>>
        %dma_start3A_334 = tpu.memref_squeeze %dma_start3A_333 : memref<1x80x125xi32, #tpu.memory_space<hbm>> -> memref<80x125xi32, #tpu.memory_space<hbm>>
        %dma_start3A_335 = arith.constant 0 : i32
        %dma_start3A_336 = tpu.memref_slice %dma_start3A_334[%mul3A_324, %dma_start3A_335] : memref<80x125xi32, #tpu.memory_space<hbm>> -> memref<4x125xi32, #tpu.memory_space<hbm>>
        tpu.enqueue_dma source(%dma_start3A_336 : memref<4x125xi32, #tpu.memory_space<hbm>>) target(%arg9 : memref<4x125xi32, #tpu.memory_space<vmem>>) target_semaphore(%arg19 : memref<!tpu.dma_semaphore, #tpu.memory_space<semaphore_mem>>)
      } else {
      }
      %mul3A_241 = arith.constant 2 : i32
      %mul3A_242 = arith.muli %mul3A_241, %scan3A_83 : i32
      %add3A_243 = arith.constant 1 : i32
      %add3A_244 = arith.addi %mul3A_242, %add3A_243 : i32
      %dma_start3A_245 = arith.constant 0 : i32
      %dma_start3A_246 = arith.constant 0 : i32
      %dma_start3A_247 = tpu.memref_slice %arg8[%dma_start3A_245, %dma_start3A_246] : memref<4x125xi32, #tpu.memory_space<vmem>> -> memref<1x125xi32, #tpu.memory_space<vmem>>
      %dma_start3A_248 = tpu.memref_squeeze %dma_start3A_247 : memref<1x125xi32, #tpu.memory_space<vmem>> -> memref<125xi32, #tpu.memory_space<vmem>>
      %dma_start3A_249 = arith.constant 0 : i32
      %dma_start3A_250 = arith.constant 0 : i32
      %dma_start3A_251 = tpu.memref_slice %arg23[%dma_start3A_249, %dma_start3A_250] : memref<10000x32xf32, #tpu.memory_space<vmem_shared>> -> memref<10000x32xf32, #tpu.memory_space<vmem_shared>>
      tpu.enqueue_indirect_dma source(%dma_start3A_251 : memref<10000x32xf32, #tpu.memory_space<vmem_shared>>) target(%arg11 : memref<125x32xf32, #tpu.memory_space<vmem>>) offsets(%dma_start3A_248 : memref<125xi32, #tpu.memory_space<vmem>>) semaphore(%arg15 : memref<!tpu.dma_semaphore, #tpu.memory_space<semaphore_mem>>)
      %dma_start3A_252 = arith.constant 1 : i32
      %dma_start3A_253 = arith.constant 0 : i32
      %dma_start3A_254 = tpu.memref_slice %arg8[%dma_start3A_252, %dma_start3A_253] : memref<4x125xi32, #tpu.memory_space<vmem>> -> memref<1x125xi32, #tpu.memory_space<vmem>>
      %dma_start3A_255 = tpu.memref_squeeze %dma_start3A_254 : memref<1x125xi32, #tpu.memory_space<vmem>> -> memref<125xi32, #tpu.memory_space<vmem>>
      %dma_start3A_256 = arith.constant 0 : i32
      %dma_start3A_257 = arith.constant 0 : i32
      %dma_start3A_258 = tpu.memref_slice %arg23[%dma_start3A_256, %dma_start3A_257] : memref<10000x32xf32, #tpu.memory_space<vmem_shared>> -> memref<10000x32xf32, #tpu.memory_space<vmem_shared>>
      tpu.enqueue_indirect_dma source(%dma_start3A_258 : memref<10000x32xf32, #tpu.memory_space<vmem_shared>>) target(%arg12 : memref<125x32xf32, #tpu.memory_space<vmem>>) offsets(%dma_start3A_255 : memref<125xi32, #tpu.memory_space<vmem>>) semaphore(%arg16 : memref<!tpu.dma_semaphore, #tpu.memory_space<semaphore_mem>>)
      %dma_start3A_259 = arith.constant 2 : i32
      %dma_start3A_260 = arith.constant 0 : i32
      %dma_start3A_261 = tpu.memref_slice %arg8[%dma_start3A_259, %dma_start3A_260] : memref<4x125xi32, #tpu.memory_space<vmem>> -> memref<1x125xi32, #tpu.memory_space<vmem>>
      %dma_start3A_262 = tpu.memref_squeeze %dma_start3A_261 : memref<1x125xi32, #tpu.memory_space<vmem>> -> memref<125xi32, #tpu.memory_space<vmem>>
      %dma_start3A_263 = arith.constant 0 : i32
      %dma_start3A_264 = arith.constant 0 : i32
      %dma_start3A_265 = tpu.memref_slice %arg23[%dma_start3A_263, %dma_start3A_264] : memref<10000x32xf32, #tpu.memory_space<vmem_shared>> -> memref<10000x32xf32, #tpu.memory_space<vmem_shared>>
      tpu.enqueue_indirect_dma source(%dma_start3A_265 : memref<10000x32xf32, #tpu.memory_space<vmem_shared>>) target(%arg13 : memref<125x32xf32, #tpu.memory_space<vmem>>) offsets(%dma_start3A_262 : memref<125xi32, #tpu.memory_space<vmem>>) semaphore(%arg17 : memref<!tpu.dma_semaphore, #tpu.memory_space<semaphore_mem>>)
      %dma_start3A_266 = arith.constant 3 : i32
      %dma_start3A_267 = arith.constant 0 : i32
      %dma_start3A_268 = tpu.memref_slice %arg8[%dma_start3A_266, %dma_start3A_267] : memref<4x125xi32, #tpu.memory_space<vmem>> -> memref<1x125xi32, #tpu.memory_space<vmem>>
      %dma_start3A_269 = tpu.memref_squeeze %dma_start3A_268 : memref<1x125xi32, #tpu.memory_space<vmem>> -> memref<125xi32, #tpu.memory_space<vmem>>
      %dma_start3A_270 = arith.constant 0 : i32
      %dma_start3A_271 = arith.constant 0 : i32
      %dma_start3A_272 = tpu.memref_slice %arg23[%dma_start3A_270, %dma_start3A_271] : memref<10000x32xf32, #tpu.memory_space<vmem_shared>> -> memref<10000x32xf32, #tpu.memory_space<vmem_shared>>
      tpu.enqueue_indirect_dma source(%dma_start3A_272 : memref<10000x32xf32, #tpu.memory_space<vmem_shared>>) target(%arg14 : memref<125x32xf32, #tpu.memory_space<vmem>>) offsets(%dma_start3A_269 : memref<125xi32, #tpu.memory_space<vmem>>) semaphore(%arg18 : memref<!tpu.dma_semaphore, #tpu.memory_space<semaphore_mem>>)
      %dma_wait3A_273 = arith.constant 0 : i32
      %dma_wait3A_274 = arith.constant 0 : i32
      %dma_wait3A_275 = tpu.memref_slice %arg8[%dma_wait3A_273, %dma_wait3A_274] : memref<4x125xi32, #tpu.memory_space<vmem>> -> memref<1x125xi32, #tpu.memory_space<vmem>>
      %dma_wait3A_276 = tpu.memref_squeeze %dma_wait3A_275 : memref<1x125xi32, #tpu.memory_space<vmem>> -> memref<125xi32, #tpu.memory_space<vmem>>
      %dma_wait3A_277 = arith.constant 0 : i32
      %dma_wait3A_278 = arith.constant 0 : i32
      %dma_wait3A_279 = tpu.memref_slice %arg23[%dma_wait3A_277, %dma_wait3A_278] : memref<10000x32xf32, #tpu.memory_space<vmem_shared>> -> memref<10000x32xf32, #tpu.memory_space<vmem_shared>>
      tpu.wait_indirect_dma semaphore(%arg15 : memref<!tpu.dma_semaphore, #tpu.memory_space<semaphore_mem>>) src(%dma_wait3A_279 : memref<10000x32xf32, #tpu.memory_space<vmem_shared>>) dst(%arg11 : memref<125x32xf32, #tpu.memory_space<vmem>>)
      %run_scoped3A_280 = arith.constant 0 : i32
      "tpu.region"() ({
        %run_scoped3A_305 = tpu.sem_alloc : memref<!tpu.dma_semaphore, #tpu.memory_space<semaphore_mem>>
        %dma_start3A_306 = arith.constant 0 : i32
        %dma_start3A_307 = tpu.memref_slice %arg10[%run_scoped3A_280, %dma_start3A_306] : memref<4x125xi32, #tpu.memory_space<vmem>> -> memref<1x125xi32, #tpu.memory_space<vmem>>
        %dma_start3A_308 = tpu.memref_squeeze %dma_start3A_307 : memref<1x125xi32, #tpu.memory_space<vmem>> -> memref<125xi32, #tpu.memory_space<vmem>>
        %dma_start3A_309 = arith.constant 0 : i32
        %dma_start3A_310 = arith.constant 0 : i32
        %dma_start3A_311 = tpu.memref_slice %arg22[%dma_start3A_309, %dma_start3A_310] : memref<10000x32xf32, #tpu.memory_space<vmem_shared>> -> memref<10000x32xf32, #tpu.memory_space<vmem_shared>>
        tpu.enqueue_indirect_dma source(%arg11 : memref<125x32xf32, #tpu.memory_space<vmem>>) target(%dma_start3A_311 : memref<10000x32xf32, #tpu.memory_space<vmem_shared>>) offsets(%dma_start3A_308 : memref<125xi32, #tpu.memory_space<vmem>>) semaphore(%run_scoped3A_305 : memref<!tpu.dma_semaphore, #tpu.memory_space<semaphore_mem>>) {add = true}
        %dma_wait3A_312 = arith.constant 0 : i32
        %dma_wait3A_313 = tpu.memref_slice %arg10[%run_scoped3A_280, %dma_wait3A_312] : memref<4x125xi32, #tpu.memory_space<vmem>> -> memref<1x125xi32, #tpu.memory_space<vmem>>
        %dma_wait3A_314 = tpu.memref_squeeze %dma_wait3A_313 : memref<1x125xi32, #tpu.memory_space<vmem>> -> memref<125xi32, #tpu.memory_space<vmem>>
        %dma_wait3A_315 = arith.constant 0 : i32
        %dma_wait3A_316 = arith.constant 0 : i32
        %dma_wait3A_317 = tpu.memref_slice %arg22[%dma_wait3A_315, %dma_wait3A_316] : memref<10000x32xf32, #tpu.memory_space<vmem_shared>> -> memref<10000x32xf32, #tpu.memory_space<vmem_shared>>
        tpu.wait_indirect_dma semaphore(%run_scoped3A_305 : memref<!tpu.dma_semaphore, #tpu.memory_space<semaphore_mem>>) src(%arg11 : memref<125x32xf32, #tpu.memory_space<vmem>>) dst(%dma_wait3A_317 : memref<10000x32xf32, #tpu.memory_space<vmem_shared>>)
        tpu.yield
      }) : () -> ()
      %dma_wait3A_281 = arith.constant 1 : i32
      %dma_wait3A_282 = arith.constant 0 : i32
      %dma_wait3A_283 = tpu.memref_slice %arg8[%dma_wait3A_281, %dma_wait3A_282] : memref<4x125xi32, #tpu.memory_space<vmem>> -> memref<1x125xi32, #tpu.memory_space<vmem>>
      %dma_wait3A_284 = tpu.memref_squeeze %dma_wait3A_283 : memref<1x125xi32, #tpu.memory_space<vmem>> -> memref<125xi32, #tpu.memory_space<vmem>>
      %dma_wait3A_285 = arith.constant 0 : i32
      %dma_wait3A_286 = arith.constant 0 : i32
      %dma_wait3A_287 = tpu.memref_slice %arg23[%dma_wait3A_285, %dma_wait3A_286] : memref<10000x32xf32, #tpu.memory_space<vmem_shared>> -> memref<10000x32xf32, #tpu.memory_space<vmem_shared>>
      tpu.wait_indirect_dma semaphore(%arg16 : memref<!tpu.dma_semaphore, #tpu.memory_space<semaphore_mem>>) src(%dma_wait3A_287 : memref<10000x32xf32, #tpu.memory_space<vmem_shared>>) dst(%arg12 : memref<125x32xf32, #tpu.memory_space<vmem>>)
      %run_scoped3A_288 = arith.constant 1 : i32
      "tpu.region"() ({
        %run_scoped3A_305 = tpu.sem_alloc : memref<!tpu.dma_semaphore, #tpu.memory_space<semaphore_mem>>
        %dma_start3A_306 = arith.constant 0 : i32
        %dma_start3A_307 = tpu.memref_slice %arg10[%run_scoped3A_288, %dma_start3A_306] : memref<4x125xi32, #tpu.memory_space<vmem>> -> memref<1x125xi32, #tpu.memory_space<vmem>>
        %dma_start3A_308 = tpu.memref_squeeze %dma_start3A_307 : memref<1x125xi32, #tpu.memory_space<vmem>> -> memref<125xi32, #tpu.memory_space<vmem>>
        %dma_start3A_309 = arith.constant 0 : i32
        %dma_start3A_310 = arith.constant 0 : i32
        %dma_start3A_311 = tpu.memref_slice %arg22[%dma_start3A_309, %dma_start3A_310] : memref<10000x32xf32, #tpu.memory_space<vmem_shared>> -> memref<10000x32xf32, #tpu.memory_space<vmem_shared>>
        tpu.enqueue_indirect_dma source(%arg12 : memref<125x32xf32, #tpu.memory_space<vmem>>) target(%dma_start3A_311 : memref<10000x32xf32, #tpu.memory_space<vmem_shared>>) offsets(%dma_start3A_308 : memref<125xi32, #tpu.memory_space<vmem>>) semaphore(%run_scoped3A_305 : memref<!tpu.dma_semaphore, #tpu.memory_space<semaphore_mem>>) {add = true}
        %dma_wait3A_312 = arith.constant 0 : i32
        %dma_wait3A_313 = tpu.memref_slice %arg10[%run_scoped3A_288, %dma_wait3A_312] : memref<4x125xi32, #tpu.memory_space<vmem>> -> memref<1x125xi32, #tpu.memory_space<vmem>>
        %dma_wait3A_314 = tpu.memref_squeeze %dma_wait3A_313 : memref<1x125xi32, #tpu.memory_space<vmem>> -> memref<125xi32, #tpu.memory_space<vmem>>
        %dma_wait3A_315 = arith.constant 0 : i32
        %dma_wait3A_316 = arith.constant 0 : i32
        %dma_wait3A_317 = tpu.memref_slice %arg22[%dma_wait3A_315, %dma_wait3A_316] : memref<10000x32xf32, #tpu.memory_space<vmem_shared>> -> memref<10000x32xf32, #tpu.memory_space<vmem_shared>>
        tpu.wait_indirect_dma semaphore(%run_scoped3A_305 : memref<!tpu.dma_semaphore, #tpu.memory_space<semaphore_mem>>) src(%arg12 : memref<125x32xf32, #tpu.memory_space<vmem>>) dst(%dma_wait3A_317 : memref<10000x32xf32, #tpu.memory_space<vmem_shared>>)
        tpu.yield
      }) : () -> ()
      %dma_wait3A_289 = arith.constant 2 : i32
      %dma_wait3A_290 = arith.constant 0 : i32
      %dma_wait3A_291 = tpu.memref_slice %arg8[%dma_wait3A_289, %dma_wait3A_290] : memref<4x125xi32, #tpu.memory_space<vmem>> -> memref<1x125xi32, #tpu.memory_space<vmem>>
      %dma_wait3A_292 = tpu.memref_squeeze %dma_wait3A_291 : memref<1x125xi32, #tpu.memory_space<vmem>> -> memref<125xi32, #tpu.memory_space<vmem>>
      %dma_wait3A_293 = arith.constant 0 : i32
      %dma_wait3A_294 = arith.constant 0 : i32
      %dma_wait3A_295 = tpu.memref_slice %arg23[%dma_wait3A_293, %dma_wait3A_294] : memref<10000x32xf32, #tpu.memory_space<vmem_shared>> -> memref<10000x32xf32, #tpu.memory_space<vmem_shared>>
      tpu.wait_indirect_dma semaphore(%arg17 : memref<!tpu.dma_semaphore, #tpu.memory_space<semaphore_mem>>) src(%dma_wait3A_295 : memref<10000x32xf32, #tpu.memory_space<vmem_shared>>) dst(%arg13 : memref<125x32xf32, #tpu.memory_space<vmem>>)
      %run_scoped3A_296 = arith.constant 2 : i32
      "tpu.region"() ({
        %run_scoped3A_305 = tpu.sem_alloc : memref<!tpu.dma_semaphore, #tpu.memory_space<semaphore_mem>>
        %dma_start3A_306 = arith.constant 0 : i32
        %dma_start3A_307 = tpu.memref_slice %arg10[%run_scoped3A_296, %dma_start3A_306] : memref<4x125xi32, #tpu.memory_space<vmem>> -> memref<1x125xi32, #tpu.memory_space<vmem>>
        %dma_start3A_308 = tpu.memref_squeeze %dma_start3A_307 : memref<1x125xi32, #tpu.memory_space<vmem>> -> memref<125xi32, #tpu.memory_space<vmem>>
        %dma_start3A_309 = arith.constant 0 : i32
        %dma_start3A_310 = arith.constant 0 : i32
        %dma_start3A_311 = tpu.memref_slice %arg22[%dma_start3A_309, %dma_start3A_310] : memref<10000x32xf32, #tpu.memory_space<vmem_shared>> -> memref<10000x32xf32, #tpu.memory_space<vmem_shared>>
        tpu.enqueue_indirect_dma source(%arg13 : memref<125x32xf32, #tpu.memory_space<vmem>>) target(%dma_start3A_311 : memref<10000x32xf32, #tpu.memory_space<vmem_shared>>) offsets(%dma_start3A_308 : memref<125xi32, #tpu.memory_space<vmem>>) semaphore(%run_scoped3A_305 : memref<!tpu.dma_semaphore, #tpu.memory_space<semaphore_mem>>) {add = true}
        %dma_wait3A_312 = arith.constant 0 : i32
        %dma_wait3A_313 = tpu.memref_slice %arg10[%run_scoped3A_296, %dma_wait3A_312] : memref<4x125xi32, #tpu.memory_space<vmem>> -> memref<1x125xi32, #tpu.memory_space<vmem>>
        %dma_wait3A_314 = tpu.memref_squeeze %dma_wait3A_313 : memref<1x125xi32, #tpu.memory_space<vmem>> -> memref<125xi32, #tpu.memory_space<vmem>>
        %dma_wait3A_315 = arith.constant 0 : i32
        %dma_wait3A_316 = arith.constant 0 : i32
        %dma_wait3A_317 = tpu.memref_slice %arg22[%dma_wait3A_315, %dma_wait3A_316] : memref<10000x32xf32, #tpu.memory_space<vmem_shared>> -> memref<10000x32xf32, #tpu.memory_space<vmem_shared>>
        tpu.wait_indirect_dma semaphore(%run_scoped3A_305 : memref<!tpu.dma_semaphore, #tpu.memory_space<semaphore_mem>>) src(%arg13 : memref<125x32xf32, #tpu.memory_space<vmem>>) dst(%dma_wait3A_317 : memref<10000x32xf32, #tpu.memory_space<vmem_shared>>)
        tpu.yield
      }) : () -> ()
      %dma_wait3A_297 = arith.constant 3 : i32
      %dma_wait3A_298 = arith.constant 0 : i32
      %dma_wait3A_299 = tpu.memref_slice %arg8[%dma_wait3A_297, %dma_wait3A_298] : memref<4x125xi32, #tpu.memory_space<vmem>> -> memref<1x125xi32, #tpu.memory_space<vmem>>
      %dma_wait3A_300 = tpu.memref_squeeze %dma_wait3A_299 : memref<1x125xi32, #tpu.memory_space<vmem>> -> memref<125xi32, #tpu.memory_space<vmem>>
      %dma_wait3A_301 = arith.constant 0 : i32
      %dma_wait3A_302 = arith.constant 0 : i32
      %dma_wait3A_303 = tpu.memref_slice %arg23[%dma_wait3A_301, %dma_wait3A_302] : memref<10000x32xf32, #tpu.memory_space<vmem_shared>> -> memref<10000x32xf32, #tpu.memory_space<vmem_shared>>
      tpu.wait_indirect_dma semaphore(%arg18 : memref<!tpu.dma_semaphore, #tpu.memory_space<semaphore_mem>>) src(%dma_wait3A_303 : memref<10000x32xf32, #tpu.memory_space<vmem_shared>>) dst(%arg14 : memref<125x32xf32, #tpu.memory_space<vmem>>)
      %run_scoped3A_304 = arith.constant 3 : i32
      "tpu.region"() ({
        %run_scoped3A_305 = tpu.sem_alloc : memref<!tpu.dma_semaphore, #tpu.memory_space<semaphore_mem>>
        %dma_start3A_306 = arith.constant 0 : i32
        %dma_start3A_307 = tpu.memref_slice %arg10[%run_scoped3A_304, %dma_start3A_306] : memref<4x125xi32, #tpu.memory_space<vmem>> -> memref<1x125xi32, #tpu.memory_space<vmem>>
        %dma_start3A_308 = tpu.memref_squeeze %dma_start3A_307 : memref<1x125xi32, #tpu.memory_space<vmem>> -> memref<125xi32, #tpu.memory_space<vmem>>
        %dma_start3A_309 = arith.constant 0 : i32
        %dma_start3A_310 = arith.constant 0 : i32
        %dma_start3A_311 = tpu.memref_slice %arg22[%dma_start3A_309, %dma_start3A_310] : memref<10000x32xf32, #tpu.memory_space<vmem_shared>> -> memref<10000x32xf32, #tpu.memory_space<vmem_shared>>
        tpu.enqueue_indirect_dma source(%arg14 : memref<125x32xf32, #tpu.memory_space<vmem>>) target(%dma_start3A_311 : memref<10000x32xf32, #tpu.memory_space<vmem_shared>>) offsets(%dma_start3A_308 : memref<125xi32, #tpu.memory_space<vmem>>) semaphore(%run_scoped3A_305 : memref<!tpu.dma_semaphore, #tpu.memory_space<semaphore_mem>>) {add = true}
        %dma_wait3A_312 = arith.constant 0 : i32
        %dma_wait3A_313 = tpu.memref_slice %arg10[%run_scoped3A_304, %dma_wait3A_312] : memref<4x125xi32, #tpu.memory_space<vmem>> -> memref<1x125xi32, #tpu.memory_space<vmem>>
        %dma_wait3A_314 = tpu.memref_squeeze %dma_wait3A_313 : memref<1x125xi32, #tpu.memory_space<vmem>> -> memref<125xi32, #tpu.memory_space<vmem>>
        %dma_wait3A_315 = arith.constant 0 : i32
        %dma_wait3A_316 = arith.constant 0 : i32
        %dma_wait3A_317 = tpu.memref_slice %arg22[%dma_wait3A_315, %dma_wait3A_316] : memref<10000x32xf32, #tpu.memory_space<vmem_shared>> -> memref<10000x32xf32, #tpu.memory_space<vmem_shared>>
        tpu.wait_indirect_dma semaphore(%run_scoped3A_305 : memref<!tpu.dma_semaphore, #tpu.memory_space<semaphore_mem>>) src(%arg14 : memref<125x32xf32, #tpu.memory_space<vmem>>) dst(%dma_wait3A_317 : memref<10000x32xf32, #tpu.memory_space<vmem_shared>>)
        tpu.yield
      }) : () -> ()
    }
    %scan3A_81 = arith.constant 10 : i32
    %barrier3A_82 = arith.constant 0 : index
    tpu.barrier barrier_id(%barrier3A_82)
    "tpu.region"() ({
      %run_scoped3A = tpu.sem_alloc : memref<!tpu.dma_semaphore, #tpu.memory_space<semaphore_mem>>
      %dma_start3A_83 = arith.constant 0 : i32
      %dma_start3A_84 = arith.constant 0 : i32
      %dma_start3A_85 = tpu.memref_slice %arg6[%arg0, %dma_start3A_83, %dma_start3A_84] : memref<2x10000x32xf32, #tpu.memory_space<hbm>> -> memref<1x10000x32xf32, #tpu.memory_space<hbm>>
      %dma_start3A_86 = tpu.memref_squeeze %dma_start3A_85 : memref<1x10000x32xf32, #tpu.memory_space<hbm>> -> memref<10000x32xf32, #tpu.memory_space<hbm>>
      %dma_start3A_87 = arith.constant 0 : i32
      %dma_start3A_88 = tpu.memref_slice %dma_start3A_86[%mul3A_2, %dma_start3A_87] : memref<10000x32xf32, #tpu.memory_space<hbm>> -> memref<625x32xf32, #tpu.memory_space<hbm>>
      %dma_start3A_89 = arith.constant 0 : i32
      %dma_start3A_90 = tpu.memref_slice %arg22[%mul3A_2, %dma_start3A_89] : memref<10000x32xf32, #tpu.memory_space<vmem_shared>> -> memref<625x32xf32, #tpu.memory_space<vmem_shared>>
      tpu.enqueue_dma source(%dma_start3A_90 : memref<625x32xf32, #tpu.memory_space<vmem_shared>>) target(%dma_start3A_88 : memref<625x32xf32, #tpu.memory_space<hbm>>) target_semaphore(%run_scoped3A : memref<!tpu.dma_semaphore, #tpu.memory_space<semaphore_mem>>)
      %dma_wait3A_91 = arith.constant 0 : i32
      %dma_wait3A_92 = arith.constant 0 : i32
      %dma_wait3A_93 = tpu.memref_slice %arg6[%arg0, %dma_wait3A_91, %dma_wait3A_92] : memref<2x10000x32xf32, #tpu.memory_space<hbm>> -> memref<1x10000x32xf32, #tpu.memory_space<hbm>>
      %dma_wait3A_94 = tpu.memref_squeeze %dma_wait3A_93 : memref<1x10000x32xf32, #tpu.memory_space<hbm>> -> memref<10000x32xf32, #tpu.memory_space<hbm>>
      %dma_wait3A_95 = arith.constant 0 : i32
      %dma_wait3A_96 = tpu.memref_slice %dma_wait3A_94[%mul3A_2, %dma_wait3A_95] : memref<10000x32xf32, #tpu.memory_space<hbm>> -> memref<625x32xf32, #tpu.memory_space<hbm>>
      %dma_wait3A_97 = arith.constant 0 : i32
      %dma_wait3A_98 = tpu.memref_slice %arg22[%mul3A_2, %dma_wait3A_97] : memref<10000x32xf32, #tpu.memory_space<vmem_shared>> -> memref<625x32xf32, #tpu.memory_space<vmem_shared>>
      tpu.wait_dma2 semaphore(%run_scoped3A : memref<!tpu.dma_semaphore, #tpu.memory_space<semaphore_mem>>) src(%dma_wait3A_98 : memref<625x32xf32, #tpu.memory_space<vmem_shared>>) dst(%dma_wait3A_96 : memref<625x32xf32, #tpu.memory_space<hbm>>)
      tpu.yield
    }) : () -> ()
    return
  }
}

module attributes {stable_mosaic.version = 14 : i64} {
  func.func @_dense1_body(%arg0: memref<32x10000xf32, #tpu.memory_space<vmem>>, %arg1: memref<10000x128xf32, #tpu.memory_space<vmem>>, %arg2: memref<128x64xf32, #tpu.memory_space<vmem>>, %arg3: memref<10000x1xf32, #tpu.memory_space<vmem>>, %arg4: memref<10000x64xf32, #tpu.memory_space<vmem>>) attributes {dimension_semantics = [], scalar_prefetch = 0 : i64, scratch_operands = 0 : i64, tpu.core_type = #tpu.core_type<tc>} {
    %get3A = arith.constant 0 : index
    %get3A_0 = arith.constant 0 : index
    %get3A_1 = vector.load %arg0[%get3A, %get3A_0] : memref<32x10000xf32, #tpu.memory_space<vmem>>, vector<32x10000xf32>
    %reduce_sum3A = arith.constant dense<0.000000e+00> : vector<10000xf32>
    %reduce_sum3A_2 = vector.multi_reduction <add>, %get3A_1, %reduce_sum3A [0] : vector<32x10000xf32> to vector<10000xf32>
    %reshape3A = vector.shape_cast %reduce_sum3A_2 : vector<10000xf32> to vector<10000x1xf32>
    %add3A = arith.constant 1.000000e+00 : f32
    %add3A_3 = vector.broadcast %add3A : f32 to vector<10000x1xf32>
    %add3A_4 = arith.addf %reshape3A, %add3A_3 : vector<10000x1xf32>
    %rsqrt3A = math.rsqrt %add3A_4 : vector<10000x1xf32>
    %swap3A = arith.constant 0 : index
    %swap3A_5 = arith.constant 0 : index
    %swap3A_6 = vector.load %arg3[%swap3A, %swap3A_5] : memref<10000x1xf32, #tpu.memory_space<vmem>>, vector<10000x1xf32>
    tpu.vector_store %arg3[%swap3A, %swap3A_5], %rsqrt3A {strides = array<i32>} : memref<10000x1xf32, #tpu.memory_space<vmem>>, vector<10000x1xf32>,
    %get3A_7 = arith.constant 0 : index
    %get3A_8 = arith.constant 0 : index
    %get3A_9 = vector.load %arg1[%get3A_7, %get3A_8] : memref<10000x128xf32, #tpu.memory_space<vmem>>, vector<10000x128xf32>
    %get3A_10 = arith.constant 0 : index
    %get3A_11 = arith.constant 0 : index
    %get3A_12 = vector.load %arg2[%get3A_10, %get3A_11] : memref<128x64xf32, #tpu.memory_space<vmem>>, vector<128x64xf32>
    %dot_general3A = arith.constant dense<0.000000e+00> : vector<10000x64xf32>
    %dot_general3A_13 = tpu.matmul %get3A_9, %get3A_12, %dot_general3A {dimension_numbers = #tpu.dot_dimension_numbers<[1], [0], [0], [1], [0, 0, 1, 1], [], []>, transpose_lhs_hint = false} : vector<10000x128xf32>, vector<128x64xf32>, vector<10000x64xf32> -> vector<10000x64xf32>
    %mul3A = vector.broadcast %rsqrt3A : vector<10000x1xf32> to vector<10000x64xf32>
    %mul3A_14 = arith.mulf %dot_general3A_13, %mul3A : vector<10000x64xf32>
    %swap3A_15 = arith.constant 0 : index
    %swap3A_16 = arith.constant 0 : index
    %swap3A_17 = vector.load %arg4[%swap3A_15, %swap3A_16] : memref<10000x64xf32, #tpu.memory_space<vmem>>, vector<10000x64xf32>
    tpu.vector_store %arg4[%swap3A_15, %swap3A_16], %mul3A_14 {strides = array<i32>} : memref<10000x64xf32, #tpu.memory_space<vmem>>, vector<10000x64xf32>,
    return
  }
}

module attributes {stable_mosaic.version = 14 : i64} {
  func.func @_dense2_body(%arg0: memref<2x10000x64xf32, #tpu.memory_space<vmem>>, %arg1: memref<10000x64xf32, #tpu.memory_space<vmem>>, %arg2: memref<10000x1xf32, #tpu.memory_space<vmem>>, %arg3: memref<1x64xf32, #tpu.memory_space<vmem>>, %arg4: memref<64x32xf32, #tpu.memory_space<vmem>>, %arg5: memref<10000x32xf32, #tpu.memory_space<vmem>>) attributes {dimension_semantics = [], scalar_prefetch = 0 : i64, scratch_operands = 0 : i64, tpu.core_type = #tpu.core_type<tc>} {
    %get3A = arith.constant 0 : index
    %get3A_0 = arith.constant 0 : index
    %get3A_1 = arith.constant 0 : index
    %get3A_2 = vector.load %arg0[%get3A, %get3A_0, %get3A_1] : memref<2x10000x64xf32, #tpu.memory_space<vmem>>, vector<1x10000x64xf32>
    %get3A_3 = vector.shape_cast %get3A_2 : vector<1x10000x64xf32> to vector<10000x64xf32>
    %get3A_4 = arith.constant 1 : index
    %get3A_5 = arith.constant 0 : index
    %get3A_6 = arith.constant 0 : index
    %get3A_7 = vector.load %arg0[%get3A_4, %get3A_5, %get3A_6] : memref<2x10000x64xf32, #tpu.memory_space<vmem>>, vector<1x10000x64xf32>
    %get3A_8 = vector.shape_cast %get3A_7 : vector<1x10000x64xf32> to vector<10000x64xf32>
    %add3A = arith.addf %get3A_3, %get3A_8 : vector<10000x64xf32>
    %get3A_9 = arith.constant 0 : index
    %get3A_10 = arith.constant 0 : index
    %get3A_11 = vector.load %arg1[%get3A_9, %get3A_10] : memref<10000x64xf32, #tpu.memory_space<vmem>>, vector<10000x64xf32>
    %add3A_12 = arith.addf %add3A, %get3A_11 : vector<10000x64xf32>
    %get3A_13 = arith.constant 0 : index
    %get3A_14 = arith.constant 0 : index
    %get3A_15 = vector.load %arg2[%get3A_13, %get3A_14] : memref<10000x1xf32, #tpu.memory_space<vmem>>, vector<10000x1xf32>
    %mul3A = vector.broadcast %get3A_15 : vector<10000x1xf32> to vector<10000x64xf32>
    %mul3A_16 = arith.mulf %add3A_12, %mul3A : vector<10000x64xf32>
    %get3A_17 = arith.constant 0 : index
    %get3A_18 = arith.constant 0 : index
    %get3A_19 = vector.load %arg3[%get3A_17, %get3A_18] : memref<1x64xf32, #tpu.memory_space<vmem>>, vector<1x64xf32>
    %add3A_20 = vector.broadcast %get3A_19 : vector<1x64xf32> to vector<10000x64xf32>
    %add3A_21 = arith.addf %mul3A_16, %add3A_20 : vector<10000x64xf32>
    %max3A = arith.constant 0.000000e+00 : f32
    %max3A_22 = vector.broadcast %max3A : f32 to vector<10000x64xf32>
    %max3A_23 = arith.maximumf %add3A_21, %max3A_22 : vector<10000x64xf32>
    %get3A_24 = arith.constant 0 : index
    %get3A_25 = arith.constant 0 : index
    %get3A_26 = vector.load %arg4[%get3A_24, %get3A_25] : memref<64x32xf32, #tpu.memory_space<vmem>>, vector<64x32xf32>
    %dot_general3A = arith.constant dense<0.000000e+00> : vector<10000x32xf32>
    %dot_general3A_27 = tpu.matmul %max3A_23, %get3A_26, %dot_general3A {dimension_numbers = #tpu.dot_dimension_numbers<[1], [0], [0], [1], [0, 0, 1, 1], [], []>, transpose_lhs_hint = false} : vector<10000x64xf32>, vector<64x32xf32>, vector<10000x32xf32> -> vector<10000x32xf32>
    %get3A_28 = arith.constant 0 : index
    %get3A_29 = arith.constant 0 : index
    %get3A_30 = vector.load %arg2[%get3A_28, %get3A_29] : memref<10000x1xf32, #tpu.memory_space<vmem>>, vector<10000x1xf32>
    %mul3A_31 = vector.broadcast %get3A_30 : vector<10000x1xf32> to vector<10000x32xf32>
    %mul3A_32 = arith.mulf %dot_general3A_27, %mul3A_31 : vector<10000x32xf32>
    %swap3A = arith.constant 0 : index
    %swap3A_33 = arith.constant 0 : index
    %swap3A_34 = vector.load %arg5[%swap3A, %swap3A_33] : memref<10000x32xf32, #tpu.memory_space<vmem>>, vector<10000x32xf32>
    tpu.vector_store %arg5[%swap3A, %swap3A_33], %mul3A_32 {strides = array<i32>} : memref<10000x32xf32, #tpu.memory_space<vmem>>, vector<10000x32xf32>,
    return
  }
}

module attributes {stable_mosaic.version = 14 : i64} {
  func.func @_final_body(%arg0: memref<2x10000x32xf32, #tpu.memory_space<vmem>>, %arg1: memref<10000x32xf32, #tpu.memory_space<vmem>>, %arg2: memref<10000x1xf32, #tpu.memory_space<vmem>>, %arg3: memref<1x32xf32, #tpu.memory_space<vmem>>, %arg4: memref<1x10000xi32, #tpu.memory_space<vmem>>, %arg5: memref<32x16xf32, #tpu.memory_space<vmem>>, %arg6: memref<1x16xf32, #tpu.memory_space<vmem>>, %arg7: memref<64x16xf32, #tpu.memory_space<vmem>>) attributes {dimension_semantics = [], scalar_prefetch = 0 : i64, scratch_operands = 0 : i64, tpu.core_type = #tpu.core_type<tc>} {
    %get3A = arith.constant 0 : index
    %get3A_0 = arith.constant 0 : index
    %get3A_1 = arith.constant 0 : index
    %get3A_2 = vector.load %arg0[%get3A, %get3A_0, %get3A_1] : memref<2x10000x32xf32, #tpu.memory_space<vmem>>, vector<1x10000x32xf32>
    %get3A_3 = vector.shape_cast %get3A_2 : vector<1x10000x32xf32> to vector<10000x32xf32>
    %get3A_4 = arith.constant 1 : index
    %get3A_5 = arith.constant 0 : index
    %get3A_6 = arith.constant 0 : index
    %get3A_7 = vector.load %arg0[%get3A_4, %get3A_5, %get3A_6] : memref<2x10000x32xf32, #tpu.memory_space<vmem>>, vector<1x10000x32xf32>
    %get3A_8 = vector.shape_cast %get3A_7 : vector<1x10000x32xf32> to vector<10000x32xf32>
    %add3A = arith.addf %get3A_3, %get3A_8 : vector<10000x32xf32>
    %get3A_9 = arith.constant 0 : index
    %get3A_10 = arith.constant 0 : index
    %get3A_11 = vector.load %arg1[%get3A_9, %get3A_10] : memref<10000x32xf32, #tpu.memory_space<vmem>>, vector<10000x32xf32>
    %add3A_12 = arith.addf %add3A, %get3A_11 : vector<10000x32xf32>
    %get3A_13 = arith.constant 0 : index
    %get3A_14 = arith.constant 0 : index
    %get3A_15 = vector.load %arg2[%get3A_13, %get3A_14] : memref<10000x1xf32, #tpu.memory_space<vmem>>, vector<10000x1xf32>
    %mul3A = vector.broadcast %get3A_15 : vector<10000x1xf32> to vector<10000x32xf32>
    %mul3A_16 = arith.mulf %add3A_12, %mul3A : vector<10000x32xf32>
    %get3A_17 = arith.constant 0 : index
    %get3A_18 = arith.constant 0 : index
    %get3A_19 = vector.load %arg3[%get3A_17, %get3A_18] : memref<1x32xf32, #tpu.memory_space<vmem>>, vector<1x32xf32>
    %add3A_20 = vector.broadcast %get3A_19 : vector<1x32xf32> to vector<10000x32xf32>
    %add3A_21 = arith.addf %mul3A_16, %add3A_20 : vector<10000x32xf32>
    %iota3A = tpu.iota {dimensions = array<i32: 0>} : vector<64x10000xi32>
    %get3A_22 = arith.constant 0 : index
    %get3A_23 = arith.constant 0 : index
    %get3A_24 = vector.load %arg4[%get3A_22, %get3A_23] : memref<1x10000xi32, #tpu.memory_space<vmem>>, vector<1x10000xi32>
    %broadcast_in_dim3A = vector.shape_cast %get3A_24 : vector<1x10000xi32> to vector<1x10000xi32>
    %broadcast_in_dim3A_25 = vector.broadcast %broadcast_in_dim3A : vector<1x10000xi32> to vector<64x10000xi32>
    %eq3A = arith.cmpi eq, %broadcast_in_dim3A_25, %iota3A : vector<64x10000xi32>
    %jit3A = arith.constant 1.000000e+00 : f32
    %jit3A_26 = arith.constant 0.000000e+00 : f32
    %broadcast_in_dim3A_27 = vector.broadcast %jit3A : f32 to vector<64x10000xf32>
    %broadcast_in_dim3A_28 = vector.broadcast %jit3A_26 : f32 to vector<64x10000xf32>
    %select_n3A = arith.select %eq3A, %broadcast_in_dim3A_27, %broadcast_in_dim3A_28 : vector<64x10000xi1>, vector<64x10000xf32>
    %dot_general3A = arith.constant dense<0.000000e+00> : vector<64x32xf32>
    %dot_general3A_29 = tpu.matmul %select_n3A, %add3A_21, %dot_general3A {dimension_numbers = #tpu.dot_dimension_numbers<[1], [0], [0], [1], [0, 0, 1, 1], [], []>, transpose_lhs_hint = false} : vector<64x10000xf32>, vector<10000x32xf32>, vector<64x32xf32> -> vector<64x32xf32>
    %reduce_sum3A = arith.constant dense<0.000000e+00> : vector<64xf32>
    %reduce_sum3A_30 = vector.multi_reduction <add>, %select_n3A, %reduce_sum3A [1] : vector<64x10000xf32> to vector<64xf32>
    %broadcast_in_dim3A_31 = vector.shape_cast %reduce_sum3A_30 : vector<64xf32> to vector<64x1xf32>
    %max3A = arith.constant 1.000000e+00 : f32
    %max3A_32 = vector.broadcast %max3A : f32 to vector<64x1xf32>
    %max3A_33 = arith.maximumf %broadcast_in_dim3A_31, %max3A_32 : vector<64x1xf32>
    %div3A = vector.broadcast %max3A_33 : vector<64x1xf32> to vector<64x32xf32>
    %div3A_34 = arith.divf %dot_general3A_29, %div3A : vector<64x32xf32>
    %get3A_35 = arith.constant 0 : index
    %get3A_36 = arith.constant 0 : index
    %get3A_37 = vector.load %arg5[%get3A_35, %get3A_36] : memref<32x16xf32, #tpu.memory_space<vmem>>, vector<32x16xf32>
    %dot_general3A_38 = arith.constant dense<0.000000e+00> : vector<64x16xf32>
    %dot_general3A_39 = tpu.matmul %div3A_34, %get3A_37, %dot_general3A_38 {dimension_numbers = #tpu.dot_dimension_numbers<[1], [0], [0], [1], [0, 0, 1, 1], [], []>, transpose_lhs_hint = false} : vector<64x32xf32>, vector<32x16xf32>, vector<64x16xf32> -> vector<64x16xf32>
    %get3A_40 = arith.constant 0 : index
    %get3A_41 = arith.constant 0 : index
    %get3A_42 = vector.load %arg6[%get3A_40, %get3A_41] : memref<1x16xf32, #tpu.memory_space<vmem>>, vector<1x16xf32>
    %add3A_43 = vector.broadcast %get3A_42 : vector<1x16xf32> to vector<64x16xf32>
    %add3A_44 = arith.addf %dot_general3A_39, %add3A_43 : vector<64x16xf32>
    %swap3A = arith.constant 0 : index
    %swap3A_45 = arith.constant 0 : index
    %swap3A_46 = vector.load %arg7[%swap3A, %swap3A_45] : memref<64x16xf32, #tpu.memory_space<vmem>>, vector<64x16xf32>
    tpu.vector_store %arg7[%swap3A, %swap3A_45], %add3A_44 {strides = array<i32>} : memref<64x16xf32, #tpu.memory_space<vmem>>, vector<64x16xf32>,
    return
  }
}

</mosaic_0001>

<sc_bundles>
// kernel: kernel.11.cloned.1.call-start
scs
__scs_entry_jumppad:
0x0: {  	(pc) =	sbr.rel $0x88, $3  }
0x1: {  	(tag) =	ssettag $0x0;
	lr =	simm.s32 $0x1  }
0x2: {  	[smem:$0x3F98] =	sst lr;
	_ =	strace $0xD0000000  }
0x3: {  	_ = 	snop  }
0x4: {  	_ = 	snop  }
0x5: {  	_ = 	snop  }
0x6: {  	_ = 	snop  }
0x7: {  	_ = 	snop  }
__scs_overlays_trampoline_lowered:
0x8: {  	[smem:$0x3FA7] =	sst s0  }
0x9: {  	[smem:$0x3FA8] =	sst s1  }
0xa: {  	[smem:$0x3FA9] =	sst s2  }
0xb: {  	[smem:$0x3FAA] =	sst s3  }
0xc: {  	[smem:$0x3FAB] =	sst s4  }
0xd: {  	[smem:$0x3FAC] =	sst s5  }
0xe: {  	[smem:$0x3FAD] =	sst s6  }
0xf: {  	[smem:$0x3FAE] =	sst s7  }
0x10: {  	[smem:$0x3FAF] =	sst s8  }
0x11: {  	[smem:$0x3FB0] =	sst s9;
	s0 =	simm.s32 @!p0 $0x0  }
0x12: {  	s1 =	sld [smem:$0x3F96];
	s0 =	simm.s32 @p0 $0x1  }
0x13: {  	[smem:$0x3FB1] =	sst s0;
	s0 =	simm.s32 @!p1 $0x0  }
0x14: {  	s2 =	sld [smem:$0x3F95];
	s0 =	simm.s32 @p1 $0x1  }
0x15: {  	[smem:$0x3FB2] =	sst s0;
	s0 =	simm.s32 @!p2 $0x0  }
0x16: {  	s3 =	sld [smem:$0x3FDB];
	s0 =	simm.s32 @p2 $0x1  }
0x17: {  	s4 =	simm.s32 $0x1BF5;
	[smem:$0x3FB4] =	sst s0  }
0x18: {  	s0 =	sld [smem:$0x3F97];
	_ =	swait.ge [sflag:s4], $0x0  }
0x19: {  	s7 =	sld [smem:$0x3F98]  }
0x1a: {  	s8 =	sadd.s32 $0xFFFFE003, lr  }
0x1b: {  	s9 =	sadd.s32 $0xFFFFFEF7, lr;
	s5 =	simm.s32 $0xFFFFFFFF;
	p2 =	slt.u32 s8, $0xFFFFF086  }
0x1c: {  	p1 =	slt.u32 s9, $0xF7A;
	s5 =	simm.s32 @!p2 $0x0  }
0x1d: {  	s5 =	simm.s32 @p1 $0x1;
	p0 =	seq.s32 s7, s2  }
0x1e: {  	s7 =	smul.u32 @!p0 $0xF7A, s2;
	p2 =	seq.s32 @!p0 s5, $0x0  }
0x1f: {  	s9 =	smul.u32 $0xF7A, s1;
	s8 =	simm.s32 @!p0 $0x1BF5;
	p2 =	por !p2, p0  }
0x20: {  	[sflag:s8] =	ssyncset.s32 @!p0 $0xFFFFF086;
	s6 =	sadd.s32 @!p0 s3, s7;
	s7 =	simm.s32 @!p0 $0x108  }
0x21: {  	s3 =	sadd.s32 s3, s9;
	s6 =	sadd.s32 @!p0 $0x88, s6;
	s7 =	simm.s32 @p2 $0x1082  }
0x22: {  	[simem:s7], [sflag:s8] =	dma.local @!p0 [hbm:s6], $0xF7A  }
0x23: {  	s9 =	sor.u32 $0xD0000000, s2;
	s6 =	simm.s32 $0x108;
	_ =	swait.ge @!p0 [sflag:s8], $0x0  }
0x24: {  	s3 =	sadd.s32 $0x88, s3;
	s6 =	simm.s32 @!p1 $0x1082;
	[sflag:s4] =	ssyncset.s32 $0xFFFFF086  }
0x25: {  	[simem:s6], [sflag:s4] =	dma.local [hbm:s3], $0xF7A  }
0x26: {  	[smem:$0x3F98] =	sst s1;
	(tag) =	ssettag s2;
	_ =	strace s9  }
0x27: {  	s1 =	sld [smem:$0x3FA8]  }
0x28: {  	s2 =	sld [smem:$0x3FA9]  }
0x29: {  	s4 =	sld [smem:$0x3FAB]  }
0x2a: {  	p0 =	seq.s32 s5, $0x0;
	s5 =	sld [smem:$0x3FAC]  }
0x2b: {  	s6 =	sld [smem:$0x3FAD]  }
0x2c: {  	s7 =	sld [smem:$0x3FAE]  }
0x2d: {  	s3 =	simm.s32 $0x108;
	s8 =	sld [smem:$0x3FAF]  }
0x2e: {  	s3 =	simm.s32 @!p0 $0x1082;
	s9 =	sld [smem:$0x3FB0]  }
0x2f: {  	lr =	sadd.s32 s0, s3;
	s0 =	sld [smem:$0x3FA7]  }
0x30: {  	s3 =	sld [smem:$0x3FAA]  }
0x31: {  	[smem:$0x3FB3] =	sst s10  }
0x32: {  	s10 =	sld [smem:$0x3FB1];
	_ =	sdelay $0x3  }
0x33: {  	p0 =	seq.s32 s10, $0x1;
	s10 =	sld [smem:$0x3FB3];
	_ =	sdelay $0x3  }
0x34: {  	[smem:$0x3FB3] =	sst s10  }
0x35: {  	s10 =	sld [smem:$0x3FB2];
	_ =	sdelay $0x3  }
0x36: {  	p1 =	seq.s32 s10, $0x1;
	s10 =	sld [smem:$0x3FB3];
	_ =	sdelay $0x3  }
0x37: {  	[smem:$0x3FB3] =	sst s10  }
0x38: {  	s10 =	sld [smem:$0x3FB4]  }
0x39: {  	_ = 	snop;
	(pc) =	sbr.ind lr, $3  }
0x3a: {  	_ = 	snop  }
0x3b: {  	_ = 	snop  }
0x3c: {  	p2 =	seq.s32 s10, $0x1;
	s10 =	sld [smem:$0x3FB3]  }
0x3d: {  	_ =	shalt  }
0x3e: {  	_ =	shalt  }
0x3f: {  	_ =	shalt  }
0x40: {  	_ =	shalt  }
0x41: {  	_ =	shalt  }
0x42: {  	_ =	shalt  }
0x43: {  	_ =	shalt  }
0x44: {  	_ =	shalt  }
0x45: {  	_ =	shalt  }
0x46: {  	_ =	shalt  }
0x47: {  	_ =	shalt  }
0x48: {  	_ =	shalt  }
0x49: {  	_ =	shalt  }
0x4a: {  	_ =	shalt  }
0x4b: {  	_ =	shalt  }
0x4c: {  	_ =	shalt  }
0x4d: {  	_ =	shalt  }
0x4e: {  	_ =	shalt  }
0x4f: {  	_ =	shalt  }
0x50: {  	_ =	shalt  }
0x51: {  	_ =	shalt  }
0x52: {  	_ =	shalt  }
0x53: {  	_ =	shalt  }
0x54: {  	_ =	shalt  }
0x55: {  	_ =	shalt  }
0x56: {  	_ =	shalt  }
0x57: {  	_ =	shalt  }
0x58: {  	_ =	shalt  }
0x59: {  	_ =	shalt  }
0x5a: {  	_ =	shalt  }
0x5b: {  	_ =	shalt  }
0x5c: {  	_ =	shalt  }
0x5d: {  	_ =	shalt  }
0x5e: {  	_ =	shalt  }
0x5f: {  	_ =	shalt  }
0x60: {  	_ =	shalt  }
0x61: {  	_ =	shalt  }
0x62: {  	_ =	shalt  }
0x63: {  	_ =	shalt  }
0x64: {  	_ =	shalt  }
0x65: {  	_ =	shalt  }
0x66: {  	_ =	shalt  }
0x67: {  	_ =	shalt  }
0x68: {  	_ =	shalt  }
0x69: {  	_ =	shalt  }
0x6a: {  	_ =	shalt  }
0x6b: {  	_ =	shalt  }
0x6c: {  	_ =	shalt  }
0x6d: {  	_ =	shalt  }
0x6e: {  	_ =	shalt  }
0x6f: {  	_ =	shalt  }
0x70: {  	_ =	shalt  }
0x71: {  	_ =	shalt  }
0x72: {  	_ =	shalt  }
0x73: {  	_ =	shalt  }
0x74: {  	_ =	shalt  }
0x75: {  	_ =	shalt  }
0x76: {  	_ =	shalt  }
0x77: {  	_ =	shalt  }
0x78: {  	_ =	shalt  }
0x79: {  	_ =	shalt  }
0x7a: {  	_ =	shalt  }
0x7b: {  	_ =	shalt  }
0x7c: {  	_ =	shalt  }
0x7d: {  	_ =	shalt  }
0x7e: {  	_ =	shalt  }
0x7f: {  	_ =	shalt  }
0x80: {  	_ =	shalt  }
0x81: {  	_ =	shalt  }
0x82: {  	_ =	shalt  }
0x83: {  	_ =	shalt  }
0x84: {  	_ =	shalt  }
0x85: {  	_ =	shalt  }
0x86: {  	_ =	shalt  }
0x87: {  	_ =	shalt  }
.Lfunc_end0:
.L_simem_size_0:
called_computation.1_lowered:
.L_overlay_start_0:
0x88: {  	s2 =	sld [smem:$0x3FD9]  }
0x89: {  	s3 =	sld [smem:$0x3FFE];
	_ =	sdelay $0x1  }
0x8a: {  	s1 =	srdreg.scid  }
0x8b: {  	s0 =	sand.u32 $0x1, s1  }
0x8c: {  	s16 =	sshll.u32 s0, $0xA;
	s2 =	sadd.s32 s3, s2  }
0x8d: {  	s2 =	sadd.s32 s2, s16  }
0x8e: {  	[smem:$0x3FBF] =	sst s2  }
0x8f: {  	_ = 	snop  }
0x90: {  	(tm) =	ssettm $0x1  }
0x91: {  	s17 =	sld [smem:$0x3FFB];
	_ =	sdelay $0x3  }
0x92: {  	_ =	strace s17  }
0x93: {  	s2 =	sld [smem:$0x3FFC];
	_ =	sdelay $0x3  }
0x94: {  	_ =	strace s2  }
0x95: {  	s2 =	sld [smem:$0x3FFD];
	_ =	sdelay $0x3  }
0x96: {  	_ =	strace s2  }
0x97: {  	_ =	strace $0x8FFFFFFF  }
0x98: {  	s18 =	sld [smem:$0x3FDB];
	_ =	sdelay $0x1  }
0x99: {  	s19 =	simm.s32 $_scs_section_size  }
0x9a: {  	s4 =	simm.s32 $_size__tile_overlayer_lowered;
	s5 =	simm.s32 $_tile_overlayer_lowered  }
0x9b: {  	s22 =	simm.s32 $0x1BFF;
	s21 =	sshll.u32 s5, $0x1;
	s2 =	sadd.s32 s19, s18  }
0x9c: {  	s6 =	simm.s32 $0x0;
	s20 =	sshll.u32 s4, $0x1;
	s4 =	sadd.s32 s21, s2  }
0x9d: {  	[timem:s6], [sflag:s22] =	dma.local [hbm:s4], s20  }
0x9e: {  	_ =	swait.ge [sflag:s22], s20  }
0x9f: {  	s3 =	ssub.s32 $0x0, s20;
	[sflag:s22] =	ssyncset.done $0x0  }
0xa0: {  	[sflag:s22] =	ssyncadd.s32 s3;
	_ =	sdelay $0x1  }
0xa1: {  	s23 =	simm.s32 $0x1B8B  }
0xa2: {  	_ =	swait.ge [sflag:s23], $0x1  }
0xa3: {  	[sflag:s23] =	ssyncset.done $0x0  }
0xa4: {  	s25 =	simm.s32 $0x1B8E;
	s24 =	sld [smem:$0x3FFE];
	[sflag:s23] =	ssyncadd.s32 $0xFFFFFFFF  }
0xa5: {  	s26 =	simm.s32 $execute0_lowered;
	[smem:$0x3FD2] =	sst s25  }
0xa6: {  	s4 =	sshll.u32 s26, $0x1;
	_ =	strace $0x80000049;
	[dreg:$0x1] =	wrdreg $0xFFFFFFFF  }
0xa7: {  	s28 =	simm.s32 $_size_execute0_lowered;
	s2 =	sadd.s32 s2, s4;
	[dreg:$0x0] =	wrdreg $0x0  }
0xa8: {  	s4 =	sshll.u32 s28, $0x1;
	[dreg:$0x2] =	wrdreg s2  }
0xa9: {  	[dreg:$0x3] =	wrdreg s4  }
0xaa: {  	[dreg:$0x4] =	wrdreg $0xC0  }
0xab: {  	_ =	task [dreg:s6], $0x5FFFF  }
0xac: {  	[dreg:$0x1] =	wrdreg $0xFFFFFFFF  }
0xad: {  	[dreg:$0x0] =	wrdreg $0x60  }
0xae: {  	[dreg:$0x2] =	wrdreg s24  }
0xaf: {  	[dreg:$0x3] =	wrdreg $0x85000  }
0xb0: {  	[dreg:$0x4] =	wrdreg $0x121400  }
0xb1: {  	[dreg:$0x5] =	wrdreg $0x9  }
0xb2: {  	_ =	task.clear_ibuf [dreg:s6], $0x6FFFF;
	_ =	strace $0x90000049  }
0xb3: {  	s29 =	simm.s32 $0x9;
	_ =	strace $0x8000004B  }
0xb4: {  	_ =	swait.ge [sflag:s29], $0x1  }
0xb5: {  	[sflag:s29] =	ssyncadd.s32 $0xFFFFFFFF  }
0xb6: {  	_ =	strace $0x9000004B  }
0xb7: {  	_ =	sfence  }
0xb8: {  	s30 =	sld [smem:$0x0];
	_ =	sdelay $0x2  }
0xb9: {  	s31 =	sshll.u32 s1, $0xD;
	s1 =	sshrl.u32 s1, $0x2  }
0xba: {  	s3 =	sand.u32 $0x4000, s31;
	s1 =	sadd.s32 s1, s30  }
0xbb: {  	s0 =	sor.u32 s3, s0;
	s1 =	sshll.u32 s1, $0x11  }
0xbc: {  	s0 =	sor.u32 s1, s0  }
0xbd: {  	s0 =	sadd.s32 $0x8F2B, s0  }
0xbe: {  	[sflag:s0] =	ssyncadd.remote.s32 $0x1  }
0xbf: {  	_ =	sfence.sel $0xFFFF  }
0xc0: {  	[dreg:$0x0] =	wrdreg $0xFFFFFFFF;
	(pc) =	sbr.abs _section_cstart, $3  }
0xc1: {  	[dreg:$0x1] =	wrdreg $0xFFFFFFFF  }
0xc2: {  	_ =	task.clear_ibuf [dreg:s6], $0x2FFFF;
	_ =	strace $0x9FFFFFFF  }
0xc3: {  	(tm) =	ssettm $0x7FFFFFFF  }
tec
execute0_lowered:
.L_overlay_start_1:
0x0: {  	(tag) =	ssettag $0x1  }
0x1: {  	s0 =	rddreg [dreg:$0x0]  }
0x2: {  	s1 =	rddreg [dreg:$0x1]  }
0x3: {  	s3 =	rddreg [dreg:$0x2]  }
0x4: {  	s12 =	stileid.u32;
	s2 =	srdreg.scid;
	s4 =	simm.s32 $0x0  }
0x5: {  	s25 =	simm.s32 $0x80;
	s26 =	simm.s32 $0x100;
	s17 =	simm.s32 $0x180  }
0x6: {  	s19 =	simm.s32 $0x480;
	[smem:$0x7FF] =	sst s4;
	s23 =	sshll.u32 s12, $0x6  }
0x7: {  	s20 =	simm.s32 $0x500;
	_ =	strace $0x8000004A;
	[dreg:$0xf] =	wrdreg s23  }
0x8: {  	s21 =	simm.s32 $0x580;
	s28 =	simm.s32 $0x4680;
	[dreg:$0x4] =	wrdreg s25  }
0x9: {  	s29 =	simm.s32 $0x65C0;
	s30 =	simm.s32 $0x1;
	[dreg:$0x5] =	wrdreg s26  }
0xa: {  	s31 =	simm.s32 $0x8;
	s6 =	smul.u32 $0x9C40, s12;
	[dreg:$0x6] =	wrdreg s17  }
0xb: {  	s2 =	sand.u32 $0x1, s2;
	s5 =	sshll.u32 s12, $0x1;
	[dreg:$0x7] =	wrdreg s19  }
0xc: {  	s11 =	smul.u32 $0x27100, s12;
	s5 =	sor.u32 s2, s5;
	[dreg:$0x8] =	wrdreg s20  }
0xd: {  	s7 =	smul.u32 $0x13880, s2;
	s2 =	ssub.s32 $0x2, s2;
	[dreg:$0x9] =	wrdreg s21  }
0xe: {  	s19 =	simm.s32 $0x7;
	s20 =	simm.s32 $0x5;
	s21 =	simm.s32 $0x200  }
0xf: {  	s25 =	simm.s32 $0x680;
	s26 =	simm.s32 $0x700;
	s8 =	sshrl.u32 s6, $0x3  }
0x10: {  	s5 =	smul.u32 $0x500, s5;
	s22 =	sshrl.u32 s2, $0x1;
	s11 =	sshrl.u32 s11, $0x2  }
0x11: {  	s24 =	sadd.s32 s6, s1;
	s6 =	sadd.s32 s6, s3;
	[dreg:$0xd] =	wrdreg s25  }
0x12: {  	[dreg:$0xe] =	wrdreg s26;
	s25 =	simm.s32 $0x800;
	s26 =	simm.s32 $0x2740  }
0x13: {  	s9 =	sadd.s32 s8, s0;
	s2 =	ssub.s32 s2, s22;
	s11 =	sadd.s32 s11, s1  }
0x14: {  	s12 =	sshrl.u32 s24, $0x3;
	s6 =	sshrl.u32 s6, $0x3;
	s22 =	simm.s32 $0x280  }
0x15: {  	s24 =	simm.s32 $0x380;
	s10 =	sadd.s32 s5, s0;
	s5 =	sadd.s32 $0x29A00, s0  }
0x16: {  	s0 =	sadd.s32 s7, s0;
	s7 =	sor.u32 $0x1C07, s23;
	[dreg:$0x16] =	wrdreg s6  }
0x17: {  	s13 =	sadd.s32 $0x1F40, s11;
	s14 =	sadd.s32 $0x3E80, s11;
	[dreg:$0xa] =	wrdreg s22  }
0x18: {  	s15 =	sadd.s32 $0x5DC0, s11;
	s9 =	sadd.s32 $0x1E00, s9;
	[dreg:$0xc] =	wrdreg s24  }
0x19: {  	s11 =	sadd.s32 $0x7D00, s11;
	s2 =	smax.u32 s2, $0x1;
	[dreg:$0x10] =	wrdreg s9  }
0x1a: {  	s23 =	simm.s32 $0x300;
	s22 =	simm.s32 $0x600;
	[dreg:$0x11] =	wrdreg s2  }
0x1b: {  	s6 =	simm.s32 $0x6;
	s13 =	sshrl.u32 s13, $0x3;
	[dreg:$0xb] =	wrdreg s23  }
0x1c: {  	s9 =	sadd.s32 $0x1FA00, s10;
	s16 =	sshrl.u32 s14, $0x3;
	[dreg:$0x12] =	wrdreg s13  }
0x1d: {  	s10 =	sadd.s32 $0x15A00, s10;
	s18 =	sshrl.u32 s15, $0x3;
	[dreg:$0x13] =	wrdreg s16  }
0x1e: {  	s0 =	sadd.s32 $0x29E00, s0;
	s11 =	sshrl.u32 s11, $0x3;
	[dreg:$0x14] =	wrdreg s18  }
0x1f: {  	s23 =	simm.s32 $0x7D;
	s2 =	simm.s32 $0x2;
	[dreg:$0x15] =	wrdreg s11  }
0x20: {  	s18 =	simm.s32 $0x400;
	s24 =	sadd.s32 s8, s0;
	s0 =	simm.s32 $0x3  }
0x21: {  	s8 =	simm.s32 $0x4;
	s11 =	simm.s32 $0x780;
	s13 =	simm.s32 $0x0  }
.LBB2_1:
0x22: {  	[spmem:s12], [sflag:s7] =	dma.local [hbm:s5], $0x3E8  }
0x23: {  	s14 =	rddreg [dreg:$0x12]  }
0x24: {  	[spmem:s14], [sflag:s7] =	dma.local [hbm:s5], $0x3E8  }
0x25: {  	s14 =	rddreg [dreg:$0x13]  }
0x26: {  	[spmem:s14], [sflag:s7] =	dma.local [hbm:s5], $0x3E8  }
0x27: {  	s14 =	rddreg [dreg:$0x14]  }
0x28: {  	[spmem:s14], [sflag:s7] =	dma.local [hbm:s5], $0x3E8  }
0x29: {  	s14 =	rddreg [dreg:$0x15]  }
0x2a: {  	[spmem:s14], [sflag:s7] =	dma.local [hbm:s5], $0x3E8  }
0x2b: {  	s14 =	rddreg [dreg:$0x10]  }
0x2c: {  	s15 =	rddreg [dreg:$0x16]  }
0x2d: {  	[spmem:s15], [sflag:s7] =	dma.local [hbm:s14], $0x1388  }
0x2e: {  	[tilespmem:s4], [sflag:$0x5] =	stream.linear.gather [hbm4b:s9+s4], $0x200, $0x38;
	[tilespmem:$0x1BD80] =	vst v63  }
0x2f: {  	_ = 	snop  }
0x30: {  	[tilespmem:s18], [sflag:$0x5] =	stream.linear.gather [hbm4b:s10+s4], $0x200, $0x38;
	[tilespmem:$0x1BD80] =	vst v63  }
0x31: {  	_ =	swait.ge [sflag:s19], $0x3E8  }
0x32: {  	[sflag:s19] =	ssyncset.done $0x0  }
0x33: {  	[sflag:s19] =	ssyncadd.s32 $0xFFFFFC18  }
0x34: {  	_ =	swait.ge [sflag:s19], $0x3E8  }
0x35: {  	[sflag:s19] =	ssyncset.done $0x0  }
0x36: {  	[sflag:s19] =	ssyncadd.s32 $0xFFFFFC18  }
0x37: {  	_ =	swait.ge [sflag:s19], $0x3E8  }
0x38: {  	[sflag:s19] =	ssyncset.done $0x0  }
0x39: {  	[sflag:s19] =	ssyncadd.s32 $0xFFFFFC18  }
0x3a: {  	_ =	swait.ge [sflag:s19], $0x3E8  }
0x3b: {  	[sflag:s19] =	ssyncset.done $0x0  }
0x3c: {  	[sflag:s19] =	ssyncadd.s32 $0xFFFFFC18  }
0x3d: {  	_ =	swait.ge [sflag:s19], $0x3E8  }
0x3e: {  	[sflag:s19] =	ssyncset.done $0x0  }
0x3f: {  	[sflag:s19] =	ssyncadd.s32 $0xFFFFFC18  }
0x40: {  	_ =	swait.ge [sflag:s19], $0x1388  }
0x41: {  	[sflag:s19] =	ssyncset.done $0x0  }
0x42: {  	[sflag:s19] =	ssyncadd.s32 $0xFFFFEC78  }
0x43: {  	[bflag:$0x0] =	sbarrier.arrive $0xFFFF  }
0x44: {  	_ =	swait.ge [sflag:s20], $0x200  }
0x45: {  	[sflag:s20] =	ssyncset.done $0x0  }
0x46: {  	[sflag:s20] =	ssyncadd.s32 $0xFFFFFE00  }
0x47: {  	_ =	swait.ge [sflag:s20], $0x200  }
0x48: {  	s15 =	sadd.s32 $0x0, s9;
	[sflag:s20] =	ssyncset.done $0x0  }
0x49: {  	s16 =	sadd.s32 $0x0, s10;
	s14 =	sadd.s32 $0x40, s15;
	[sflag:s20] =	ssyncadd.s32 $0xFFFFFE00  }
0x4a: {  	[tilespmem:s21], [sflag:$0x6] =	stream.linear.gather [hbm4b:s14+s4], $0x200, $0x38;
	[tilespmem:$0x1BD80] =	vst v63  }
0x4b: {  	s17 =	sadd.s32 $0x40, s16  }
0x4c: {  	[tilespmem:s22], [sflag:$0x6] =	stream.linear.gather [hbm4b:s17+s4], $0x200, $0x38;
	[tilespmem:$0x1BD80] =	vst v63  }
0x4d: {  	_ = 	snop  }
0x4e: {  	[tilespmem:s25], [sflag:$0x1] =	stream.indirect.gather [spmem:s3], $0x40, s4, s23, $0xb8;
	[tilespmem:$0x1BD80] =	vst v63  }
0x4f: {  	s15 =	rddreg [dreg:$0x4]  }
0x50: {  	[tilespmem:s26], [sflag:$0x2] =	stream.indirect.gather [spmem:s3], $0x40, s15, s23, $0xb8;
	[tilespmem:$0x1BD80] =	vst v63  }
0x51: {  	s16 =	rddreg [dreg:$0x5]  }
0x52: {  	[tilespmem:s28], [sflag:$0x3] =	stream.indirect.gather [spmem:s3], $0x40, s16, s23, $0xb8;
	[tilespmem:$0x1BD80] =	vst v63  }
0x53: {  	s17 =	rddreg [dreg:$0x6]  }
0x54: {  	[tilespmem:s29], [sflag:$0x4] =	stream.indirect.gather [spmem:s3], $0x40, s17, s23, $0xb8;
	[tilespmem:$0x1BD80] =	vst v63  }
0x55: {  	_ =	swait.ge [sflag:s30], $0x1F40  }
0x56: {  	[sflag:s30] =	ssyncset.done $0x0  }
0x57: {  	[sflag:s30] =	ssyncadd.s32 $0xFFFFE0C0  }
0x58: {  	[spmem:s1] =	stream.indirect.scatter.add.f32 [tilespmem:s25], [sflag:$0x8], $0x40, s18, s23, $0xb8;
	[tilespmem:$0x1BD80] =	vst v63  }
0x59: {  	_ =	swait.ge [sflag:s31], $0x1F40  }
0x5a: {  	[sflag:s31] =	ssyncset.done $0x0  }
0x5b: {  	[sflag:s31] =	ssyncadd.s32 $0xFFFFE0C0  }
0x5c: {  	_ =	swait.ge [sflag:s2], $0x1F40  }
0x5d: {  	[sflag:s2] =	ssyncset.done $0x0  }
0x5e: {  	s15 =	rddreg [dreg:$0x7];
	[sflag:s2] =	ssyncadd.s32 $0xFFFFE0C0  }
0x5f: {  	[spmem:s1] =	stream.indirect.scatter.add.f32 [tilespmem:s26], [sflag:$0x8], $0x40, s15, s23, $0xb8;
	[tilespmem:$0x1BD80] =	vst v63  }
0x60: {  	_ =	swait.ge [sflag:s31], $0x1F40  }
0x61: {  	[sflag:s31] =	ssyncset.done $0x0  }
0x62: {  	[sflag:s31] =	ssyncadd.s32 $0xFFFFE0C0  }
0x63: {  	_ =	swait.ge [sflag:s0], $0x1F40  }
0x64: {  	[sflag:s0] =	ssyncset.done $0x0  }
0x65: {  	s16 =	rddreg [dreg:$0x8];
	[sflag:s0] =	ssyncadd.s32 $0xFFFFE0C0  }
0x66: {  	[spmem:s1] =	stream.indirect.scatter.add.f32 [tilespmem:s28], [sflag:$0x8], $0x40, s16, s23, $0xb8;
	[tilespmem:$0x1BD80] =	vst v63  }
0x67: {  	_ =	swait.ge [sflag:s31], $0x1F40  }
0x68: {  	[sflag:s31] =	ssyncset.done $0x0  }
0x69: {  	[sflag:s31] =	ssyncadd.s32 $0xFFFFE0C0  }
0x6a: {  	_ =	swait.ge [sflag:s8], $0x1F40  }
0x6b: {  	[sflag:s8] =	ssyncset.done $0x0  }
0x6c: {  	s17 =	rddreg [dreg:$0x9];
	[sflag:s8] =	ssyncadd.s32 $0xFFFFE0C0  }
0x6d: {  	[spmem:s1] =	stream.indirect.scatter.add.f32 [tilespmem:s29], [sflag:$0x8], $0x40, s17, s23, $0xb8;
	[tilespmem:$0x1BD80] =	vst v63  }
0x6e: {  	_ =	swait.ge [sflag:s31], $0x1F40  }
0x6f: {  	[sflag:s31] =	ssyncset.done $0x0  }
0x70: {  	[sflag:s31] =	ssyncadd.s32 $0xFFFFE0C0  }
0x71: {  	_ =	swait.ge [sflag:s6], $0x200  }
0x72: {  	[sflag:s6] =	ssyncset.done $0x0  }
0x73: {  	p0 =	por $0x0, $0x0;
	[sflag:s6] =	ssyncadd.s32 $0xFFFFFE00  }
0x74: {  	s14 =	sadd.s32 @!p0 $0x0, s9;
	_ =	swait.ge [sflag:s6], $0x200  }
0x75: {  	s14 =	sadd.s32 @!p0 $0x80, s14;
	[sflag:s6] =	ssyncset.done $0x0  }
0x76: {  	s15 =	sadd.s32 @!p0 $0x0, s10;
	s16 =	simm.s32 @!p0 $0x0;
	[sflag:s6] =	ssyncadd.s32 $0xFFFFFE00  }
0x77: {  	[tilespmem:s16], [sflag:$0x5] =	stream.linear.gather @!p0 [hbm4b:s14+s16], $0x200, $0x38;
	[tilespmem:$0x1BD80] =	vst v63  }
0x78: {  	s14 =	sadd.s32 @!p0 $0x80, s15;
	s15 =	simm.s32 @!p0 $0x400  }
0x79: {  	[tilespmem:s15], [sflag:$0x5] =	stream.linear.gather @!p0 [hbm4b:s14+s16], $0x200, $0x38;
	[tilespmem:$0x1BD80] =	vst v63  }
0x7a: {  	_ = 	snop  }
0x7b: {  	[tilespmem:s25], [sflag:$0x1] =	stream.indirect.gather [spmem:s3], $0x40, s21, s23, $0xb8;
	[tilespmem:$0x1BD80] =	vst v63  }
0x7c: {  	s15 =	rddreg [dreg:$0xa]  }
0x7d: {  	[tilespmem:s26], [sflag:$0x2] =	stream.indirect.gather [spmem:s3], $0x40, s15, s23, $0xb8;
	[tilespmem:$0x1BD80] =	vst v63  }
0x7e: {  	s16 =	rddreg [dreg:$0xb]  }
0x7f: {  	[tilespmem:s28], [sflag:$0x3] =	stream.indirect.gather [spmem:s3], $0x40, s16, s23, $0xb8;
	[tilespmem:$0x1BD80] =	vst v63  }
0x80: {  	s17 =	rddreg [dreg:$0xc]  }
0x81: {  	[tilespmem:s29], [sflag:$0x4] =	stream.indirect.gather [spmem:s3], $0x40, s17, s23, $0xb8;
	[tilespmem:$0x1BD80] =	vst v63  }
0x82: {  	_ =	swait.ge [sflag:s30], $0x1F40  }
0x83: {  	[sflag:s30] =	ssyncset.done $0x0  }
0x84: {  	[sflag:s30] =	ssyncadd.s32 $0xFFFFE0C0  }
0x85: {  	[spmem:s1] =	stream.indirect.scatter.add.f32 [tilespmem:s25], [sflag:$0x8], $0x40, s22, s23, $0xb8;
	[tilespmem:$0x1BD80] =	vst v63  }
0x86: {  	_ =	swait.ge [sflag:s31], $0x1F40  }
0x87: {  	[sflag:s31] =	ssyncset.done $0x0  }
0x88: {  	[sflag:s31] =	ssyncadd.s32 $0xFFFFE0C0  }
0x89: {  	_ =	swait.ge [sflag:s2], $0x1F40  }
0x8a: {  	[sflag:s2] =	ssyncset.done $0x0  }
0x8b: {  	s16 =	rddreg [dreg:$0xd];
	[sflag:s2] =	ssyncadd.s32 $0xFFFFE0C0  }
0x8c: {  	[spmem:s1] =	stream.indirect.scatter.add.f32 [tilespmem:s26], [sflag:$0x8], $0x40, s16, s23, $0xb8;
	[tilespmem:$0x1BD80] =	vst v63  }
0x8d: {  	_ =	swait.ge [sflag:s31], $0x1F40  }
0x8e: {  	[sflag:s31] =	ssyncset.done $0x0  }
0x8f: {  	[sflag:s31] =	ssyncadd.s32 $0xFFFFE0C0  }
0x90: {  	_ =	swait.ge [sflag:s0], $0x1F40  }
0x91: {  	[sflag:s0] =	ssyncset.done $0x0  }
0x92: {  	s17 =	rddreg [dreg:$0xe];
	[sflag:s0] =	ssyncadd.s32 $0xFFFFE0C0  }
0x93: {  	[spmem:s1] =	stream.indirect.scatter.add.f32 [tilespmem:s28], [sflag:$0x8], $0x40, s17, s23, $0xb8;
	[tilespmem:$0x1BD80] =	vst v63  }
0x94: {  	_ =	swait.ge [sflag:s31], $0x1F40  }
0x95: {  	[sflag:s31] =	ssyncset.done $0x0  }
0x96: {  	[sflag:s31] =	ssyncadd.s32 $0xFFFFE0C0  }
0x97: {  	_ =	swait.ge [sflag:s8], $0x1F40  }
0x98: {  	[sflag:s8] =	ssyncset.done $0x0  }
0x99: {  	[sflag:s8] =	ssyncadd.s32 $0xFFFFE0C0  }
0x9a: {  	[spmem:s1] =	stream.indirect.scatter.add.f32 [tilespmem:s29], [sflag:$0x8], $0x40, s11, s23, $0xb8;
	[tilespmem:$0x1BD80] =	vst v63  }
0x9b: {  	_ =	swait.ge [sflag:s31], $0x1F40  }
0x9c: {  	s14 =	simm.s32 $0x80;
	[sflag:s31] =	ssyncset.done $0x0  }
.LBB2_2:
0x9d: {  	[sflag:s31] =	ssyncadd.s32 $0xFFFFE0C0  }
0x9e: {  	_ =	swait.ge [sflag:s20], $0x200  }
0x9f: {  	[sflag:s20] =	ssyncset.done $0x0  }
0xa0: {  	[sflag:s20] =	ssyncadd.s32 $0xFFFFFE00  }
0xa1: {  	s15 =	smov.u32 s14;
	_ =	swait.ge [sflag:s20], $0x200  }
0xa2: {  	s16 =	sadd.s32 s15, s9;
	[sflag:s20] =	ssyncset.done $0x0  }
0xa3: {  	s17 =	sadd.s32 s15, s10;
	s16 =	sadd.s32 $0x40, s16;
	[sflag:s20] =	ssyncadd.s32 $0xFFFFFE00  }
0xa4: {  	[tilespmem:s21], [sflag:$0x6] =	stream.linear.gather [hbm4b:s16+s4], $0x200, $0x38;
	[tilespmem:$0x1BD80] =	vst v63  }
0xa5: {  	s17 =	sadd.s32 $0x40, s17  }
0xa6: {  	[tilespmem:s22], [sflag:$0x6] =	stream.linear.gather [hbm4b:s17+s4], $0x200, $0x38;
	[tilespmem:$0x1BD80] =	vst v63  }
0xa7: {  	_ = 	snop  }
0xa8: {  	[tilespmem:s25], [sflag:$0x1] =	stream.indirect.gather [spmem:s3], $0x40, s4, s23, $0xb8;
	[tilespmem:$0x1BD80] =	vst v63  }
0xa9: {  	s16 =	rddreg [dreg:$0x4]  }
0xaa: {  	[tilespmem:s26], [sflag:$0x2] =	stream.indirect.gather [spmem:s3], $0x40, s16, s23, $0xb8;
	[tilespmem:$0x1BD80] =	vst v63  }
0xab: {  	s17 =	rddreg [dreg:$0x5]  }
0xac: {  	[tilespmem:s28], [sflag:$0x3] =	stream.indirect.gather [spmem:s3], $0x40, s17, s23, $0xb8;
	[tilespmem:$0x1BD80] =	vst v63  }
0xad: {  	s16 =	rddreg [dreg:$0x6]  }
0xae: {  	[tilespmem:s29], [sflag:$0x4] =	stream.indirect.gather [spmem:s3], $0x40, s16, s23, $0xb8;
	[tilespmem:$0x1BD80] =	vst v63  }
0xaf: {  	_ =	swait.ge [sflag:s30], $0x1F40  }
0xb0: {  	[sflag:s30] =	ssyncset.done $0x0  }
0xb1: {  	[sflag:s30] =	ssyncadd.s32 $0xFFFFE0C0  }
0xb2: {  	[spmem:s1] =	stream.indirect.scatter.add.f32 [tilespmem:s25], [sflag:$0x8], $0x40, s18, s23, $0xb8;
	[tilespmem:$0x1BD80] =	vst v63  }
0xb3: {  	_ =	swait.ge [sflag:s31], $0x1F40  }
0xb4: {  	[sflag:s31] =	ssyncset.done $0x0  }
0xb5: {  	[sflag:s31] =	ssyncadd.s32 $0xFFFFE0C0  }
0xb6: {  	_ =	swait.ge [sflag:s2], $0x1F40  }
0xb7: {  	[sflag:s2] =	ssyncset.done $0x0  }
0xb8: {  	s17 =	rddreg [dreg:$0x7];
	[sflag:s2] =	ssyncadd.s32 $0xFFFFE0C0  }
0xb9: {  	[spmem:s1] =	stream.indirect.scatter.add.f32 [tilespmem:s26], [sflag:$0x8], $0x40, s17, s23, $0xb8;
	[tilespmem:$0x1BD80] =	vst v63  }
0xba: {  	_ =	swait.ge [sflag:s31], $0x1F40  }
0xbb: {  	[sflag:s31] =	ssyncset.done $0x0  }
0xbc: {  	[sflag:s31] =	ssyncadd.s32 $0xFFFFE0C0  }
0xbd: {  	_ =	swait.ge [sflag:s0], $0x1F40  }
0xbe: {  	[sflag:s0] =	ssyncset.done $0x0  }
0xbf: {  	s17 =	rddreg [dreg:$0x8];
	[sflag:s0] =	ssyncadd.s32 $0xFFFFE0C0  }
0xc0: {  	[spmem:s1] =	stream.indirect.scatter.add.f32 [tilespmem:s28], [sflag:$0x8], $0x40, s17, s23, $0xb8;
	[tilespmem:$0x1BD80] =	vst v63  }
0xc1: {  	_ =	swait.ge [sflag:s31], $0x1F40  }
0xc2: {  	[sflag:s31] =	ssyncset.done $0x0  }
0xc3: {  	[sflag:s31] =	ssyncadd.s32 $0xFFFFE0C0  }
0xc4: {  	_ =	swait.ge [sflag:s8], $0x1F40  }
0xc5: {  	[sflag:s8] =	ssyncset.done $0x0  }
0xc6: {  	s17 =	rddreg [dreg:$0x9];
	[sflag:s8] =	ssyncadd.s32 $0xFFFFE0C0  }
0xc7: {  	[spmem:s1] =	stream.indirect.scatter.add.f32 [tilespmem:s29], [sflag:$0x8], $0x40, s17, s23, $0xb8;
	[tilespmem:$0x1BD80] =	vst v63  }
0xc8: {  	_ =	swait.ge [sflag:s31], $0x1F40  }
0xc9: {  	[sflag:s31] =	ssyncset.done $0x0  }
0xca: {  	[sflag:s31] =	ssyncadd.s32 $0xFFFFE0C0  }
0xcb: {  	_ =	swait.ge [sflag:s6], $0x200  }
0xcc: {  	[sflag:s6] =	ssyncset.done $0x0  }
0xcd: {  	[sflag:s6] =	ssyncadd.s32 $0xFFFFFE00  }
0xce: {  	p1 =	seq.s32 s15, $0x480;
	_ =	swait.ge [sflag:s6], $0x200  }
0xcf: {  	s16 =	sadd.s32 @!p1 s15, s9;
	s15 =	sadd.s32 @!p1 s15, s10;
	[sflag:s6] =	ssyncset.done $0x0  }
0xd0: {  	s16 =	sadd.s32 @!p1 $0x80, s16;
	s17 =	simm.s32 @!p1 $0x0;
	[sflag:s6] =	ssyncadd.s32 $0xFFFFFE00  }
0xd1: {  	[tilespmem:s17], [sflag:$0x5] =	stream.linear.gather @!p1 [hbm4b:s16+s17], $0x200, $0x38;
	[tilespmem:$0x1BD80] =	vst v63  }
0xd2: {  	s15 =	sadd.s32 @!p1 $0x80, s15;
	s16 =	simm.s32 @!p1 $0x400  }
0xd3: {  	[tilespmem:s16], [sflag:$0x5] =	stream.linear.gather @!p1 [hbm4b:s15+s17], $0x200, $0x38;
	[tilespmem:$0x1BD80] =	vst v63  }
0xd4: {  	_ = 	snop  }
0xd5: {  	[tilespmem:s25], [sflag:$0x1] =	stream.indirect.gather [spmem:s3], $0x40, s21, s23, $0xb8;
	[tilespmem:$0x1BD80] =	vst v63  }
0xd6: {  	s17 =	rddreg [dreg:$0xa]  }
0xd7: {  	[tilespmem:s26], [sflag:$0x2] =	stream.indirect.gather [spmem:s3], $0x40, s17, s23, $0xb8;
	[tilespmem:$0x1BD80] =	vst v63  }
0xd8: {  	s16 =	rddreg [dreg:$0xb]  }
0xd9: {  	[tilespmem:s28], [sflag:$0x3] =	stream.indirect.gather [spmem:s3], $0x40, s16, s23, $0xb8;
	[tilespmem:$0x1BD80] =	vst v63  }
0xda: {  	s17 =	rddreg [dreg:$0xc]  }
0xdb: {  	[tilespmem:s29], [sflag:$0x4] =	stream.indirect.gather [spmem:s3], $0x40, s17, s23, $0xb8;
	[tilespmem:$0x1BD80] =	vst v63  }
0xdc: {  	_ =	swait.ge [sflag:s30], $0x1F40  }
0xdd: {  	[sflag:s30] =	ssyncset.done $0x0  }
0xde: {  	[sflag:s30] =	ssyncadd.s32 $0xFFFFE0C0  }
0xdf: {  	[spmem:s1] =	stream.indirect.scatter.add.f32 [tilespmem:s25], [sflag:$0x8], $0x40, s22, s23, $0xb8;
	[tilespmem:$0x1BD80] =	vst v63  }
0xe0: {  	_ =	swait.ge [sflag:s31], $0x1F40  }
0xe1: {  	[sflag:s31] =	ssyncset.done $0x0  }
0xe2: {  	[sflag:s31] =	ssyncadd.s32 $0xFFFFE0C0  }
0xe3: {  	_ =	swait.ge [sflag:s2], $0x1F40  }
0xe4: {  	[sflag:s2] =	ssyncset.done $0x0  }
0xe5: {  	s16 =	rddreg [dreg:$0xd];
	[sflag:s2] =	ssyncadd.s32 $0xFFFFE0C0  }
0xe6: {  	[spmem:s1] =	stream.indirect.scatter.add.f32 [tilespmem:s26], [sflag:$0x8], $0x40, s16, s23, $0xb8;
	[tilespmem:$0x1BD80] =	vst v63  }
0xe7: {  	_ =	swait.ge [sflag:s31], $0x1F40  }
0xe8: {  	[sflag:s31] =	ssyncset.done $0x0  }
0xe9: {  	[sflag:s31] =	ssyncadd.s32 $0xFFFFE0C0  }
0xea: {  	_ =	swait.ge [sflag:s0], $0x1F40  }
0xeb: {  	[sflag:s0] =	ssyncset.done $0x0  }
0xec: {  	s17 =	rddreg [dreg:$0xe];
	[sflag:s0] =	ssyncadd.s32 $0xFFFFE0C0  }
0xed: {  	[spmem:s1] =	stream.indirect.scatter.add.f32 [tilespmem:s28], [sflag:$0x8], $0x40, s17, s23, $0xb8;
	[tilespmem:$0x1BD80] =	vst v63  }
0xee: {  	_ =	swait.ge [sflag:s31], $0x1F40  }
0xef: {  	[sflag:s31] =	ssyncset.done $0x0  }
0xf0: {  	s14 =	sadd.s32 $0x80, s14;
	[sflag:s31] =	ssyncadd.s32 $0xFFFFE0C0  }
0xf1: {  	p0 =	sne.s32 s14, $0x500;
	_ =	swait.ge [sflag:s8], $0x1F40  }
.Ltmp0:
0xf2: {  	[sflag:s8] =	ssyncset.done $0x0;
	(pc) =	sbr.rel @p0 .LBB2_2-.Ltmp0, $4  }
0xf3: {  	[sflag:s8] =	ssyncadd.s32 $0xFFFFE0C0  }
0xf4: {  	[spmem:s1] =	stream.indirect.scatter.add.f32 [tilespmem:s29], [sflag:$0x8], $0x40, s11, s23, $0xb8;
	[tilespmem:$0x1BD80] =	vst v63  }
0xf5: {  	_ =	swait.ge [sflag:s31], $0x1F40  }
0xf6: {  	[sflag:s31] =	ssyncset.done $0x0  }
0xf7: {  	[sflag:s31] =	ssyncadd.s32 $0xFFFFE0C0  }
0xf8: {  	[bflag:$0x0] =	sbarrier.arrive $0xFFFF  }
0xf9: {  	s14 =	rddreg [dreg:$0xf]  }
0xfa: {  	s14 =	sor.u32 $0x1C08, s14  }
0xfb: {  	[hbm:s24], [sflag:s14] =	dma.local [spmem:s12], $0x1388  }
0xfc: {  	_ =	swait.ge [sflag:s31], $0x1388  }
0xfd: {  	s13 =	sadd.s32 $0x1, s13;
	s17 =	rddreg [dreg:$0x11]  }
0xfe: {  	p0 =	sne.s32 s13, s17  }
.Ltmp1:
0xff: {  	_ = 	snop;
	(pc) =	sbr.rel @p0 .LBB2_1-.Ltmp1, $3  }
0x100: {  	_ =	sdelay $0x1  }
0x101: {  	[sflag:s31] =	ssyncset.done $0x0  }
0x102: {  	[sflag:s31] =	ssyncadd.s32 $0xFFFFEC78  }
0x103: {  	_ =	sfence.sel $0x180000  }
0x104: {  	[bflag:$0x0] =	sbarrier.arrive $0xFFFF  }
0x105: {  	_ =	strace $0x9000004A  }
0x106: {  	s0 =	stileid.u32;
	[bflag:$0x2] =	sbarrier.arrive $0xFFFF  }
0x107: {  	p0 =	sne.s32 s0, $0x0;
	s0 =	rddreg [dreg:$0x3]  }
0x108: {  	s0 =	sadd.s32 @!p0 $0x100000, s0  }
0x109: {  	[sflag:s0] =	ssyncadd.tile.s32 @!p0 $0x1;
	_ =	shalt  }
.Lfunc_end2:
_tile_overlayer_lowered:
.L_overlay_start_2:
0x10a: {  	(tag) =	ssettag $0x2  }
0x10b: {  	s0 =	rddreg [dreg:$0x0];
	s2 =	stileid.u32  }
0x10c: {  	s1 =	rddreg [dreg:$0x1];
	p0 =	sne.s32 s2, $0x0  }
0x10d: {  	s3 =	rddreg [dreg:$0x2];
	[bflag:$0x3] =	sbarrier.arrive $0xFFFF;
	s2 =	simm.s32 @!p0 $0x1C08  }
0x10e: {  	[timem:s3], [sflag:s2] =	dma.local @!p0 [hbm:s0], s1  }
0x10f: {  	s0 =	simm.s32 @!p0 $0x8  }
0x110: {  	_ =	swait.ge @!p0 [sflag:s0], s1  }
0x111: {  	s1 =	ssub.s32 @!p0 $0x0, s1;
	[sflag:s0] =	ssyncset.done @!p0 $0x0  }
0x112: {  	[sflag:s0] =	ssyncadd.s32 @!p0 s1  }
0x113: {  	[bflag:$0x3] =	sbarrier.arrive $0xFFFF  }
0x114: {  	_ =	shalt  }

// kernel: kernel.14.cloned.1.call-start
scs
__scs_entry_jumppad:
0x0: {  	(pc) =	sbr.rel $0x88, $3  }
0x1: {  	(tag) =	ssettag $0x0;
	lr =	simm.s32 $0x1  }
0x2: {  	[smem:$0x3F98] =	sst lr;
	_ =	strace $0xD0000000  }
0x3: {  	_ = 	snop  }
0x4: {  	_ = 	snop  }
0x5: {  	_ = 	snop  }
0x6: {  	_ = 	snop  }
0x7: {  	_ = 	snop  }
__scs_overlays_trampoline_lowered:
0x8: {  	[smem:$0x3FA7] =	sst s0  }
0x9: {  	[smem:$0x3FA8] =	sst s1  }
0xa: {  	[smem:$0x3FA9] =	sst s2  }
0xb: {  	[smem:$0x3FAA] =	sst s3  }
0xc: {  	[smem:$0x3FAB] =	sst s4  }
0xd: {  	[smem:$0x3FAC] =	sst s5  }
0xe: {  	[smem:$0x3FAD] =	sst s6  }
0xf: {  	[smem:$0x3FAE] =	sst s7  }
0x10: {  	[smem:$0x3FAF] =	sst s8  }
0x11: {  	[smem:$0x3FB0] =	sst s9;
	s0 =	simm.s32 @!p0 $0x0  }
0x12: {  	s1 =	sld [smem:$0x3F96];
	s0 =	simm.s32 @p0 $0x1  }
0x13: {  	[smem:$0x3FB1] =	sst s0;
	s0 =	simm.s32 @!p1 $0x0  }
0x14: {  	s2 =	sld [smem:$0x3F95];
	s0 =	simm.s32 @p1 $0x1  }
0x15: {  	[smem:$0x3FB2] =	sst s0;
	s0 =	simm.s32 @!p2 $0x0  }
0x16: {  	s3 =	sld [smem:$0x3FDB];
	s0 =	simm.s32 @p2 $0x1  }
0x17: {  	s4 =	simm.s32 $0x1BF5;
	[smem:$0x3FB4] =	sst s0  }
0x18: {  	s0 =	sld [smem:$0x3F97];
	_ =	swait.ge [sflag:s4], $0x0  }
0x19: {  	s7 =	sld [smem:$0x3F98]  }
0x1a: {  	s8 =	sadd.s32 $0xFFFFE003, lr  }
0x1b: {  	s9 =	sadd.s32 $0xFFFFFEF7, lr;
	s5 =	simm.s32 $0xFFFFFFFF;
	p2 =	slt.u32 s8, $0xFFFFF086  }
0x1c: {  	p1 =	slt.u32 s9, $0xF7A;
	s5 =	simm.s32 @!p2 $0x0  }
0x1d: {  	s5 =	simm.s32 @p1 $0x1;
	p0 =	seq.s32 s7, s2  }
0x1e: {  	s7 =	smul.u32 @!p0 $0xF7A, s2;
	p2 =	seq.s32 @!p0 s5, $0x0  }
0x1f: {  	s9 =	smul.u32 $0xF7A, s1;
	s8 =	simm.s32 @!p0 $0x1BF5;
	p2 =	por !p2, p0  }
0x20: {  	[sflag:s8] =	ssyncset.s32 @!p0 $0xFFFFF086;
	s6 =	sadd.s32 @!p0 s3, s7;
	s7 =	simm.s32 @!p0 $0x108  }
0x21: {  	s3 =	sadd.s32 s3, s9;
	s6 =	sadd.s32 @!p0 $0x88, s6;
	s7 =	simm.s32 @p2 $0x1082  }
0x22: {  	[simem:s7], [sflag:s8] =	dma.local @!p0 [hbm:s6], $0xF7A  }
0x23: {  	s9 =	sor.u32 $0xD0000000, s2;
	s6 =	simm.s32 $0x108;
	_ =	swait.ge @!p0 [sflag:s8], $0x0  }
0x24: {  	s3 =	sadd.s32 $0x88, s3;
	s6 =	simm.s32 @!p1 $0x1082;
	[sflag:s4] =	ssyncset.s32 $0xFFFFF086  }
0x25: {  	[simem:s6], [sflag:s4] =	dma.local [hbm:s3], $0xF7A  }
0x26: {  	[smem:$0x3F98] =	sst s1;
	(tag) =	ssettag s2;
	_ =	strace s9  }
0x27: {  	s1 =	sld [smem:$0x3FA8]  }
0x28: {  	s2 =	sld [smem:$0x3FA9]  }
0x29: {  	s4 =	sld [smem:$0x3FAB]  }
0x2a: {  	p0 =	seq.s32 s5, $0x0;
	s5 =	sld [smem:$0x3FAC]  }
0x2b: {  	s6 =	sld [smem:$0x3FAD]  }
0x2c: {  	s7 =	sld [smem:$0x3FAE]  }
0x2d: {  	s3 =	simm.s32 $0x108;
	s8 =	sld [smem:$0x3FAF]  }
0x2e: {  	s3 =	simm.s32 @!p0 $0x1082;
	s9 =	sld [smem:$0x3FB0]  }
0x2f: {  	lr =	sadd.s32 s0, s3;
	s0 =	sld [smem:$0x3FA7]  }
0x30: {  	s3 =	sld [smem:$0x3FAA]  }
0x31: {  	[smem:$0x3FB3] =	sst s10  }
0x32: {  	s10 =	sld [smem:$0x3FB1];
	_ =	sdelay $0x3  }
0x33: {  	p0 =	seq.s32 s10, $0x1;
	s10 =	sld [smem:$0x3FB3];
	_ =	sdelay $0x3  }
0x34: {  	[smem:$0x3FB3] =	sst s10  }
0x35: {  	s10 =	sld [smem:$0x3FB2];
	_ =	sdelay $0x3  }
0x36: {  	p1 =	seq.s32 s10, $0x1;
	s10 =	sld [smem:$0x3FB3];
	_ =	sdelay $0x3  }
0x37: {  	[smem:$0x3FB3] =	sst s10  }
0x38: {  	s10 =	sld [smem:$0x3FB4]  }
0x39: {  	_ = 	snop;
	(pc) =	sbr.ind lr, $3  }
0x3a: {  	_ = 	snop  }
0x3b: {  	_ = 	snop  }
0x3c: {  	p2 =	seq.s32 s10, $0x1;
	s10 =	sld [smem:$0x3FB3]  }
0x3d: {  	_ =	shalt  }
0x3e: {  	_ =	shalt  }
0x3f: {  	_ =	shalt  }
0x40: {  	_ =	shalt  }
0x41: {  	_ =	shalt  }
0x42: {  	_ =	shalt  }
0x43: {  	_ =	shalt  }
0x44: {  	_ =	shalt  }
0x45: {  	_ =	shalt  }
0x46: {  	_ =	shalt  }
0x47: {  	_ =	shalt  }
0x48: {  	_ =	shalt  }
0x49: {  	_ =	shalt  }
0x4a: {  	_ =	shalt  }
0x4b: {  	_ =	shalt  }
0x4c: {  	_ =	shalt  }
0x4d: {  	_ =	shalt  }
0x4e: {  	_ =	shalt  }
0x4f: {  	_ =	shalt  }
0x50: {  	_ =	shalt  }
0x51: {  	_ =	shalt  }
0x52: {  	_ =	shalt  }
0x53: {  	_ =	shalt  }
0x54: {  	_ =	shalt  }
0x55: {  	_ =	shalt  }
0x56: {  	_ =	shalt  }
0x57: {  	_ =	shalt  }
0x58: {  	_ =	shalt  }
0x59: {  	_ =	shalt  }
0x5a: {  	_ =	shalt  }
0x5b: {  	_ =	shalt  }
0x5c: {  	_ =	shalt  }
0x5d: {  	_ =	shalt  }
0x5e: {  	_ =	shalt  }
0x5f: {  	_ =	shalt  }
0x60: {  	_ =	shalt  }
0x61: {  	_ =	shalt  }
0x62: {  	_ =	shalt  }
0x63: {  	_ =	shalt  }
0x64: {  	_ =	shalt  }
0x65: {  	_ =	shalt  }
0x66: {  	_ =	shalt  }
0x67: {  	_ =	shalt  }
0x68: {  	_ =	shalt  }
0x69: {  	_ =	shalt  }
0x6a: {  	_ =	shalt  }
0x6b: {  	_ =	shalt  }
0x6c: {  	_ =	shalt  }
0x6d: {  	_ =	shalt  }
0x6e: {  	_ =	shalt  }
0x6f: {  	_ =	shalt  }
0x70: {  	_ =	shalt  }
0x71: {  	_ =	shalt  }
0x72: {  	_ =	shalt  }
0x73: {  	_ =	shalt  }
0x74: {  	_ =	shalt  }
0x75: {  	_ =	shalt  }
0x76: {  	_ =	shalt  }
0x77: {  	_ =	shalt  }
0x78: {  	_ =	shalt  }
0x79: {  	_ =	shalt  }
0x7a: {  	_ =	shalt  }
0x7b: {  	_ =	shalt  }
0x7c: {  	_ =	shalt  }
0x7d: {  	_ =	shalt  }
0x7e: {  	_ =	shalt  }
0x7f: {  	_ =	shalt  }
0x80: {  	_ =	shalt  }
0x81: {  	_ =	shalt  }
0x82: {  	_ =	shalt  }
0x83: {  	_ =	shalt  }
0x84: {  	_ =	shalt  }
0x85: {  	_ =	shalt  }
0x86: {  	_ =	shalt  }
0x87: {  	_ =	shalt  }
.Lfunc_end0:
.L_simem_size_0:
called_computation.2_lowered:
.L_overlay_start_0:
0x88: {  	s2 =	sld [smem:$0x3FD9]  }
0x89: {  	s3 =	sld [smem:$0x3FFE];
	_ =	sdelay $0x1  }
0x8a: {  	s1 =	srdreg.scid  }
0x8b: {  	s0 =	sand.u32 $0x1, s1  }
0x8c: {  	s16 =	sshll.u32 s0, $0xA;
	s2 =	sadd.s32 s3, s2  }
0x8d: {  	s2 =	sadd.s32 s2, s16  }
0x8e: {  	[smem:$0x3FBF] =	sst s2  }
0x8f: {  	_ = 	snop  }
0x90: {  	(tm) =	ssettm $0x1  }
0x91: {  	s17 =	sld [smem:$0x3FFB];
	_ =	sdelay $0x3  }
0x92: {  	_ =	strace s17  }
0x93: {  	s2 =	sld [smem:$0x3FFC];
	_ =	sdelay $0x3  }
0x94: {  	_ =	strace s2  }
0x95: {  	s2 =	sld [smem:$0x3FFD];
	_ =	sdelay $0x3  }
0x96: {  	_ =	strace s2  }
0x97: {  	_ =	strace $0x8FFFFFFF  }
0x98: {  	s18 =	sld [smem:$0x3FDB];
	_ =	sdelay $0x1  }
0x99: {  	s19 =	simm.s32 $_scs_section_size  }
0x9a: {  	s4 =	simm.s32 $_size__tile_overlayer_lowered;
	s5 =	simm.s32 $_tile_overlayer_lowered  }
0x9b: {  	s22 =	simm.s32 $0x1BFF;
	s21 =	sshll.u32 s5, $0x1;
	s2 =	sadd.s32 s19, s18  }
0x9c: {  	s6 =	simm.s32 $0x0;
	s20 =	sshll.u32 s4, $0x1;
	s4 =	sadd.s32 s21, s2  }
0x9d: {  	[timem:s6], [sflag:s22] =	dma.local [hbm:s4], s20  }
0x9e: {  	_ =	swait.ge [sflag:s22], s20  }
0x9f: {  	s3 =	ssub.s32 $0x0, s20;
	[sflag:s22] =	ssyncset.done $0x0  }
0xa0: {  	[sflag:s22] =	ssyncadd.s32 s3;
	_ =	sdelay $0x1  }
0xa1: {  	s23 =	simm.s32 $0x1B8B  }
0xa2: {  	_ =	swait.ge [sflag:s23], $0x1  }
0xa3: {  	[sflag:s23] =	ssyncset.done $0x0  }
0xa4: {  	s25 =	simm.s32 $0x1B8E;
	s24 =	sld [smem:$0x3FFE];
	[sflag:s23] =	ssyncadd.s32 $0xFFFFFFFF  }
0xa5: {  	s26 =	simm.s32 $execute0_lowered;
	[smem:$0x3FD2] =	sst s25  }
0xa6: {  	s4 =	sshll.u32 s26, $0x1;
	_ =	strace $0x8000004C;
	[dreg:$0x1] =	wrdreg $0xFFFFFFFF  }
0xa7: {  	s28 =	simm.s32 $_size_execute0_lowered;
	s2 =	sadd.s32 s2, s4;
	[dreg:$0x0] =	wrdreg $0x0  }
0xa8: {  	s4 =	sshll.u32 s28, $0x1;
	[dreg:$0x2] =	wrdreg s2  }
0xa9: {  	[dreg:$0x3] =	wrdreg s4  }
0xaa: {  	[dreg:$0x4] =	wrdreg $0xC0  }
0xab: {  	_ =	task [dreg:s6], $0x5FFFF  }
0xac: {  	[dreg:$0x1] =	wrdreg $0xFFFFFFFF  }
0xad: {  	[dreg:$0x0] =	wrdreg $0x60  }
0xae: {  	[dreg:$0x2] =	wrdreg s24  }
0xaf: {  	[dreg:$0x3] =	wrdreg $0x46800  }
0xb0: {  	[dreg:$0x4] =	wrdreg $0x94A00  }
0xb1: {  	[dreg:$0x5] =	wrdreg $0x9  }
0xb2: {  	_ =	task.clear_ibuf [dreg:s6], $0x6FFFF;
	_ =	strace $0x9000004C  }
0xb3: {  	s29 =	simm.s32 $0x9;
	_ =	strace $0x8000004E  }
0xb4: {  	_ =	swait.ge [sflag:s29], $0x1  }
0xb5: {  	[sflag:s29] =	ssyncadd.s32 $0xFFFFFFFF  }
0xb6: {  	_ =	strace $0x9000004E  }
0xb7: {  	_ =	sfence  }
0xb8: {  	s30 =	sld [smem:$0x0];
	_ =	sdelay $0x2  }
0xb9: {  	s31 =	sshll.u32 s1, $0xD;
	s1 =	sshrl.u32 s1, $0x2  }
0xba: {  	s3 =	sand.u32 $0x4000, s31;
	s1 =	sadd.s32 s1, s30  }
0xbb: {  	s0 =	sor.u32 s3, s0;
	s1 =	sshll.u32 s1, $0x11  }
0xbc: {  	s0 =	sor.u32 s1, s0  }
0xbd: {  	s0 =	sadd.s32 $0x8F2B, s0  }
0xbe: {  	[sflag:s0] =	ssyncadd.remote.s32 $0x1  }
0xbf: {  	_ =	sfence.sel $0xFFFF  }
0xc0: {  	[dreg:$0x0] =	wrdreg $0xFFFFFFFF;
	(pc) =	sbr.abs _section_cstart, $3  }
0xc1: {  	[dreg:$0x1] =	wrdreg $0xFFFFFFFF  }
0xc2: {  	_ =	task.clear_ibuf [dreg:s6], $0x2FFFF;
	_ =	strace $0x9FFFFFFF  }
0xc3: {  	(tm) =	ssettm $0x7FFFFFFF  }
tec
execute0_lowered:
.L_overlay_start_1:
0x0: {  	(tag) =	ssettag $0x1  }
0x1: {  	s0 =	rddreg [dreg:$0x0]  }
0x2: {  	s1 =	rddreg [dreg:$0x1]  }
0x3: {  	s3 =	rddreg [dreg:$0x2]  }
0x4: {  	s12 =	stileid.u32;
	s2 =	srdreg.scid;
	s4 =	simm.s32 $0x0  }
0x5: {  	s25 =	simm.s32 $0x80;
	s26 =	simm.s32 $0x100;
	s17 =	simm.s32 $0x180  }
0x6: {  	s19 =	simm.s32 $0x480;
	[smem:$0x7FF] =	sst s4;
	s23 =	sshll.u32 s12, $0x6  }
0x7: {  	s20 =	simm.s32 $0x500;
	_ =	strace $0x8000004D;
	[dreg:$0xf] =	wrdreg s23  }
0x8: {  	s21 =	simm.s32 $0x580;
	s28 =	simm.s32 $0x2740;
	[dreg:$0x4] =	wrdreg s25  }
0x9: {  	s29 =	simm.s32 $0x36E0;
	s30 =	simm.s32 $0x1;
	[dreg:$0x5] =	wrdreg s26  }
0xa: {  	s31 =	simm.s32 $0x8;
	s6 =	smul.u32 $0x4E20, s12;
	[dreg:$0x6] =	wrdreg s17  }
0xb: {  	s2 =	sand.u32 $0x1, s2;
	s5 =	sshll.u32 s12, $0x1;
	[dreg:$0x7] =	wrdreg s19  }
0xc: {  	s11 =	smul.u32 $0x13880, s12;
	s5 =	sor.u32 s2, s5;
	[dreg:$0x8] =	wrdreg s20  }
0xd: {  	s7 =	smul.u32 $0x9C40, s2;
	s2 =	ssub.s32 $0x2, s2;
	[dreg:$0x9] =	wrdreg s21  }
0xe: {  	s19 =	simm.s32 $0x7;
	s20 =	simm.s32 $0x5;
	s21 =	simm.s32 $0x200  }
0xf: {  	s25 =	simm.s32 $0x680;
	s26 =	simm.s32 $0x700;
	s8 =	sshrl.u32 s6, $0x3  }
0x10: {  	s5 =	smul.u32 $0x500, s5;
	s22 =	sshrl.u32 s2, $0x1;
	s11 =	sshrl.u32 s11, $0x2  }
0x11: {  	s24 =	sadd.s32 s6, s1;
	s6 =	sadd.s32 s6, s3;
	[dreg:$0xd] =	wrdreg s25  }
0x12: {  	[dreg:$0xe] =	wrdreg s26;
	s25 =	simm.s32 $0x800;
	s26 =	simm.s32 $0x17A0  }
0x13: {  	s9 =	sadd.s32 s8, s0;
	s2 =	ssub.s32 s2, s22;
	s11 =	sadd.s32 s11, s1  }
0x14: {  	s12 =	sshrl.u32 s24, $0x3;
	s6 =	sshrl.u32 s6, $0x3;
	s22 =	simm.s32 $0x280  }
0x15: {  	s24 =	simm.s32 $0x380;
	s10 =	sadd.s32 s5, s0;
	s5 =	sadd.s32 $0xBC00, s0  }
0x16: {  	s0 =	sadd.s32 s7, s0;
	s7 =	sor.u32 $0x1C07, s23;
	[dreg:$0x16] =	wrdreg s6  }
0x17: {  	s13 =	sadd.s32 $0xFA0, s11;
	s14 =	sadd.s32 $0x1F40, s11;
	[dreg:$0xa] =	wrdreg s22  }
0x18: {  	s15 =	sadd.s32 $0x2EE0, s11;
	s9 =	sadd.s32 $0x1E00, s9;
	[dreg:$0xc] =	wrdreg s24  }
0x19: {  	s11 =	sadd.s32 $0x3E80, s11;
	s2 =	smax.u32 s2, $0x1;
	[dreg:$0x10] =	wrdreg s9  }
0x1a: {  	s23 =	simm.s32 $0x300;
	s22 =	simm.s32 $0x600;
	[dreg:$0x11] =	wrdreg s2  }
0x1b: {  	s6 =	simm.s32 $0x6;
	s13 =	sshrl.u32 s13, $0x3;
	[dreg:$0xb] =	wrdreg s23  }
0x1c: {  	s9 =	sadd.s32 $0x1FA00, s10;
	s16 =	sshrl.u32 s14, $0x3;
	[dreg:$0x12] =	wrdreg s13  }
0x1d: {  	s10 =	sadd.s32 $0x15A00, s10;
	s18 =	sshrl.u32 s15, $0x3;
	[dreg:$0x13] =	wrdreg s16  }
0x1e: {  	s0 =	sadd.s32 $0x29A00, s0;
	s11 =	sshrl.u32 s11, $0x3;
	[dreg:$0x14] =	wrdreg s18  }
0x1f: {  	s23 =	simm.s32 $0x7D;
	s2 =	simm.s32 $0x2;
	[dreg:$0x15] =	wrdreg s11  }
0x20: {  	s18 =	simm.s32 $0x400;
	s24 =	sadd.s32 s8, s0;
	s0 =	simm.s32 $0x3  }
0x21: {  	s8 =	simm.s32 $0x4;
	s11 =	simm.s32 $0x780;
	s13 =	simm.s32 $0x0  }
.LBB2_1:
0x22: {  	[spmem:s12], [sflag:s7] =	dma.local [hbm:s5], $0x1F4  }
0x23: {  	s14 =	rddreg [dreg:$0x12]  }
0x24: {  	[spmem:s14], [sflag:s7] =	dma.local [hbm:s5], $0x1F4  }
0x25: {  	s14 =	rddreg [dreg:$0x13]  }
0x26: {  	[spmem:s14], [sflag:s7] =	dma.local [hbm:s5], $0x1F4  }
0x27: {  	s14 =	rddreg [dreg:$0x14]  }
0x28: {  	[spmem:s14], [sflag:s7] =	dma.local [hbm:s5], $0x1F4  }
0x29: {  	s14 =	rddreg [dreg:$0x15]  }
0x2a: {  	[spmem:s14], [sflag:s7] =	dma.local [hbm:s5], $0x1F4  }
0x2b: {  	s14 =	rddreg [dreg:$0x10]  }
0x2c: {  	s15 =	rddreg [dreg:$0x16]  }
0x2d: {  	[spmem:s15], [sflag:s7] =	dma.local [hbm:s14], $0x9C4  }
0x2e: {  	[tilespmem:s4], [sflag:$0x5] =	stream.linear.gather [hbm4b:s9+s4], $0x200, $0x38;
	[tilespmem:$0xE2C0] =	vst v63  }
0x2f: {  	_ = 	snop  }
0x30: {  	[tilespmem:s18], [sflag:$0x5] =	stream.linear.gather [hbm4b:s10+s4], $0x200, $0x38;
	[tilespmem:$0xE2C0] =	vst v63  }
0x31: {  	_ =	swait.ge [sflag:s19], $0x1F4  }
0x32: {  	[sflag:s19] =	ssyncset.done $0x0  }
0x33: {  	[sflag:s19] =	ssyncadd.s32 $0xFFFFFE0C  }
0x34: {  	_ =	swait.ge [sflag:s19], $0x1F4  }
0x35: {  	[sflag:s19] =	ssyncset.done $0x0  }
0x36: {  	[sflag:s19] =	ssyncadd.s32 $0xFFFFFE0C  }
0x37: {  	_ =	swait.ge [sflag:s19], $0x1F4  }
0x38: {  	[sflag:s19] =	ssyncset.done $0x0  }
0x39: {  	[sflag:s19] =	ssyncadd.s32 $0xFFFFFE0C  }
0x3a: {  	_ =	swait.ge [sflag:s19], $0x1F4  }
0x3b: {  	[sflag:s19] =	ssyncset.done $0x0  }
0x3c: {  	[sflag:s19] =	ssyncadd.s32 $0xFFFFFE0C  }
0x3d: {  	_ =	swait.ge [sflag:s19], $0x1F4  }
0x3e: {  	[sflag:s19] =	ssyncset.done $0x0  }
0x3f: {  	[sflag:s19] =	ssyncadd.s32 $0xFFFFFE0C  }
0x40: {  	_ =	swait.ge [sflag:s19], $0x9C4  }
0x41: {  	[sflag:s19] =	ssyncset.done $0x0  }
0x42: {  	[sflag:s19] =	ssyncadd.s32 $0xFFFFF63C  }
0x43: {  	[bflag:$0x0] =	sbarrier.arrive $0xFFFF  }
0x44: {  	_ =	swait.ge [sflag:s20], $0x200  }
0x45: {  	[sflag:s20] =	ssyncset.done $0x0  }
0x46: {  	[sflag:s20] =	ssyncadd.s32 $0xFFFFFE00  }
0x47: {  	_ =	swait.ge [sflag:s20], $0x200  }
0x48: {  	s15 =	sadd.s32 $0x0, s9;
	[sflag:s20] =	ssyncset.done $0x0  }
0x49: {  	s16 =	sadd.s32 $0x0, s10;
	s14 =	sadd.s32 $0x40, s15;
	[sflag:s20] =	ssyncadd.s32 $0xFFFFFE00  }
0x4a: {  	[tilespmem:s21], [sflag:$0x6] =	stream.linear.gather [hbm4b:s14+s4], $0x200, $0x38;
	[tilespmem:$0xE2C0] =	vst v63  }
0x4b: {  	s17 =	sadd.s32 $0x40, s16  }
0x4c: {  	[tilespmem:s22], [sflag:$0x6] =	stream.linear.gather [hbm4b:s17+s4], $0x200, $0x38;
	[tilespmem:$0xE2C0] =	vst v63  }
0x4d: {  	_ = 	snop  }
0x4e: {  	[tilespmem:s25], [sflag:$0x1] =	stream.indirect.gather [spmem:s3], $0x20, s4, s23, $0xb8;
	[tilespmem:$0xE2C0] =	vst v63  }
0x4f: {  	s15 =	rddreg [dreg:$0x4]  }
0x50: {  	[tilespmem:s26], [sflag:$0x2] =	stream.indirect.gather [spmem:s3], $0x20, s15, s23, $0xb8;
	[tilespmem:$0xE2C0] =	vst v63  }
0x51: {  	s16 =	rddreg [dreg:$0x5]  }
0x52: {  	[tilespmem:s28], [sflag:$0x3] =	stream.indirect.gather [spmem:s3], $0x20, s16, s23, $0xb8;
	[tilespmem:$0xE2C0] =	vst v63  }
0x53: {  	s17 =	rddreg [dreg:$0x6]  }
0x54: {  	[tilespmem:s29], [sflag:$0x4] =	stream.indirect.gather [spmem:s3], $0x20, s17, s23, $0xb8;
	[tilespmem:$0xE2C0] =	vst v63  }
0x55: {  	_ =	swait.ge [sflag:s30], $0xFA0  }
0x56: {  	[sflag:s30] =	ssyncset.done $0x0  }
0x57: {  	[sflag:s30] =	ssyncadd.s32 $0xFFFFF060  }
0x58: {  	[spmem:s1] =	stream.indirect.scatter.add.f32 [tilespmem:s25], [sflag:$0x8], $0x20, s18, s23, $0xb8;
	[tilespmem:$0xE2C0] =	vst v63  }
0x59: {  	_ =	swait.ge [sflag:s31], $0xFA0  }
0x5a: {  	[sflag:s31] =	ssyncset.done $0x0  }
0x5b: {  	[sflag:s31] =	ssyncadd.s32 $0xFFFFF060  }
0x5c: {  	_ =	swait.ge [sflag:s2], $0xFA0  }
0x5d: {  	[sflag:s2] =	ssyncset.done $0x0  }
0x5e: {  	s15 =	rddreg [dreg:$0x7];
	[sflag:s2] =	ssyncadd.s32 $0xFFFFF060  }
0x5f: {  	[spmem:s1] =	stream.indirect.scatter.add.f32 [tilespmem:s26], [sflag:$0x8], $0x20, s15, s23, $0xb8;
	[tilespmem:$0xE2C0] =	vst v63  }
0x60: {  	_ =	swait.ge [sflag:s31], $0xFA0  }
0x61: {  	[sflag:s31] =	ssyncset.done $0x0  }
0x62: {  	[sflag:s31] =	ssyncadd.s32 $0xFFFFF060  }
0x63: {  	_ =	swait.ge [sflag:s0], $0xFA0  }
0x64: {  	[sflag:s0] =	ssyncset.done $0x0  }
0x65: {  	s16 =	rddreg [dreg:$0x8];
	[sflag:s0] =	ssyncadd.s32 $0xFFFFF060  }
0x66: {  	[spmem:s1] =	stream.indirect.scatter.add.f32 [tilespmem:s28], [sflag:$0x8], $0x20, s16, s23, $0xb8;
	[tilespmem:$0xE2C0] =	vst v63  }
0x67: {  	_ =	swait.ge [sflag:s31], $0xFA0  }
0x68: {  	[sflag:s31] =	ssyncset.done $0x0  }
0x69: {  	[sflag:s31] =	ssyncadd.s32 $0xFFFFF060  }
0x6a: {  	_ =	swait.ge [sflag:s8], $0xFA0  }
0x6b: {  	[sflag:s8] =	ssyncset.done $0x0  }
0x6c: {  	s17 =	rddreg [dreg:$0x9];
	[sflag:s8] =	ssyncadd.s32 $0xFFFFF060  }
0x6d: {  	[spmem:s1] =	stream.indirect.scatter.add.f32 [tilespmem:s29], [sflag:$0x8], $0x20, s17, s23, $0xb8;
	[tilespmem:$0xE2C0] =	vst v63  }
0x6e: {  	_ =	swait.ge [sflag:s31], $0xFA0  }
0x6f: {  	[sflag:s31] =	ssyncset.done $0x0  }
0x70: {  	[sflag:s31] =	ssyncadd.s32 $0xFFFFF060  }
0x71: {  	_ =	swait.ge [sflag:s6], $0x200  }
0x72: {  	[sflag:s6] =	ssyncset.done $0x0  }
0x73: {  	p0 =	por $0x0, $0x0;
	[sflag:s6] =	ssyncadd.s32 $0xFFFFFE00  }
0x74: {  	s14 =	sadd.s32 @!p0 $0x0, s9;
	_ =	swait.ge [sflag:s6], $0x200  }
0x75: {  	s14 =	sadd.s32 @!p0 $0x80, s14;
	[sflag:s6] =	ssyncset.done $0x0  }
0x76: {  	s15 =	sadd.s32 @!p0 $0x0, s10;
	s16 =	simm.s32 @!p0 $0x0;
	[sflag:s6] =	ssyncadd.s32 $0xFFFFFE00  }
0x77: {  	[tilespmem:s16], [sflag:$0x5] =	stream.linear.gather @!p0 [hbm4b:s14+s16], $0x200, $0x38;
	[tilespmem:$0xE2C0] =	vst v63  }
0x78: {  	s14 =	sadd.s32 @!p0 $0x80, s15;
	s15 =	simm.s32 @!p0 $0x400  }
0x79: {  	[tilespmem:s15], [sflag:$0x5] =	stream.linear.gather @!p0 [hbm4b:s14+s16], $0x200, $0x38;
	[tilespmem:$0xE2C0] =	vst v63  }
0x7a: {  	_ = 	snop  }
0x7b: {  	[tilespmem:s25], [sflag:$0x1] =	stream.indirect.gather [spmem:s3], $0x20, s21, s23, $0xb8;
	[tilespmem:$0xE2C0] =	vst v63  }
0x7c: {  	s15 =	rddreg [dreg:$0xa]  }
0x7d: {  	[tilespmem:s26], [sflag:$0x2] =	stream.indirect.gather [spmem:s3], $0x20, s15, s23, $0xb8;
	[tilespmem:$0xE2C0] =	vst v63  }
0x7e: {  	s16 =	rddreg [dreg:$0xb]  }
0x7f: {  	[tilespmem:s28], [sflag:$0x3] =	stream.indirect.gather [spmem:s3], $0x20, s16, s23, $0xb8;
	[tilespmem:$0xE2C0] =	vst v63  }
0x80: {  	s17 =	rddreg [dreg:$0xc]  }
0x81: {  	[tilespmem:s29], [sflag:$0x4] =	stream.indirect.gather [spmem:s3], $0x20, s17, s23, $0xb8;
	[tilespmem:$0xE2C0] =	vst v63  }
0x82: {  	_ =	swait.ge [sflag:s30], $0xFA0  }
0x83: {  	[sflag:s30] =	ssyncset.done $0x0  }
0x84: {  	[sflag:s30] =	ssyncadd.s32 $0xFFFFF060  }
0x85: {  	[spmem:s1] =	stream.indirect.scatter.add.f32 [tilespmem:s25], [sflag:$0x8], $0x20, s22, s23, $0xb8;
	[tilespmem:$0xE2C0] =	vst v63  }
0x86: {  	_ =	swait.ge [sflag:s31], $0xFA0  }
0x87: {  	[sflag:s31] =	ssyncset.done $0x0  }
0x88: {  	[sflag:s31] =	ssyncadd.s32 $0xFFFFF060  }
0x89: {  	_ =	swait.ge [sflag:s2], $0xFA0  }
0x8a: {  	[sflag:s2] =	ssyncset.done $0x0  }
0x8b: {  	s16 =	rddreg [dreg:$0xd];
	[sflag:s2] =	ssyncadd.s32 $0xFFFFF060  }
0x8c: {  	[spmem:s1] =	stream.indirect.scatter.add.f32 [tilespmem:s26], [sflag:$0x8], $0x20, s16, s23, $0xb8;
	[tilespmem:$0xE2C0] =	vst v63  }
0x8d: {  	_ =	swait.ge [sflag:s31], $0xFA0  }
0x8e: {  	[sflag:s31] =	ssyncset.done $0x0  }
0x8f: {  	[sflag:s31] =	ssyncadd.s32 $0xFFFFF060  }
0x90: {  	_ =	swait.ge [sflag:s0], $0xFA0  }
0x91: {  	[sflag:s0] =	ssyncset.done $0x0  }
0x92: {  	s17 =	rddreg [dreg:$0xe];
	[sflag:s0] =	ssyncadd.s32 $0xFFFFF060  }
0x93: {  	[spmem:s1] =	stream.indirect.scatter.add.f32 [tilespmem:s28], [sflag:$0x8], $0x20, s17, s23, $0xb8;
	[tilespmem:$0xE2C0] =	vst v63  }
0x94: {  	_ =	swait.ge [sflag:s31], $0xFA0  }
0x95: {  	[sflag:s31] =	ssyncset.done $0x0  }
0x96: {  	[sflag:s31] =	ssyncadd.s32 $0xFFFFF060  }
0x97: {  	_ =	swait.ge [sflag:s8], $0xFA0  }
0x98: {  	[sflag:s8] =	ssyncset.done $0x0  }
0x99: {  	[sflag:s8] =	ssyncadd.s32 $0xFFFFF060  }
0x9a: {  	[spmem:s1] =	stream.indirect.scatter.add.f32 [tilespmem:s29], [sflag:$0x8], $0x20, s11, s23, $0xb8;
	[tilespmem:$0xE2C0] =	vst v63  }
0x9b: {  	_ =	swait.ge [sflag:s31], $0xFA0  }
0x9c: {  	s14 =	simm.s32 $0x80;
	[sflag:s31] =	ssyncset.done $0x0  }
.LBB2_2:
0x9d: {  	[sflag:s31] =	ssyncadd.s32 $0xFFFFF060  }
0x9e: {  	_ =	swait.ge [sflag:s20], $0x200  }
0x9f: {  	[sflag:s20] =	ssyncset.done $0x0  }
0xa0: {  	[sflag:s20] =	ssyncadd.s32 $0xFFFFFE00  }
0xa1: {  	s15 =	smov.u32 s14;
	_ =	swait.ge [sflag:s20], $0x200  }
0xa2: {  	s16 =	sadd.s32 s15, s9;
	[sflag:s20] =	ssyncset.done $0x0  }
0xa3: {  	s17 =	sadd.s32 s15, s10;
	s16 =	sadd.s32 $0x40, s16;
	[sflag:s20] =	ssyncadd.s32 $0xFFFFFE00  }
0xa4: {  	[tilespmem:s21], [sflag:$0x6] =	stream.linear.gather [hbm4b:s16+s4], $0x200, $0x38;
	[tilespmem:$0xE2C0] =	vst v63  }
0xa5: {  	s17 =	sadd.s32 $0x40, s17  }
0xa6: {  	[tilespmem:s22], [sflag:$0x6] =	stream.linear.gather [hbm4b:s17+s4], $0x200, $0x38;
	[tilespmem:$0xE2C0] =	vst v63  }
0xa7: {  	_ = 	snop  }
0xa8: {  	[tilespmem:s25], [sflag:$0x1] =	stream.indirect.gather [spmem:s3], $0x20, s4, s23, $0xb8;
	[tilespmem:$0xE2C0] =	vst v63  }
0xa9: {  	s16 =	rddreg [dreg:$0x4]  }
0xaa: {  	[tilespmem:s26], [sflag:$0x2] =	stream.indirect.gather [spmem:s3], $0x20, s16, s23, $0xb8;
	[tilespmem:$0xE2C0] =	vst v63  }
0xab: {  	s17 =	rddreg [dreg:$0x5]  }
0xac: {  	[tilespmem:s28], [sflag:$0x3] =	stream.indirect.gather [spmem:s3], $0x20, s17, s23, $0xb8;
	[tilespmem:$0xE2C0] =	vst v63  }
0xad: {  	s16 =	rddreg [dreg:$0x6]  }
0xae: {  	[tilespmem:s29], [sflag:$0x4] =	stream.indirect.gather [spmem:s3], $0x20, s16, s23, $0xb8;
	[tilespmem:$0xE2C0] =	vst v63  }
0xaf: {  	_ =	swait.ge [sflag:s30], $0xFA0  }
0xb0: {  	[sflag:s30] =	ssyncset.done $0x0  }
0xb1: {  	[sflag:s30] =	ssyncadd.s32 $0xFFFFF060  }
0xb2: {  	[spmem:s1] =	stream.indirect.scatter.add.f32 [tilespmem:s25], [sflag:$0x8], $0x20, s18, s23, $0xb8;
	[tilespmem:$0xE2C0] =	vst v63  }
0xb3: {  	_ =	swait.ge [sflag:s31], $0xFA0  }
0xb4: {  	[sflag:s31] =	ssyncset.done $0x0  }
0xb5: {  	[sflag:s31] =	ssyncadd.s32 $0xFFFFF060  }
0xb6: {  	_ =	swait.ge [sflag:s2], $0xFA0  }
0xb7: {  	[sflag:s2] =	ssyncset.done $0x0  }
0xb8: {  	s17 =	rddreg [dreg:$0x7];
	[sflag:s2] =	ssyncadd.s32 $0xFFFFF060  }
0xb9: {  	[spmem:s1] =	stream.indirect.scatter.add.f32 [tilespmem:s26], [sflag:$0x8], $0x20, s17, s23, $0xb8;
	[tilespmem:$0xE2C0] =	vst v63  }
0xba: {  	_ =	swait.ge [sflag:s31], $0xFA0  }
0xbb: {  	[sflag:s31] =	ssyncset.done $0x0  }
0xbc: {  	[sflag:s31] =	ssyncadd.s32 $0xFFFFF060  }
0xbd: {  	_ =	swait.ge [sflag:s0], $0xFA0  }
0xbe: {  	[sflag:s0] =	ssyncset.done $0x0  }
0xbf: {  	s17 =	rddreg [dreg:$0x8];
	[sflag:s0] =	ssyncadd.s32 $0xFFFFF060  }
0xc0: {  	[spmem:s1] =	stream.indirect.scatter.add.f32 [tilespmem:s28], [sflag:$0x8], $0x20, s17, s23, $0xb8;
	[tilespmem:$0xE2C0] =	vst v63  }
0xc1: {  	_ =	swait.ge [sflag:s31], $0xFA0  }
0xc2: {  	[sflag:s31] =	ssyncset.done $0x0  }
0xc3: {  	[sflag:s31] =	ssyncadd.s32 $0xFFFFF060  }
0xc4: {  	_ =	swait.ge [sflag:s8], $0xFA0  }
0xc5: {  	[sflag:s8] =	ssyncset.done $0x0  }
0xc6: {  	s17 =	rddreg [dreg:$0x9];
	[sflag:s8] =	ssyncadd.s32 $0xFFFFF060  }
0xc7: {  	[spmem:s1] =	stream.indirect.scatter.add.f32 [tilespmem:s29], [sflag:$0x8], $0x20, s17, s23, $0xb8;
	[tilespmem:$0xE2C0] =	vst v63  }
0xc8: {  	_ =	swait.ge [sflag:s31], $0xFA0  }
0xc9: {  	[sflag:s31] =	ssyncset.done $0x0  }
0xca: {  	[sflag:s31] =	ssyncadd.s32 $0xFFFFF060  }
0xcb: {  	_ =	swait.ge [sflag:s6], $0x200  }
0xcc: {  	[sflag:s6] =	ssyncset.done $0x0  }
0xcd: {  	[sflag:s6] =	ssyncadd.s32 $0xFFFFFE00  }
0xce: {  	p1 =	seq.s32 s15, $0x480;
	_ =	swait.ge [sflag:s6], $0x200  }
0xcf: {  	s16 =	sadd.s32 @!p1 s15, s9;
	s15 =	sadd.s32 @!p1 s15, s10;
	[sflag:s6] =	ssyncset.done $0x0  }
0xd0: {  	s16 =	sadd.s32 @!p1 $0x80, s16;
	s17 =	simm.s32 @!p1 $0x0;
	[sflag:s6] =	ssyncadd.s32 $0xFFFFFE00  }
0xd1: {  	[tilespmem:s17], [sflag:$0x5] =	stream.linear.gather @!p1 [hbm4b:s16+s17], $0x200, $0x38;
	[tilespmem:$0xE2C0] =	vst v63  }
0xd2: {  	s15 =	sadd.s32 @!p1 $0x80, s15;
	s16 =	simm.s32 @!p1 $0x400  }
0xd3: {  	[tilespmem:s16], [sflag:$0x5] =	stream.linear.gather @!p1 [hbm4b:s15+s17], $0x200, $0x38;
	[tilespmem:$0xE2C0] =	vst v63  }
0xd4: {  	_ = 	snop  }
0xd5: {  	[tilespmem:s25], [sflag:$0x1] =	stream.indirect.gather [spmem:s3], $0x20, s21, s23, $0xb8;
	[tilespmem:$0xE2C0] =	vst v63  }
0xd6: {  	s17 =	rddreg [dreg:$0xa]  }
0xd7: {  	[tilespmem:s26], [sflag:$0x2] =	stream.indirect.gather [spmem:s3], $0x20, s17, s23, $0xb8;
	[tilespmem:$0xE2C0] =	vst v63  }
0xd8: {  	s16 =	rddreg [dreg:$0xb]  }
0xd9: {  	[tilespmem:s28], [sflag:$0x3] =	stream.indirect.gather [spmem:s3], $0x20, s16, s23, $0xb8;
	[tilespmem:$0xE2C0] =	vst v63  }
0xda: {  	s17 =	rddreg [dreg:$0xc]  }
0xdb: {  	[tilespmem:s29], [sflag:$0x4] =	stream.indirect.gather [spmem:s3], $0x20, s17, s23, $0xb8;
	[tilespmem:$0xE2C0] =	vst v63  }
0xdc: {  	_ =	swait.ge [sflag:s30], $0xFA0  }
0xdd: {  	[sflag:s30] =	ssyncset.done $0x0  }
0xde: {  	[sflag:s30] =	ssyncadd.s32 $0xFFFFF060  }
0xdf: {  	[spmem:s1] =	stream.indirect.scatter.add.f32 [tilespmem:s25], [sflag:$0x8], $0x20, s22, s23, $0xb8;
	[tilespmem:$0xE2C0] =	vst v63  }
0xe0: {  	_ =	swait.ge [sflag:s31], $0xFA0  }
0xe1: {  	[sflag:s31] =	ssyncset.done $0x0  }
0xe2: {  	[sflag:s31] =	ssyncadd.s32 $0xFFFFF060  }
0xe3: {  	_ =	swait.ge [sflag:s2], $0xFA0  }
0xe4: {  	[sflag:s2] =	ssyncset.done $0x0  }
0xe5: {  	s16 =	rddreg [dreg:$0xd];
	[sflag:s2] =	ssyncadd.s32 $0xFFFFF060  }
0xe6: {  	[spmem:s1] =	stream.indirect.scatter.add.f32 [tilespmem:s26], [sflag:$0x8], $0x20, s16, s23, $0xb8;
	[tilespmem:$0xE2C0] =	vst v63  }
0xe7: {  	_ =	swait.ge [sflag:s31], $0xFA0  }
0xe8: {  	[sflag:s31] =	ssyncset.done $0x0  }
0xe9: {  	[sflag:s31] =	ssyncadd.s32 $0xFFFFF060  }
0xea: {  	_ =	swait.ge [sflag:s0], $0xFA0  }
0xeb: {  	[sflag:s0] =	ssyncset.done $0x0  }
0xec: {  	s17 =	rddreg [dreg:$0xe];
	[sflag:s0] =	ssyncadd.s32 $0xFFFFF060  }
0xed: {  	[spmem:s1] =	stream.indirect.scatter.add.f32 [tilespmem:s28], [sflag:$0x8], $0x20, s17, s23, $0xb8;
	[tilespmem:$0xE2C0] =	vst v63  }
0xee: {  	_ =	swait.ge [sflag:s31], $0xFA0  }
0xef: {  	[sflag:s31] =	ssyncset.done $0x0  }
0xf0: {  	s14 =	sadd.s32 $0x80, s14;
	[sflag:s31] =	ssyncadd.s32 $0xFFFFF060  }
0xf1: {  	p0 =	sne.s32 s14, $0x500;
	_ =	swait.ge [sflag:s8], $0xFA0  }
.Ltmp0:
0xf2: {  	[sflag:s8] =	ssyncset.done $0x0;
	(pc) =	sbr.rel @p0 .LBB2_2-.Ltmp0, $4  }
0xf3: {  	[sflag:s8] =	ssyncadd.s32 $0xFFFFF060  }
0xf4: {  	[spmem:s1] =	stream.indirect.scatter.add.f32 [tilespmem:s29], [sflag:$0x8], $0x20, s11, s23, $0xb8;
	[tilespmem:$0xE2C0] =	vst v63  }
0xf5: {  	_ =	swait.ge [sflag:s31], $0xFA0  }
0xf6: {  	[sflag:s31] =	ssyncset.done $0x0  }
0xf7: {  	[sflag:s31] =	ssyncadd.s32 $0xFFFFF060  }
0xf8: {  	[bflag:$0x0] =	sbarrier.arrive $0xFFFF  }
0xf9: {  	s14 =	rddreg [dreg:$0xf]  }
0xfa: {  	s14 =	sor.u32 $0x1C08, s14  }
0xfb: {  	[hbm:s24], [sflag:s14] =	dma.local [spmem:s12], $0x9C4  }
0xfc: {  	_ =	swait.ge [sflag:s31], $0x9C4  }
0xfd: {  	s13 =	sadd.s32 $0x1, s13;
	s17 =	rddreg [dreg:$0x11]  }
0xfe: {  	p0 =	sne.s32 s13, s17  }
.Ltmp1:
0xff: {  	_ = 	snop;
	(pc) =	sbr.rel @p0 .LBB2_1-.Ltmp1, $3  }
0x100: {  	_ =	sdelay $0x1  }
0x101: {  	[sflag:s31] =	ssyncset.done $0x0  }
0x102: {  	[sflag:s31] =	ssyncadd.s32 $0xFFFFF63C  }
0x103: {  	_ =	sfence.sel $0x180000  }
0x104: {  	[bflag:$0x0] =	sbarrier.arrive $0xFFFF  }
0x105: {  	_ =	strace $0x9000004D  }
0x106: {  	s0 =	stileid.u32;
	[bflag:$0x2] =	sbarrier.arrive $0xFFFF  }
0x107: {  	p0 =	sne.s32 s0, $0x0;
	s0 =	rddreg [dreg:$0x3]  }
0x108: {  	s0 =	sadd.s32 @!p0 $0x100000, s0  }
0x109: {  	[sflag:s0] =	ssyncadd.tile.s32 @!p0 $0x1;
	_ =	shalt  }
.Lfunc_end2:
_tile_overlayer_lowered:
.L_overlay_start_2:
0x10a: {  	(tag) =	ssettag $0x2  }
0x10b: {  	s0 =	rddreg [dreg:$0x0];
	s2 =	stileid.u32  }
0x10c: {  	s1 =	rddreg [dreg:$0x1];
	p0 =	sne.s32 s2, $0x0  }
0x10d: {  	s3 =	rddreg [dreg:$0x2];
	[bflag:$0x3] =	sbarrier.arrive $0xFFFF;
	s2 =	simm.s32 @!p0 $0x1C08  }
0x10e: {  	[timem:s3], [sflag:s2] =	dma.local @!p0 [hbm:s0], s1  }
0x10f: {  	s0 =	simm.s32 @!p0 $0x8  }
0x110: {  	_ =	swait.ge @!p0 [sflag:s0], s1  }
0x111: {  	s1 =	ssub.s32 @!p0 $0x0, s1;
	[sflag:s0] =	ssyncset.done @!p0 $0x0  }
0x112: {  	[sflag:s0] =	ssyncadd.s32 @!p0 s1  }
0x113: {  	[bflag:$0x3] =	sbarrier.arrive $0xFFFF  }
0x114: {  	_ =	shalt  }

// kernel: kernel.8.cloned.1.call-start
scs
__scs_entry_jumppad:
0x0: {  	(pc) =	sbr.rel $0x88, $3  }
0x1: {  	(tag) =	ssettag $0x0;
	lr =	simm.s32 $0x1  }
0x2: {  	[smem:$0x3F98] =	sst lr;
	_ =	strace $0xD0000000  }
0x3: {  	_ = 	snop  }
0x4: {  	_ = 	snop  }
0x5: {  	_ = 	snop  }
0x6: {  	_ = 	snop  }
0x7: {  	_ = 	snop  }
__scs_overlays_trampoline_lowered:
0x8: {  	[smem:$0x3FA7] =	sst s0  }
0x9: {  	[smem:$0x3FA8] =	sst s1  }
0xa: {  	[smem:$0x3FA9] =	sst s2  }
0xb: {  	[smem:$0x3FAA] =	sst s3  }
0xc: {  	[smem:$0x3FAB] =	sst s4  }
0xd: {  	[smem:$0x3FAC] =	sst s5  }
0xe: {  	[smem:$0x3FAD] =	sst s6  }
0xf: {  	[smem:$0x3FAE] =	sst s7  }
0x10: {  	[smem:$0x3FAF] =	sst s8  }
0x11: {  	[smem:$0x3FB0] =	sst s9;
	s0 =	simm.s32 @!p0 $0x0  }
0x12: {  	s1 =	sld [smem:$0x3F96];
	s0 =	simm.s32 @p0 $0x1  }
0x13: {  	[smem:$0x3FB1] =	sst s0;
	s0 =	simm.s32 @!p1 $0x0  }
0x14: {  	s2 =	sld [smem:$0x3F95];
	s0 =	simm.s32 @p1 $0x1  }
0x15: {  	[smem:$0x3FB2] =	sst s0;
	s0 =	simm.s32 @!p2 $0x0  }
0x16: {  	s3 =	sld [smem:$0x3FDB];
	s0 =	simm.s32 @p2 $0x1  }
0x17: {  	s4 =	simm.s32 $0x1BF5;
	[smem:$0x3FB4] =	sst s0  }
0x18: {  	s0 =	sld [smem:$0x3F97];
	_ =	swait.ge [sflag:s4], $0x0  }
0x19: {  	s7 =	sld [smem:$0x3F98]  }
0x1a: {  	s8 =	sadd.s32 $0xFFFFE003, lr  }
0x1b: {  	s9 =	sadd.s32 $0xFFFFFEF7, lr;
	s5 =	simm.s32 $0xFFFFFFFF;
	p2 =	slt.u32 s8, $0xFFFFF086  }
0x1c: {  	p1 =	slt.u32 s9, $0xF7A;
	s5 =	simm.s32 @!p2 $0x0  }
0x1d: {  	s5 =	simm.s32 @p1 $0x1;
	p0 =	seq.s32 s7, s2  }
0x1e: {  	s7 =	smul.u32 @!p0 $0xF7A, s2;
	p2 =	seq.s32 @!p0 s5, $0x0  }
0x1f: {  	s9 =	smul.u32 $0xF7A, s1;
	s8 =	simm.s32 @!p0 $0x1BF5;
	p2 =	por !p2, p0  }
0x20: {  	[sflag:s8] =	ssyncset.s32 @!p0 $0xFFFFF086;
	s6 =	sadd.s32 @!p0 s3, s7;
	s7 =	simm.s32 @!p0 $0x108  }
0x21: {  	s3 =	sadd.s32 s3, s9;
	s6 =	sadd.s32 @!p0 $0x88, s6;
	s7 =	simm.s32 @p2 $0x1082  }
0x22: {  	[simem:s7], [sflag:s8] =	dma.local @!p0 [hbm:s6], $0xF7A  }
0x23: {  	s9 =	sor.u32 $0xD0000000, s2;
	s6 =	simm.s32 $0x108;
	_ =	swait.ge @!p0 [sflag:s8], $0x0  }
0x24: {  	s3 =	sadd.s32 $0x88, s3;
	s6 =	simm.s32 @!p1 $0x1082;
	[sflag:s4] =	ssyncset.s32 $0xFFFFF086  }
0x25: {  	[simem:s6], [sflag:s4] =	dma.local [hbm:s3], $0xF7A  }
0x26: {  	[smem:$0x3F98] =	sst s1;
	(tag) =	ssettag s2;
	_ =	strace s9  }
0x27: {  	s1 =	sld [smem:$0x3FA8]  }
0x28: {  	s2 =	sld [smem:$0x3FA9]  }
0x29: {  	s4 =	sld [smem:$0x3FAB]  }
0x2a: {  	p0 =	seq.s32 s5, $0x0;
	s5 =	sld [smem:$0x3FAC]  }
0x2b: {  	s6 =	sld [smem:$0x3FAD]  }
0x2c: {  	s7 =	sld [smem:$0x3FAE]  }
0x2d: {  	s3 =	simm.s32 $0x108;
	s8 =	sld [smem:$0x3FAF]  }
0x2e: {  	s3 =	simm.s32 @!p0 $0x1082;
	s9 =	sld [smem:$0x3FB0]  }
0x2f: {  	lr =	sadd.s32 s0, s3;
	s0 =	sld [smem:$0x3FA7]  }
0x30: {  	s3 =	sld [smem:$0x3FAA]  }
0x31: {  	[smem:$0x3FB3] =	sst s10  }
0x32: {  	s10 =	sld [smem:$0x3FB1];
	_ =	sdelay $0x3  }
0x33: {  	p0 =	seq.s32 s10, $0x1;
	s10 =	sld [smem:$0x3FB3];
	_ =	sdelay $0x3  }
0x34: {  	[smem:$0x3FB3] =	sst s10  }
0x35: {  	s10 =	sld [smem:$0x3FB2];
	_ =	sdelay $0x3  }
0x36: {  	p1 =	seq.s32 s10, $0x1;
	s10 =	sld [smem:$0x3FB3];
	_ =	sdelay $0x3  }
0x37: {  	[smem:$0x3FB3] =	sst s10  }
0x38: {  	s10 =	sld [smem:$0x3FB4]  }
0x39: {  	_ = 	snop;
	(pc) =	sbr.ind lr, $3  }
0x3a: {  	_ = 	snop  }
0x3b: {  	_ = 	snop  }
0x3c: {  	p2 =	seq.s32 s10, $0x1;
	s10 =	sld [smem:$0x3FB3]  }
0x3d: {  	_ =	shalt  }
0x3e: {  	_ =	shalt  }
0x3f: {  	_ =	shalt  }
0x40: {  	_ =	shalt  }
0x41: {  	_ =	shalt  }
0x42: {  	_ =	shalt  }
0x43: {  	_ =	shalt  }
0x44: {  	_ =	shalt  }
0x45: {  	_ =	shalt  }
0x46: {  	_ =	shalt  }
0x47: {  	_ =	shalt  }
0x48: {  	_ =	shalt  }
0x49: {  	_ =	shalt  }
0x4a: {  	_ =	shalt  }
0x4b: {  	_ =	shalt  }
0x4c: {  	_ =	shalt  }
0x4d: {  	_ =	shalt  }
0x4e: {  	_ =	shalt  }
0x4f: {  	_ =	shalt  }
0x50: {  	_ =	shalt  }
0x51: {  	_ =	shalt  }
0x52: {  	_ =	shalt  }
0x53: {  	_ =	shalt  }
0x54: {  	_ =	shalt  }
0x55: {  	_ =	shalt  }
0x56: {  	_ =	shalt  }
0x57: {  	_ =	shalt  }
0x58: {  	_ =	shalt  }
0x59: {  	_ =	shalt  }
0x5a: {  	_ =	shalt  }
0x5b: {  	_ =	shalt  }
0x5c: {  	_ =	shalt  }
0x5d: {  	_ =	shalt  }
0x5e: {  	_ =	shalt  }
0x5f: {  	_ =	shalt  }
0x60: {  	_ =	shalt  }
0x61: {  	_ =	shalt  }
0x62: {  	_ =	shalt  }
0x63: {  	_ =	shalt  }
0x64: {  	_ =	shalt  }
0x65: {  	_ =	shalt  }
0x66: {  	_ =	shalt  }
0x67: {  	_ =	shalt  }
0x68: {  	_ =	shalt  }
0x69: {  	_ =	shalt  }
0x6a: {  	_ =	shalt  }
0x6b: {  	_ =	shalt  }
0x6c: {  	_ =	shalt  }
0x6d: {  	_ =	shalt  }
0x6e: {  	_ =	shalt  }
0x6f: {  	_ =	shalt  }
0x70: {  	_ =	shalt  }
0x71: {  	_ =	shalt  }
0x72: {  	_ =	shalt  }
0x73: {  	_ =	shalt  }
0x74: {  	_ =	shalt  }
0x75: {  	_ =	shalt  }
0x76: {  	_ =	shalt  }
0x77: {  	_ =	shalt  }
0x78: {  	_ =	shalt  }
0x79: {  	_ =	shalt  }
0x7a: {  	_ =	shalt  }
0x7b: {  	_ =	shalt  }
0x7c: {  	_ =	shalt  }
0x7d: {  	_ =	shalt  }
0x7e: {  	_ =	shalt  }
0x7f: {  	_ =	shalt  }
0x80: {  	_ =	shalt  }
0x81: {  	_ =	shalt  }
0x82: {  	_ =	shalt  }
0x83: {  	_ =	shalt  }
0x84: {  	_ =	shalt  }
0x85: {  	_ =	shalt  }
0x86: {  	_ =	shalt  }
0x87: {  	_ =	shalt  }
.Lfunc_end0:
.L_simem_size_0:
called_computation_lowered:
.L_overlay_start_0:
0x88: {  	s2 =	sld [smem:$0x3FD9]  }
0x89: {  	s3 =	sld [smem:$0x3FFE];
	_ =	sdelay $0x1  }
0x8a: {  	s1 =	srdreg.scid  }
0x8b: {  	s0 =	sand.u32 $0x1, s1  }
0x8c: {  	s16 =	sshll.u32 s0, $0xA;
	s2 =	sadd.s32 s3, s2  }
0x8d: {  	s2 =	sadd.s32 s2, s16  }
0x8e: {  	[smem:$0x3FBF] =	sst s2  }
0x8f: {  	_ = 	snop  }
0x90: {  	(tm) =	ssettm $0x1  }
0x91: {  	s17 =	sld [smem:$0x3FFB];
	_ =	sdelay $0x3  }
0x92: {  	_ =	strace s17  }
0x93: {  	s2 =	sld [smem:$0x3FFC];
	_ =	sdelay $0x3  }
0x94: {  	_ =	strace s2  }
0x95: {  	s2 =	sld [smem:$0x3FFD];
	_ =	sdelay $0x3  }
0x96: {  	_ =	strace s2  }
0x97: {  	_ =	strace $0x8FFFFFFF  }
0x98: {  	s18 =	sld [smem:$0x3FDB];
	_ =	sdelay $0x1  }
0x99: {  	s19 =	simm.s32 $_scs_section_size  }
0x9a: {  	s4 =	simm.s32 $_size__tile_overlayer_lowered;
	s5 =	simm.s32 $_tile_overlayer_lowered  }
0x9b: {  	s22 =	simm.s32 $0x1BFF;
	s21 =	sshll.u32 s5, $0x1;
	s2 =	sadd.s32 s19, s18  }
0x9c: {  	s6 =	simm.s32 $0x0;
	s20 =	sshll.u32 s4, $0x1;
	s4 =	sadd.s32 s21, s2  }
0x9d: {  	[timem:s6], [sflag:s22] =	dma.local [hbm:s4], s20  }
0x9e: {  	_ =	swait.ge [sflag:s22], s20  }
0x9f: {  	s3 =	ssub.s32 $0x0, s20;
	[sflag:s22] =	ssyncset.done $0x0  }
0xa0: {  	[sflag:s22] =	ssyncadd.s32 s3;
	_ =	sdelay $0x1  }
0xa1: {  	s23 =	simm.s32 $0x1B8B  }
0xa2: {  	_ =	swait.ge [sflag:s23], $0x1  }
0xa3: {  	[sflag:s23] =	ssyncset.done $0x0  }
0xa4: {  	s25 =	simm.s32 $0x1B8E;
	s24 =	sld [smem:$0x3FFE];
	[sflag:s23] =	ssyncadd.s32 $0xFFFFFFFF  }
0xa5: {  	s26 =	simm.s32 $execute0_lowered;
	[smem:$0x3FD2] =	sst s25  }
0xa6: {  	s4 =	sshll.u32 s26, $0x1;
	_ =	strace $0x80000046;
	[dreg:$0x1] =	wrdreg $0xFFFFFFFF  }
0xa7: {  	s28 =	simm.s32 $_size_execute0_lowered;
	s2 =	sadd.s32 s2, s4;
	[dreg:$0x0] =	wrdreg $0x0  }
0xa8: {  	s4 =	sshll.u32 s28, $0x1;
	[dreg:$0x2] =	wrdreg s2  }
0xa9: {  	[dreg:$0x3] =	wrdreg s4  }
0xaa: {  	[dreg:$0x4] =	wrdreg $0xC0  }
0xab: {  	_ =	task [dreg:s6], $0x5FFFF  }
0xac: {  	[dreg:$0x1] =	wrdreg $0xFFFFFFFF  }
0xad: {  	[dreg:$0x0] =	wrdreg $0x60  }
0xae: {  	[dreg:$0x2] =	wrdreg s24  }
0xaf: {  	[dreg:$0x3] =	wrdreg $0x9  }
0xb0: {  	_ =	task.clear_ibuf [dreg:s6], $0x4FFFF;
	_ =	strace $0x90000046  }
0xb1: {  	s29 =	simm.s32 $0x9;
	_ =	strace $0x80000048  }
0xb2: {  	_ =	swait.ge [sflag:s29], $0x1  }
0xb3: {  	[sflag:s29] =	ssyncadd.s32 $0xFFFFFFFF  }
0xb4: {  	_ =	strace $0x90000048  }
0xb5: {  	_ =	sfence  }
0xb6: {  	s30 =	sld [smem:$0x0];
	_ =	sdelay $0x2  }
0xb7: {  	s31 =	sshll.u32 s1, $0xD;
	s1 =	sshrl.u32 s1, $0x2  }
0xb8: {  	s3 =	sand.u32 $0x4000, s31;
	s1 =	sadd.s32 s1, s30  }
0xb9: {  	s0 =	sor.u32 s3, s0;
	s1 =	sshll.u32 s1, $0x11  }
0xba: {  	s0 =	sor.u32 s1, s0  }
0xbb: {  	s0 =	sadd.s32 $0x8F2B, s0  }
0xbc: {  	[sflag:s0] =	ssyncadd.remote.s32 $0x1  }
0xbd: {  	_ =	sfence.sel $0xFFFF  }
0xbe: {  	[dreg:$0x0] =	wrdreg $0xFFFFFFFF;
	(pc) =	sbr.abs _section_cstart, $3  }
0xbf: {  	[dreg:$0x1] =	wrdreg $0xFFFFFFFF  }
0xc0: {  	_ =	task.clear_ibuf [dreg:s6], $0x2FFFF;
	_ =	strace $0x9FFFFFFF  }
0xc1: {  	(tm) =	ssettm $0x7FFFFFFF  }
tec
execute0_lowered:
.L_overlay_start_1:
0x0: {  	(tag) =	ssettag $0x1  }
0x1: {  	s1 =	srdreg.scid  }
0x2: {  	s0 =	stileid.u32;
	s4 =	rddreg [dreg:$0x0];
	s2 =	simm.s32 $0x0  }
0x3: {  	s6 =	simm.s32 $0x2710;
	s3 =	sand.u32 $0x1, s1;
	s30 =	sshll.u32 s0, $0x1  }
0x4: {  	s7 =	simm.s32 $0x1;
	s8 =	simm.s32 $0x2;
	s1 =	sor.u32 s3, s30  }
0x5: {  	[smem:$0x7FF] =	sst s2;
	s3 =	ssub.s32 $0x2, s3;
	s5 =	smul.u32 $0x4E2, s1  }
0x6: {  	s9 =	simm.s32 $0x0;
	s1 =	rddreg [dreg:$0x1];
	s31 =	sshrl.u32 s3, $0x1  }
0x7: {  	_ =	strace $0x80000047;
	s4 =	sadd.s32 s5, s4;
	s5 =	ssub.s32 s3, s31  }
0x8: {  	v0 =	vimm.f32 $0.0e+00;
	v1 =	vimm.f32 $1.000000000e+00;
	s3 =	sadd.s32 $0x1E00, s4;
	s4 =	sadd.s32 $0xBC00, s4;
	s5 =	smax.u32 s5, $0x1  }
.LBB2_1:
0x9: {  	[tilespmem:s6], [sflag:$0x1] =	stream.linear.gather [hbm4b:s3+s2], $0x2710, $0x38;
	[tilespmem:$0x4E20] =	vst v63  }
0xa: {  	s10 =	simm.s32 $0x40;
	s11 =	simm.s32 $0x0  }
.LBB2_2:
0xb: {  	p0 =	sne.s32 s10, $0x9C00;
	[tilespmem:s11+$0x0] =	vst v0;
	s11 =	smov.u32 s10;
	s10 =	sadd.s32 $0x40, s10  }
.Ltmp0:
0xc: {  	(pc) =	sbr.rel @p0 .LBB2_2-.Ltmp0, $2  }
0xd: {  	_ =	sdelay $0x2  }
0xe: {  	s11 =	sshra.s32 s11, $0x2  }
0xf: {  	[tilespmem:s11+$0x0] =	vst v0  }
0x10: {  	_ =	swait.ge [sflag:s7], $0x2710  }
0x11: {  	[sflag:s7] =	ssyncset.done $0x0  }
0x12: {  	s11 =	simm.s32 $0x0;
	s10 =	simm.s32 $0x40;
	[sflag:s7] =	ssyncadd.s32 $0xFFFFD8F0  }
.LBB2_4:
0x13: {  	p0 =	sne.s32 s10, $0x9C00;
	v2 =	vld [tilespmem:s11+$0x2710];
	_ =	sdelay $0x3  }
.Ltmp1:
0x14: {  	(pc) =	sbr.rel @p0 .LBB2_4-.Ltmp1, $2  }
0x15: {  	_ =	sdelay $0x2  }
0x16: {  	s11 =	sshra.s32 s10, $0x2;
	s10 =	sadd.s32 $0x40, s10;
	[tilespmem:v2+s2+$0x0] =	vst.idx.add.f32.msk $0xffff, v1  }
0x17: {  	v2 =	vld [tilespmem:s11+$0x2710];
	_ =	sdelay $0x5  }
0x18: {  	s9 =	sadd.s32 $0x1, s9  }
0x19: {  	p0 =	sne.s32 s9, s5  }
.Ltmp2:
0x1a: {  	[tilespmem:v2+s2+$0x0] =	vst.idx.add.f32.msk $0xffff, v1;
	(pc) =	sbr.rel @p0 .LBB2_1-.Ltmp2, $4  }
0x1b: {  	[hbm4b:s4+s2] =	stream.linear.scatter [tilespmem:s2], [sflag:$0x2], $0x2710, $0x38;
	[tilespmem:$0x4E20] =	vst v63  }
0x1c: {  	_ =	swait.ge [sflag:s8], $0x2710  }
0x1d: {  	[sflag:s8] =	ssyncset.done $0x0  }
0x1e: {  	[sflag:s8] =	ssyncadd.s32 $0xFFFFD8F0  }
0x1f: {  	_ =	sfence.sel $0x180000  }
0x20: {  	[bflag:$0x0] =	sbarrier.arrive $0xFFFF  }
0x21: {  	p0 =	sne.s32 s0, $0x0;
	_ =	strace $0x90000047  }
0x22: {  	s0 =	sadd.s32 @!p0 $0x100000, s1;
	[bflag:$0x2] =	sbarrier.arrive $0xFFFF  }
0x23: {  	[sflag:s0] =	ssyncadd.tile.s32 @!p0 $0x1;
	_ =	shalt  }
.Lfunc_end2:
_tile_overlayer_lowered:
.L_overlay_start_2:
0x24: {  	(tag) =	ssettag $0x2  }
0x25: {  	s0 =	rddreg [dreg:$0x0];
	s2 =	stileid.u32  }
0x26: {  	s1 =	rddreg [dreg:$0x1];
	p0 =	sne.s32 s2, $0x0  }
0x27: {  	s3 =	rddreg [dreg:$0x2];
	[bflag:$0x3] =	sbarrier.arrive $0xFFFF;
	s2 =	simm.s32 @!p0 $0x1C02  }
0x28: {  	[timem:s3], [sflag:s2] =	dma.local @!p0 [hbm:s0], s1  }
0x29: {  	s0 =	simm.s32 @!p0 $0x2  }
0x2a: {  	_ =	swait.ge @!p0 [sflag:s0], s1  }
0x2b: {  	s1 =	ssub.s32 @!p0 $0x0, s1;
	[sflag:s0] =	ssyncset.done @!p0 $0x0  }
0x2c: {  	[sflag:s0] =	ssyncadd.s32 @!p0 s1  }
0x2d: {  	[bflag:$0x3] =	sbarrier.arrive $0xFFFF  }
0x2e: {  	_ =	shalt  }

</sc_bundles>
